<compile_context>
chip_gen: v7x
topology: tpu7x:2x2x1
jax: 0.10.2.dev20260603
libtpu: 0.0.44.dev20260713+nightly
codegen_flags: <defaults>
</compile_context>

<pallas_src>
import functools

import jax
import jax.numpy as jnp
from jax import lax
from jax.experimental import pallas as pl
from jax.experimental.pallas import tpu as pltpu
from jax.experimental.pallas import tpu_sc as plsc

N_NODES = 10000
N_EDGES = 320000
D = 128

NC = 2
NS = 16
NW = NC * NS
NP = 10240
ROWS_PER_TILE = NP // NS
CH = 128
TPW = 80
EP = NW * TPW * CH
PAD_NODE = NP - 1
NB = 2

_mesh = plsc.VectorSubcoreMesh(core_axis_name="c", subcore_axis_name="s")


@functools.partial(
    pl.kernel,
    out_type=jax.ShapeDtypeStruct((NC, NP), jnp.float32),
    mesh=_mesh,
    scratch_types=[
        pltpu.VMEM((TPW, CH), jnp.int32),
        pltpu.VMEM((CH,), jnp.float32),
        pltpu.VMEM((ROWS_PER_TILE,), jnp.float32),
        pltpu.VMEM_SHARED((NP,), jnp.float32),
    ],
)
def _deg_kernel(dst_hbm, degp_hbm, idx_v, ones_v, zeros_v, acc_sh):
    c = lax.axis_index("c")
    s = lax.axis_index("s")
    wid = c * NS + s

    pltpu.sync_copy(dst_hbm.at[wid], idx_v)

    one16 = jnp.ones((16,), jnp.float32)
    z16 = jnp.zeros((16,), jnp.float32)

    def fill_ones(i, _):
        ones_v[pl.ds(i * 16, 16)] = one16
        return 0

    def fill_zeros(i, _):
        zeros_v[pl.ds(i * 16, 16)] = z16
        return 0

    lax.fori_loop(0, CH // 16, fill_ones, 0)
    lax.fori_loop(0, ROWS_PER_TILE // 16, fill_zeros, 0)

    pltpu.sync_copy(zeros_v, acc_sh.at[pl.ds(s * ROWS_PER_TILE, ROWS_PER_TILE)])
    plsc.subcore_barrier()

    def scat(t, _):
        pltpu.sync_copy(ones_v, acc_sh.at[idx_v.at[t]], add=True)
        return 0

    lax.fori_loop(0, TPW, scat, 0)
    plsc.subcore_barrier()

    pltpu.sync_copy(
        acc_sh.at[pl.ds(s * ROWS_PER_TILE, ROWS_PER_TILE)],
        degp_hbm.at[c, pl.ds(s * ROWS_PER_TILE, ROWS_PER_TILE)])


NSLOT = 4


@functools.partial(
    pl.kernel,
    out_type=jax.ShapeDtypeStruct((NC, NP, D), jnp.float32),
    mesh=_mesh,
    scratch_types=[
        pltpu.VMEM((NSLOT, CH), jnp.int32),
        pltpu.VMEM((TPW, CH), jnp.int32),
        pltpu.VMEM((NB, CH, D), jnp.float32),
        pltpu.VMEM_SHARED((NP, D), jnp.float32),
        pltpu.SemaphoreType.DMA,
        pltpu.SemaphoreType.DMA,
        pltpu.SemaphoreType.DMA,
        pltpu.SemaphoreType.DMA,
        pltpu.SemaphoreType.DMA,
        pltpu.SemaphoreType.DMA,
    ],
)
def _hop_kernel(g_hbm, src_hbm, dst_hbm, acc_hbm,
                sring_v, didx_v, rows_v, acc_sh,
                is0, is1, is2, is3, gs0, gs1):
    c = lax.axis_index("c")
    s = lax.axis_index("s")
    wid = c * NS + s
    isems = [is0, is1, is2, is3]
    gsems = [gs0, gs1]

    pltpu.sync_copy(dst_hbm.at[wid], didx_v)
    for q in range(NSLOT):
        pltpu.async_copy(src_hbm.at[wid, q], sring_v.at[q], isems[q])

    pltpu.sync_copy(
        g_hbm.at[pl.ds(s * ROWS_PER_TILE, ROWS_PER_TILE)],
        acc_sh.at[pl.ds(s * ROWS_PER_TILE, ROWS_PER_TILE)])

    for b in range(NB):
        pltpu.make_async_copy(src_hbm.at[wid, b], sring_v.at[b],
                              isems[b]).wait()
        pltpu.async_copy(g_hbm.at[sring_v.at[b]], rows_v.at[b], gsems[b])

    plsc.subcore_barrier()

    def outer(t0, _):
        for q in range(NSLOT):
            t = t0 * NSLOT + q
            b = q % NB
            pltpu.make_async_copy(
                g_hbm.at[sring_v.at[q]], rows_v.at[b], gsems[b]).wait()
            pltpu.sync_copy(rows_v.at[b], acc_sh.at[didx_v.at[t]], add=True)

            @pl.when(t + NSLOT < TPW)
            def _():
                pltpu.async_copy(
                    src_hbm.at[wid, t + NSLOT], sring_v.at[q], isems[q])

            @pl.when(t + NB < TPW)
            def _():
                pltpu.make_async_copy(
                    src_hbm.at[wid, t + NB], sring_v.at[(q + NB) % NSLOT],
                    isems[(q + NB) % NSLOT]).wait()
                pltpu.async_copy(
                    g_hbm.at[sring_v.at[(q + NB) % NSLOT]], rows_v.at[b],
                    gsems[b])
        return 0

    lax.fori_loop(0, TPW // NSLOT, outer, 0)
    plsc.subcore_barrier()

    pltpu.sync_copy(
        acc_sh.at[pl.ds(s * ROWS_PER_TILE, ROWS_PER_TILE)],
        acc_hbm.at[c, pl.ds(s * ROWS_PER_TILE, ROWS_PER_TILE)])


def _prep_body(degp_ref, x_ref, g0_ref, dinv_ref, dinv2_ref):
    deg = degp_ref[0] + degp_ref[1] + 1.0
    di = lax.rsqrt(deg)
    dinv_ref[...] = di
    dinv2_ref[...] = di * di
    g0_ref[...] = x_ref[...] * di


def _tc_prep(degp, x_pad):
    return pl.pallas_call(
        _prep_body,
        out_shape=(
            jax.ShapeDtypeStruct((NP, D), jnp.float32),
            jax.ShapeDtypeStruct((NP, 1), jnp.float32),
            jax.ShapeDtypeStruct((NP, 1), jnp.float32),
        ),
    )(degp, x_pad)


_BR = 2048


def _combine_body(acc_ref, g_ref, s_ref, out_ref):
    out_ref[...] = s_ref[...] * (acc_ref[0] + acc_ref[1] - g_ref[...])


def _tc_combine(acc, g, scale):
    grid = NP // _BR
    return pl.pallas_call(
        _combine_body,
        grid=(grid,),
        in_specs=[
            pl.BlockSpec((2, _BR, D), lambda i: (0, i, 0)),
            pl.BlockSpec((_BR, D), lambda i: (i, 0)),
            pl.BlockSpec((_BR, 1), lambda i: (i, 0)),
        ],
        out_specs=pl.BlockSpec((_BR, D), lambda i: (i, 0)),
        out_shape=jax.ShapeDtypeStruct((NP, D), jnp.float32),
    )(acc, g, scale)


def _final_body(acc_ref, g_ref, s_ref, w_ref, b_ref, out_ref):
    h = s_ref[...] * (acc_ref[0] + acc_ref[1] - g_ref[...])
    out_ref[...] = lax.dot_general(
        h, w_ref[...], (((1,), (1,)), ((), ())),
        preferred_element_type=jnp.float32) + b_ref[...]


def _tc_final(acc, g, scale, W, b2):
    grid = NP // _BR
    return pl.pallas_call(
        _final_body,
        grid=(grid,),
        in_specs=[
            pl.BlockSpec((2, _BR, D), lambda i: (0, i, 0)),
            pl.BlockSpec((_BR, D), lambda i: (i, 0)),
            pl.BlockSpec((_BR, 1), lambda i: (i, 0)),
            pl.BlockSpec((D, D), lambda i: (0, 0)),
            pl.BlockSpec((1, D), lambda i: (0, 0)),
        ],
        out_specs=pl.BlockSpec((_BR, D), lambda i: (i, 0)),
        out_shape=jax.ShapeDtypeStruct((NP, D), jnp.float32),
    )(acc, g, scale, W, b2)


def kernel(x, edge_index, W, b):
    src = edge_index[0].astype(jnp.int32)
    dst = edge_index[1].astype(jnp.int32)
    pad = N_NODES + (jnp.arange(EP - N_EDGES, dtype=jnp.int32)
                     % (NP - N_NODES))
    src_p = jnp.concatenate([src, pad]).reshape(NW, TPW, CH)
    dst_p = jnp.concatenate([dst, pad]).reshape(NW, TPW, CH)
    x_pad = jnp.pad(x, ((0, NP - N_NODES), (0, 0)))
    b2 = b.reshape(1, D)

    degp = _deg_kernel(dst_p).reshape(NC, NP, 1)
    g0, dinv, dinv2 = _tc_prep(degp, x_pad)
    acc1 = _hop_kernel(g0, src_p, dst_p)
    g1 = _tc_combine(acc1, g0, dinv2)
    acc2 = _hop_kernel(g1, src_p, dst_p)
    out = _tc_final(acc2, g1, dinv, W, b2)
    return out[:N_NODES]

# --- scband reference (transcript-rebuilt; emitter-appended) ---
"""Pipeline reference for scband-sgc-66314295050617 (READ-ONLY COPY).

The authoritative reference and input builder live on the scoring server;
editing this copy changes nothing except your own understanding.
"""

import jax, jax.numpy as jnp
import numpy as np

N_NODES = 10000
N_EDGES = 320000
D_IN = 128
D_OUT = 128
K_HOPS = 2

def setup_inputs(seed: int = 0) -> dict:
    key = jax.random.key(seed)
    k1, k2, k3, k4 = jax.random.split(key, 4)
    x = jax.random.normal(k1, (N_NODES, D_IN), dtype=jnp.float32)
    edge_index = jax.random.randint(k2, (2, N_EDGES), 0, N_NODES, dtype=jnp.int64)
    # SGConv linear layer parameters (PyG Linear: y = x @ W.T + b)
    lim = 1.0 / np.sqrt(D_IN)
    W = jax.random.uniform(k3, (D_OUT, D_IN), minval=-lim, maxval=lim, dtype=jnp.float32)
    b = jax.random.uniform(k4, (D_OUT,), minval=-lim, maxval=lim, dtype=jnp.float32)
    return {"x": x, "edge_index": edge_index, "W": W, "b": b}

def reference(x, edge_index, W, b):
    # SGConv forward: x' = (D^-1/2 (A + I) D^-1/2)^K x, then linear.
    N = x.shape[0]
    src = edge_index[0]
    dst = edge_index[1]
    loop = jnp.arange(N, dtype=edge_index.dtype)
    src = jnp.concatenate([src, loop])
    dst = jnp.concatenate([dst, loop])
    ew = jnp.ones(src.shape[0], dtype=x.dtype)
    deg = jax.ops.segment_sum(ew, dst, num_segments=N)
    deg_inv_sqrt = jnp.where(deg > 0, 1.0 / jnp.sqrt(deg), 0.0)
    norm = deg_inv_sqrt[src] * ew * deg_inv_sqrt[dst]
    h = x
    for _ in range(K_HOPS):
        msg = h[src] * norm[:, None]
        h = jax.ops.segment_sum(msg, dst, num_segments=N)
    out = h @ W.T + b
    return out

if __name__ == "__main__":
    import jax
    _d = setup_inputs()
    print(jax.jit(kernel)(*tuple(_d.values())))

</pallas_src>

<mosaic_0001>
#map = affine_map<(d0, d1) -> (0, 0, 0)>
#map1 = affine_map<(d0, d1) -> (0, 0)>
module attributes {stable_mosaic.version = 14 : i64} {
  func.func @_deg_kernel(%arg0: i32, %arg1: i32, %arg2: memref<32x80x128xi32, #tpu.memory_space<hbm>>, %arg3: memref<2x10240xf32, #tpu.memory_space<hbm>>, %arg4: memref<80x128xi32, #tpu.memory_space<vmem>>, %arg5: memref<128xf32, #tpu.memory_space<vmem>>, %arg6: memref<640xf32, #tpu.memory_space<vmem>>, %arg7: memref<10240xf32, #tpu.memory_space<vmem_shared>>) attributes {dimension_semantics = [#tpu.dimension_semantics<core_parallel>, #tpu.dimension_semantics<subcore_parallel>], iteration_bounds = array<i64: 2, 16>, scalar_prefetch = 0 : i64, scratch_operands = 4 : i64, tpu.core_type = #tpu.core_type<sc_vector_subcore>, window_params = [{transform_indices = #map}, {transform_indices = #map1}]} {
    %mul3A = arith.constant 16 : i32
    %mul3A_0 = arith.muli %arg0, %mul3A : i32
    %add3A = arith.addi %mul3A_0, %arg1 : i32
    "tpu.region"() ({
      %run_scoped3A = tpu.sem_alloc : memref<!tpu.dma_semaphore, #tpu.memory_space<semaphore_mem>>
      %dma_start3A = arith.constant 0 : i32
      %dma_start3A_31 = arith.constant 0 : i32
      %dma_start3A_32 = tpu.memref_slice %arg2[%add3A, %dma_start3A, %dma_start3A_31] : memref<32x80x128xi32, #tpu.memory_space<hbm>> -> memref<1x80x128xi32, #tpu.memory_space<hbm>>
      %dma_start3A_33 = tpu.memref_squeeze %dma_start3A_32 : memref<1x80x128xi32, #tpu.memory_space<hbm>> -> memref<80x128xi32, #tpu.memory_space<hbm>>
      %dma_start3A_34 = arith.constant 0 : i32
      %dma_start3A_35 = arith.constant 0 : i32
      %dma_start3A_36 = tpu.memref_slice %arg2[%add3A, %dma_start3A_34, %dma_start3A_35] : memref<32x80x128xi32, #tpu.memory_space<hbm>> -> memref<1x80x128xi32, #tpu.memory_space<hbm>>
      %dma_start3A_37 = tpu.memref_squeeze %dma_start3A_36 : memref<1x80x128xi32, #tpu.memory_space<hbm>> -> memref<80x128xi32, #tpu.memory_space<hbm>>
      tpu.enqueue_dma source(%dma_start3A_37 : memref<80x128xi32, #tpu.memory_space<hbm>>) target(%arg4 : memref<80x128xi32, #tpu.memory_space<vmem>>) target_semaphore(%run_scoped3A : memref<!tpu.dma_semaphore, #tpu.memory_space<semaphore_mem>>)
      %dma_wait3A = arith.constant 0 : i32
      %dma_wait3A_38 = arith.constant 0 : i32
      %dma_wait3A_39 = tpu.memref_slice %arg2[%add3A, %dma_wait3A, %dma_wait3A_38] : memref<32x80x128xi32, #tpu.memory_space<hbm>> -> memref<1x80x128xi32, #tpu.memory_space<hbm>>
      %dma_wait3A_40 = tpu.memref_squeeze %dma_wait3A_39 : memref<1x80x128xi32, #tpu.memory_space<hbm>> -> memref<80x128xi32, #tpu.memory_space<hbm>>
      %dma_wait3A_41 = arith.constant 0 : i32
      %dma_wait3A_42 = arith.constant 0 : i32
      %dma_wait3A_43 = tpu.memref_slice %arg2[%add3A, %dma_wait3A_41, %dma_wait3A_42] : memref<32x80x128xi32, #tpu.memory_space<hbm>> -> memref<1x80x128xi32, #tpu.memory_space<hbm>>
      %dma_wait3A_44 = tpu.memref_squeeze %dma_wait3A_43 : memref<1x80x128xi32, #tpu.memory_space<hbm>> -> memref<80x128xi32, #tpu.memory_space<hbm>>
      tpu.wait_dma2 semaphore(%run_scoped3A : memref<!tpu.dma_semaphore, #tpu.memory_space<semaphore_mem>>) src(%dma_wait3A_44 : memref<80x128xi32, #tpu.memory_space<hbm>>) dst(%arg4 : memref<80x128xi32, #tpu.memory_space<vmem>>)
      tpu.yield
    }) : () -> ()
    %broadcast_in_dim3A = arith.constant 1.000000e+00 : f32
    %broadcast_in_dim3A_1 = vector.broadcast %broadcast_in_dim3A : f32 to vector<16xf32>
    %broadcast_in_dim3A_2 = arith.constant 0.000000e+00 : f32
    %broadcast_in_dim3A_3 = vector.broadcast %broadcast_in_dim3A_2 : f32 to vector<16xf32>
    %scan3A = arith.constant 0 : i32
    %scan3A_4 = arith.constant 0 : i32
    %scan3A_5 = arith.constant 8 : i32
    %scan3A_6 = arith.addi %scan3A_4, %scan3A_5 : i32
    %scan3A_7 = arith.constant 1 : i32
    %scan3A_8 = scf.for %scan3A_31 = %scan3A_4 to %scan3A_6 step %scan3A_7 iter_args(%scan3A_32 = %scan3A) -> (i32)  : i32 {
      %mul3A_33 = arith.constant 16 : i32
      %mul3A_34 = arith.muli %scan3A_31, %mul3A_33 : i32
      %swap3A = arith.index_cast %mul3A_34 : i32 to index
      %swap3A_35 = tpu.vector_load %arg5[%swap3A] {strides = array<i32>} : memref<128xf32, #tpu.memory_space<vmem>>, vector<16xf32>,
      %swap3A_36 = vector.shape_cast %swap3A_35 : vector<16xf32> to vector<16xf32>
      %swap3A_37 = vector.shape_cast %broadcast_in_dim3A_1 : vector<16xf32> to vector<16xf32>
      tpu.vector_store %arg5[%swap3A], %swap3A_37 {strides = array<i32>} : memref<128xf32, #tpu.memory_space<vmem>>, vector<16xf32>,
      %scan3A_38 = arith.constant 0 : i32
      scf.yield %scan3A_38 : i32
    }
    %scan3A_9 = arith.constant 8 : i32
    %scan3A_10 = arith.constant 0 : i32
    %scan3A_11 = arith.constant 0 : i32
    %scan3A_12 = arith.constant 40 : i32
    %scan3A_13 = arith.addi %scan3A_11, %scan3A_12 : i32
    %scan3A_14 = arith.constant 1 : i32
    %scan3A_15 = scf.for %scan3A_31 = %scan3A_11 to %scan3A_13 step %scan3A_14 iter_args(%scan3A_32 = %scan3A_10) -> (i32)  : i32 {
      %mul3A_33 = arith.constant 16 : i32
      %mul3A_34 = arith.muli %scan3A_31, %mul3A_33 : i32
      %swap3A = arith.index_cast %mul3A_34 : i32 to index
      %swap3A_35 = tpu.vector_load %arg6[%swap3A] {strides = array<i32>} : memref<640xf32, #tpu.memory_space<vmem>>, vector<16xf32>,
      %swap3A_36 = vector.shape_cast %swap3A_35 : vector<16xf32> to vector<16xf32>
      %swap3A_37 = vector.shape_cast %broadcast_in_dim3A_3 : vector<16xf32> to vector<16xf32>
      tpu.vector_store %arg6[%swap3A], %swap3A_37 {strides = array<i32>} : memref<640xf32, #tpu.memory_space<vmem>>, vector<16xf32>,
      %scan3A_38 = arith.constant 0 : i32
      scf.yield %scan3A_38 : i32
    }
    %scan3A_16 = arith.constant 40 : i32
    %mul3A_17 = arith.constant 640 : i32
    %mul3A_18 = arith.muli %arg1, %mul3A_17 : i32
    "tpu.region"() ({
      %run_scoped3A = tpu.sem_alloc : memref<!tpu.dma_semaphore, #tpu.memory_space<semaphore_mem>>
      %dma_start3A = tpu.memref_slice %arg7[%mul3A_18] : memref<10240xf32, #tpu.memory_space<vmem_shared>> -> memref<640xf32, #tpu.memory_space<vmem_shared>>
      %dma_start3A_31 = tpu.memref_slice %arg7[%mul3A_18] : memref<10240xf32, #tpu.memory_space<vmem_shared>> -> memref<640xf32, #tpu.memory_space<vmem_shared>>
      tpu.enqueue_dma source(%arg6 : memref<640xf32, #tpu.memory_space<vmem>>) target(%dma_start3A_31 : memref<640xf32, #tpu.memory_space<vmem_shared>>) target_semaphore(%run_scoped3A : memref<!tpu.dma_semaphore, #tpu.memory_space<semaphore_mem>>)
      %dma_wait3A = tpu.memref_slice %arg7[%mul3A_18] : memref<10240xf32, #tpu.memory_space<vmem_shared>> -> memref<640xf32, #tpu.memory_space<vmem_shared>>
      %dma_wait3A_32 = tpu.memref_slice %arg7[%mul3A_18] : memref<10240xf32, #tpu.memory_space<vmem_shared>> -> memref<640xf32, #tpu.memory_space<vmem_shared>>
      tpu.wait_dma2 semaphore(%run_scoped3A : memref<!tpu.dma_semaphore, #tpu.memory_space<semaphore_mem>>) src(%arg6 : memref<640xf32, #tpu.memory_space<vmem>>) dst(%dma_wait3A_32 : memref<640xf32, #tpu.memory_space<vmem_shared>>)
      tpu.yield
    }) : () -> ()
    %barrier3A = arith.constant 0 : index
    tpu.barrier barrier_id(%barrier3A)
    %scan3A_19 = arith.constant 0 : i32
    %scan3A_20 = arith.constant 0 : i32
    %scan3A_21 = arith.constant 80 : i32
    %scan3A_22 = arith.addi %scan3A_20, %scan3A_21 : i32
    %scan3A_23 = arith.constant 1 : i32
    %scan3A_24 = scf.for %scan3A_31 = %scan3A_20 to %scan3A_22 step %scan3A_23 iter_args(%scan3A_32 = %scan3A_19) -> (i32)  : i32 {
      "tpu.region"() ({
        %run_scoped3A = tpu.sem_alloc : memref<!tpu.dma_semaphore, #tpu.memory_space<semaphore_mem>>
        %dma_start3A = arith.constant 0 : i32
        %dma_start3A_34 = tpu.memref_slice %arg4[%scan3A_31, %dma_start3A] : memref<80x128xi32, #tpu.memory_space<vmem>> -> memref<1x128xi32, #tpu.memory_space<vmem>>
        %dma_start3A_35 = tpu.memref_squeeze %dma_start3A_34 : memref<1x128xi32, #tpu.memory_space<vmem>> -> memref<128xi32, #tpu.memory_space<vmem>>
        %dma_start3A_36 = arith.constant 0 : i32
        %dma_start3A_37 = tpu.memref_slice %arg7[%dma_start3A_36] : memref<10240xf32, #tpu.memory_space<vmem_shared>> -> memref<10240xf32, #tpu.memory_space<vmem_shared>>
        tpu.enqueue_indirect_dma source(%arg5 : memref<128xf32, #tpu.memory_space<vmem>>) target(%dma_start3A_37 : memref<10240xf32, #tpu.memory_space<vmem_shared>>) offsets(%dma_start3A_35 : memref<128xi32, #tpu.memory_space<vmem>>) semaphore(%run_scoped3A : memref<!tpu.dma_semaphore, #tpu.memory_space<semaphore_mem>>) {add = true}
        %dma_wait3A = arith.constant 0 : i32
        %dma_wait3A_38 = tpu.memref_slice %arg4[%scan3A_31, %dma_wait3A] : memref<80x128xi32, #tpu.memory_space<vmem>> -> memref<1x128xi32, #tpu.memory_space<vmem>>
        %dma_wait3A_39 = tpu.memref_squeeze %dma_wait3A_38 : memref<1x128xi32, #tpu.memory_space<vmem>> -> memref<128xi32, #tpu.memory_space<vmem>>
        %dma_wait3A_40 = arith.constant 0 : i32
        %dma_wait3A_41 = tpu.memref_slice %arg7[%dma_wait3A_40] : memref<10240xf32, #tpu.memory_space<vmem_shared>> -> memref<10240xf32, #tpu.memory_space<vmem_shared>>
        tpu.wait_indirect_dma semaphore(%run_scoped3A : memref<!tpu.dma_semaphore, #tpu.memory_space<semaphore_mem>>) src(%arg5 : memref<128xf32, #tpu.memory_space<vmem>>) dst(%dma_wait3A_41 : memref<10240xf32, #tpu.memory_space<vmem_shared>>)
        tpu.yield
      }) : () -> ()
      %scan3A_33 = arith.constant 0 : i32
      scf.yield %scan3A_33 : i32
    }
    %scan3A_25 = arith.constant 80 : i32
    %barrier3A_26 = arith.constant 0 : index
    tpu.barrier barrier_id(%barrier3A_26)
    %mul3A_27 = arith.constant 640 : i32
    %mul3A_28 = arith.muli %arg1, %mul3A_27 : i32
    %mul3A_29 = arith.constant 640 : i32
    %mul3A_30 = arith.muli %arg1, %mul3A_29 : i32
    "tpu.region"() ({
      %run_scoped3A = tpu.sem_alloc : memref<!tpu.dma_semaphore, #tpu.memory_space<semaphore_mem>>
      %dma_start3A = tpu.memref_slice %arg3[%arg0, %mul3A_30] : memref<2x10240xf32, #tpu.memory_space<hbm>> -> memref<1x640xf32, #tpu.memory_space<hbm>>
      %dma_start3A_31 = tpu.memref_squeeze %dma_start3A : memref<1x640xf32, #tpu.memory_space<hbm>> -> memref<640xf32, #tpu.memory_space<hbm>>
      %dma_start3A_32 = tpu.memref_slice %arg7[%mul3A_28] : memref<10240xf32, #tpu.memory_space<vmem_shared>> -> memref<640xf32, #tpu.memory_space<vmem_shared>>
      tpu.enqueue_dma source(%dma_start3A_32 : memref<640xf32, #tpu.memory_space<vmem_shared>>) target(%dma_start3A_31 : memref<640xf32, #tpu.memory_space<hbm>>) target_semaphore(%run_scoped3A : memref<!tpu.dma_semaphore, #tpu.memory_space<semaphore_mem>>)
      %dma_wait3A = tpu.memref_slice %arg3[%arg0, %mul3A_30] : memref<2x10240xf32, #tpu.memory_space<hbm>> -> memref<1x640xf32, #tpu.memory_space<hbm>>
      %dma_wait3A_33 = tpu.memref_squeeze %dma_wait3A : memref<1x640xf32, #tpu.memory_space<hbm>> -> memref<640xf32, #tpu.memory_space<hbm>>
      %dma_wait3A_34 = tpu.memref_slice %arg7[%mul3A_28] : memref<10240xf32, #tpu.memory_space<vmem_shared>> -> memref<640xf32, #tpu.memory_space<vmem_shared>>
      tpu.wait_dma2 semaphore(%run_scoped3A : memref<!tpu.dma_semaphore, #tpu.memory_space<semaphore_mem>>) src(%dma_wait3A_34 : memref<640xf32, #tpu.memory_space<vmem_shared>>) dst(%dma_wait3A_33 : memref<640xf32, #tpu.memory_space<hbm>>)
      tpu.yield
    }) : () -> ()
    return
  }
}

#map = affine_map<(d0, d1) -> (0, 0)>
#map1 = affine_map<(d0, d1) -> (0, 0, 0)>
module attributes {stable_mosaic.version = 14 : i64} {
  func.func @_hop_kernel(%arg0: i32, %arg1: i32, %arg2: memref<10240x128xf32, #tpu.memory_space<hbm>>, %arg3: memref<32x80x128xi32, #tpu.memory_space<hbm>>, %arg4: memref<32x80x128xi32, #tpu.memory_space<hbm>>, %arg5: memref<2x10240x128xf32, #tpu.memory_space<hbm>>, %arg6: memref<4x128xi32, #tpu.memory_space<vmem>>, %arg7: memref<80x128xi32, #tpu.memory_space<vmem>>, %arg8: memref<2x128x128xf32, #tpu.memory_space<vmem>>, %arg9: memref<10240x128xf32, #tpu.memory_space<vmem_shared>>, %arg10: memref<!tpu.dma_semaphore, #tpu.memory_space<semaphore_mem>>, %arg11: memref<!tpu.dma_semaphore, #tpu.memory_space<semaphore_mem>>, %arg12: memref<!tpu.dma_semaphore, #tpu.memory_space<semaphore_mem>>, %arg13: memref<!tpu.dma_semaphore, #tpu.memory_space<semaphore_mem>>, %arg14: memref<!tpu.dma_semaphore, #tpu.memory_space<semaphore_mem>>, %arg15: memref<!tpu.dma_semaphore, #tpu.memory_space<semaphore_mem>>) attributes {dimension_semantics = [#tpu.dimension_semantics<core_parallel>, #tpu.dimension_semantics<subcore_parallel>], iteration_bounds = array<i64: 2, 16>, scalar_prefetch = 0 : i64, scratch_operands = 10 : i64, tpu.core_type = #tpu.core_type<sc_vector_subcore>, window_params = [{transform_indices = #map}, {transform_indices = #map1}, {transform_indices = #map1}, {transform_indices = #map1}]} {
    %mul3A = arith.constant 16 : i32
    %mul3A_0 = arith.muli %arg0, %mul3A : i32
    %add3A = arith.addi %mul3A_0, %arg1 : i32
    "tpu.region"() ({
      %run_scoped3A = tpu.sem_alloc : memref<!tpu.dma_semaphore, #tpu.memory_space<semaphore_mem>>
      %dma_start3A_122 = arith.constant 0 : i32
      %dma_start3A_123 = arith.constant 0 : i32
      %dma_start3A_124 = tpu.memref_slice %arg4[%add3A, %dma_start3A_122, %dma_start3A_123] : memref<32x80x128xi32, #tpu.memory_space<hbm>> -> memref<1x80x128xi32, #tpu.memory_space<hbm>>
      %dma_start3A_125 = tpu.memref_squeeze %dma_start3A_124 : memref<1x80x128xi32, #tpu.memory_space<hbm>> -> memref<80x128xi32, #tpu.memory_space<hbm>>
      %dma_start3A_126 = arith.constant 0 : i32
      %dma_start3A_127 = arith.constant 0 : i32
      %dma_start3A_128 = tpu.memref_slice %arg4[%add3A, %dma_start3A_126, %dma_start3A_127] : memref<32x80x128xi32, #tpu.memory_space<hbm>> -> memref<1x80x128xi32, #tpu.memory_space<hbm>>
      %dma_start3A_129 = tpu.memref_squeeze %dma_start3A_128 : memref<1x80x128xi32, #tpu.memory_space<hbm>> -> memref<80x128xi32, #tpu.memory_space<hbm>>
      tpu.enqueue_dma source(%dma_start3A_129 : memref<80x128xi32, #tpu.memory_space<hbm>>) target(%arg7 : memref<80x128xi32, #tpu.memory_space<vmem>>) target_semaphore(%run_scoped3A : memref<!tpu.dma_semaphore, #tpu.memory_space<semaphore_mem>>)
      %dma_wait3A_130 = arith.constant 0 : i32
      %dma_wait3A_131 = arith.constant 0 : i32
      %dma_wait3A_132 = tpu.memref_slice %arg4[%add3A, %dma_wait3A_130, %dma_wait3A_131] : memref<32x80x128xi32, #tpu.memory_space<hbm>> -> memref<1x80x128xi32, #tpu.memory_space<hbm>>
      %dma_wait3A_133 = tpu.memref_squeeze %dma_wait3A_132 : memref<1x80x128xi32, #tpu.memory_space<hbm>> -> memref<80x128xi32, #tpu.memory_space<hbm>>
      %dma_wait3A_134 = arith.constant 0 : i32
      %dma_wait3A_135 = arith.constant 0 : i32
      %dma_wait3A_136 = tpu.memref_slice %arg4[%add3A, %dma_wait3A_134, %dma_wait3A_135] : memref<32x80x128xi32, #tpu.memory_space<hbm>> -> memref<1x80x128xi32, #tpu.memory_space<hbm>>
      %dma_wait3A_137 = tpu.memref_squeeze %dma_wait3A_136 : memref<1x80x128xi32, #tpu.memory_space<hbm>> -> memref<80x128xi32, #tpu.memory_space<hbm>>
      tpu.wait_dma2 semaphore(%run_scoped3A : memref<!tpu.dma_semaphore, #tpu.memory_space<semaphore_mem>>) src(%dma_wait3A_137 : memref<80x128xi32, #tpu.memory_space<hbm>>) dst(%arg7 : memref<80x128xi32, #tpu.memory_space<vmem>>)
      tpu.yield
    }) : () -> ()
    %dma_start3A = arith.constant 0 : i32
    %dma_start3A_1 = arith.constant 0 : i32
    %dma_start3A_2 = arith.constant 0 : i32
    %dma_start3A_3 = tpu.memref_slice %arg6[%dma_start3A_1, %dma_start3A_2] : memref<4x128xi32, #tpu.memory_space<vmem>> -> memref<1x128xi32, #tpu.memory_space<vmem>>
    %dma_start3A_4 = tpu.memref_squeeze %dma_start3A_3 : memref<1x128xi32, #tpu.memory_space<vmem>> -> memref<128xi32, #tpu.memory_space<vmem>>
    %dma_start3A_5 = arith.constant 0 : i32
    %dma_start3A_6 = tpu.memref_slice %arg3[%add3A, %dma_start3A, %dma_start3A_5] : memref<32x80x128xi32, #tpu.memory_space<hbm>> -> memref<1x1x128xi32, #tpu.memory_space<hbm>>
    %dma_start3A_7 = tpu.memref_squeeze %dma_start3A_6 : memref<1x1x128xi32, #tpu.memory_space<hbm>> -> memref<128xi32, #tpu.memory_space<hbm>>
    %dma_start3A_8 = arith.constant 0 : i32
    %dma_start3A_9 = tpu.memref_slice %arg6[%dma_start3A_1, %dma_start3A_8] : memref<4x128xi32, #tpu.memory_space<vmem>> -> memref<1x128xi32, #tpu.memory_space<vmem>>
    %dma_start3A_10 = tpu.memref_squeeze %dma_start3A_9 : memref<1x128xi32, #tpu.memory_space<vmem>> -> memref<128xi32, #tpu.memory_space<vmem>>
    %dma_start3A_11 = arith.constant 0 : i32
    %dma_start3A_12 = tpu.memref_slice %arg3[%add3A, %dma_start3A, %dma_start3A_11] : memref<32x80x128xi32, #tpu.memory_space<hbm>> -> memref<1x1x128xi32, #tpu.memory_space<hbm>>
    %dma_start3A_13 = tpu.memref_squeeze %dma_start3A_12 : memref<1x1x128xi32, #tpu.memory_space<hbm>> -> memref<128xi32, #tpu.memory_space<hbm>>
    tpu.enqueue_dma source(%dma_start3A_13 : memref<128xi32, #tpu.memory_space<hbm>>) target(%dma_start3A_10 : memref<128xi32, #tpu.memory_space<vmem>>) target_semaphore(%arg10 : memref<!tpu.dma_semaphore, #tpu.memory_space<semaphore_mem>>)
    %dma_start3A_14 = arith.constant 1 : i32
    %dma_start3A_15 = arith.constant 1 : i32
    %dma_start3A_16 = arith.constant 0 : i32
    %dma_start3A_17 = tpu.memref_slice %arg6[%dma_start3A_15, %dma_start3A_16] : memref<4x128xi32, #tpu.memory_space<vmem>> -> memref<1x128xi32, #tpu.memory_space<vmem>>
    %dma_start3A_18 = tpu.memref_squeeze %dma_start3A_17 : memref<1x128xi32, #tpu.memory_space<vmem>> -> memref<128xi32, #tpu.memory_space<vmem>>
    %dma_start3A_19 = arith.constant 0 : i32
    %dma_start3A_20 = tpu.memref_slice %arg3[%add3A, %dma_start3A_14, %dma_start3A_19] : memref<32x80x128xi32, #tpu.memory_space<hbm>> -> memref<1x1x128xi32, #tpu.memory_space<hbm>>
    %dma_start3A_21 = tpu.memref_squeeze %dma_start3A_20 : memref<1x1x128xi32, #tpu.memory_space<hbm>> -> memref<128xi32, #tpu.memory_space<hbm>>
    %dma_start3A_22 = arith.constant 0 : i32
    %dma_start3A_23 = tpu.memref_slice %arg6[%dma_start3A_15, %dma_start3A_22] : memref<4x128xi32, #tpu.memory_space<vmem>> -> memref<1x128xi32, #tpu.memory_space<vmem>>
    %dma_start3A_24 = tpu.memref_squeeze %dma_start3A_23 : memref<1x128xi32, #tpu.memory_space<vmem>> -> memref<128xi32, #tpu.memory_space<vmem>>
    %dma_start3A_25 = arith.constant 0 : i32
    %dma_start3A_26 = tpu.memref_slice %arg3[%add3A, %dma_start3A_14, %dma_start3A_25] : memref<32x80x128xi32, #tpu.memory_space<hbm>> -> memref<1x1x128xi32, #tpu.memory_space<hbm>>
    %dma_start3A_27 = tpu.memref_squeeze %dma_start3A_26 : memref<1x1x128xi32, #tpu.memory_space<hbm>> -> memref<128xi32, #tpu.memory_space<hbm>>
    tpu.enqueue_dma source(%dma_start3A_27 : memref<128xi32, #tpu.memory_space<hbm>>) target(%dma_start3A_24 : memref<128xi32, #tpu.memory_space<vmem>>) target_semaphore(%arg11 : memref<!tpu.dma_semaphore, #tpu.memory_space<semaphore_mem>>)
    %dma_start3A_28 = arith.constant 2 : i32
    %dma_start3A_29 = arith.constant 2 : i32
    %dma_start3A_30 = arith.constant 0 : i32
    %dma_start3A_31 = tpu.memref_slice %arg6[%dma_start3A_29, %dma_start3A_30] : memref<4x128xi32, #tpu.memory_space<vmem>> -> memref<1x128xi32, #tpu.memory_space<vmem>>
    %dma_start3A_32 = tpu.memref_squeeze %dma_start3A_31 : memref<1x128xi32, #tpu.memory_space<vmem>> -> memref<128xi32, #tpu.memory_space<vmem>>
    %dma_start3A_33 = arith.constant 0 : i32
    %dma_start3A_34 = tpu.memref_slice %arg3[%add3A, %dma_start3A_28, %dma_start3A_33] : memref<32x80x128xi32, #tpu.memory_space<hbm>> -> memref<1x1x128xi32, #tpu.memory_space<hbm>>
    %dma_start3A_35 = tpu.memref_squeeze %dma_start3A_34 : memref<1x1x128xi32, #tpu.memory_space<hbm>> -> memref<128xi32, #tpu.memory_space<hbm>>
    %dma_start3A_36 = arith.constant 0 : i32
    %dma_start3A_37 = tpu.memref_slice %arg6[%dma_start3A_29, %dma_start3A_36] : memref<4x128xi32, #tpu.memory_space<vmem>> -> memref<1x128xi32, #tpu.memory_space<vmem>>
    %dma_start3A_38 = tpu.memref_squeeze %dma_start3A_37 : memref<1x128xi32, #tpu.memory_space<vmem>> -> memref<128xi32, #tpu.memory_space<vmem>>
    %dma_start3A_39 = arith.constant 0 : i32
    %dma_start3A_40 = tpu.memref_slice %arg3[%add3A, %dma_start3A_28, %dma_start3A_39] : memref<32x80x128xi32, #tpu.memory_space<hbm>> -> memref<1x1x128xi32, #tpu.memory_space<hbm>>
    %dma_start3A_41 = tpu.memref_squeeze %dma_start3A_40 : memref<1x1x128xi32, #tpu.memory_space<hbm>> -> memref<128xi32, #tpu.memory_space<hbm>>
    tpu.enqueue_dma source(%dma_start3A_41 : memref<128xi32, #tpu.memory_space<hbm>>) target(%dma_start3A_38 : memref<128xi32, #tpu.memory_space<vmem>>) target_semaphore(%arg12 : memref<!tpu.dma_semaphore, #tpu.memory_space<semaphore_mem>>)
    %dma_start3A_42 = arith.constant 3 : i32
    %dma_start3A_43 = arith.constant 3 : i32
    %dma_start3A_44 = arith.constant 0 : i32
    %dma_start3A_45 = tpu.memref_slice %arg6[%dma_start3A_43, %dma_start3A_44] : memref<4x128xi32, #tpu.memory_space<vmem>> -> memref<1x128xi32, #tpu.memory_space<vmem>>
    %dma_start3A_46 = tpu.memref_squeeze %dma_start3A_45 : memref<1x128xi32, #tpu.memory_space<vmem>> -> memref<128xi32, #tpu.memory_space<vmem>>
    %dma_start3A_47 = arith.constant 0 : i32
    %dma_start3A_48 = tpu.memref_slice %arg3[%add3A, %dma_start3A_42, %dma_start3A_47] : memref<32x80x128xi32, #tpu.memory_space<hbm>> -> memref<1x1x128xi32, #tpu.memory_space<hbm>>
    %dma_start3A_49 = tpu.memref_squeeze %dma_start3A_48 : memref<1x1x128xi32, #tpu.memory_space<hbm>> -> memref<128xi32, #tpu.memory_space<hbm>>
    %dma_start3A_50 = arith.constant 0 : i32
    %dma_start3A_51 = tpu.memref_slice %arg6[%dma_start3A_43, %dma_start3A_50] : memref<4x128xi32, #tpu.memory_space<vmem>> -> memref<1x128xi32, #tpu.memory_space<vmem>>
    %dma_start3A_52 = tpu.memref_squeeze %dma_start3A_51 : memref<1x128xi32, #tpu.memory_space<vmem>> -> memref<128xi32, #tpu.memory_space<vmem>>
    %dma_start3A_53 = arith.constant 0 : i32
    %dma_start3A_54 = tpu.memref_slice %arg3[%add3A, %dma_start3A_42, %dma_start3A_53] : memref<32x80x128xi32, #tpu.memory_space<hbm>> -> memref<1x1x128xi32, #tpu.memory_space<hbm>>
    %dma_start3A_55 = tpu.memref_squeeze %dma_start3A_54 : memref<1x1x128xi32, #tpu.memory_space<hbm>> -> memref<128xi32, #tpu.memory_space<hbm>>
    tpu.enqueue_dma source(%dma_start3A_55 : memref<128xi32, #tpu.memory_space<hbm>>) target(%dma_start3A_52 : memref<128xi32, #tpu.memory_space<vmem>>) target_semaphore(%arg13 : memref<!tpu.dma_semaphore, #tpu.memory_space<semaphore_mem>>)
    %mul3A_56 = arith.constant 640 : i32
    %mul3A_57 = arith.muli %arg1, %mul3A_56 : i32
    %mul3A_58 = arith.constant 640 : i32
    %mul3A_59 = arith.muli %arg1, %mul3A_58 : i32
    "tpu.region"() ({
      %run_scoped3A = tpu.sem_alloc : memref<!tpu.dma_semaphore, #tpu.memory_space<semaphore_mem>>
      %dma_start3A_122 = arith.constant 0 : i32
      %dma_start3A_123 = tpu.memref_slice %arg9[%mul3A_59, %dma_start3A_122] : memref<10240x128xf32, #tpu.memory_space<vmem_shared>> -> memref<640x128xf32, #tpu.memory_space<vmem_shared>>
      %dma_start3A_124 = arith.constant 0 : i32
      %dma_start3A_125 = tpu.memref_slice %arg2[%mul3A_57, %dma_start3A_124] : memref<10240x128xf32, #tpu.memory_space<hbm>> -> memref<640x128xf32, #tpu.memory_space<hbm>>
      tpu.enqueue_dma source(%dma_start3A_125 : memref<640x128xf32, #tpu.memory_space<hbm>>) target(%dma_start3A_123 : memref<640x128xf32, #tpu.memory_space<vmem_shared>>) target_semaphore(%run_scoped3A : memref<!tpu.dma_semaphore, #tpu.memory_space<semaphore_mem>>)
      %dma_wait3A_126 = arith.constant 0 : i32
      %dma_wait3A_127 = tpu.memref_slice %arg9[%mul3A_59, %dma_wait3A_126] : memref<10240x128xf32, #tpu.memory_space<vmem_shared>> -> memref<640x128xf32, #tpu.memory_space<vmem_shared>>
      %dma_wait3A_128 = arith.constant 0 : i32
      %dma_wait3A_129 = tpu.memref_slice %arg2[%mul3A_57, %dma_wait3A_128] : memref<10240x128xf32, #tpu.memory_space<hbm>> -> memref<640x128xf32, #tpu.memory_space<hbm>>
      tpu.wait_dma2 semaphore(%run_scoped3A : memref<!tpu.dma_semaphore, #tpu.memory_space<semaphore_mem>>) src(%dma_wait3A_129 : memref<640x128xf32, #tpu.memory_space<hbm>>) dst(%dma_wait3A_127 : memref<640x128xf32, #tpu.memory_space<vmem_shared>>)
      tpu.yield
    }) : () -> ()
    %dma_wait3A = arith.constant 0 : i32
    %dma_wait3A_60 = arith.constant 0 : i32
    %dma_wait3A_61 = arith.constant 0 : i32
    %dma_wait3A_62 = tpu.memref_slice %arg6[%dma_wait3A_60, %dma_wait3A_61] : memref<4x128xi32, #tpu.memory_space<vmem>> -> memref<1x128xi32, #tpu.memory_space<vmem>>
    %dma_wait3A_63 = tpu.memref_squeeze %dma_wait3A_62 : memref<1x128xi32, #tpu.memory_space<vmem>> -> memref<128xi32, #tpu.memory_space<vmem>>
    %dma_wait3A_64 = arith.constant 0 : i32
    %dma_wait3A_65 = tpu.memref_slice %arg3[%add3A, %dma_wait3A, %dma_wait3A_64] : memref<32x80x128xi32, #tpu.memory_space<hbm>> -> memref<1x1x128xi32, #tpu.memory_space<hbm>>
    %dma_wait3A_66 = tpu.memref_squeeze %dma_wait3A_65 : memref<1x1x128xi32, #tpu.memory_space<hbm>> -> memref<128xi32, #tpu.memory_space<hbm>>
    %dma_wait3A_67 = arith.constant 0 : i32
    %dma_wait3A_68 = tpu.memref_slice %arg6[%dma_wait3A_60, %dma_wait3A_67] : memref<4x128xi32, #tpu.memory_space<vmem>> -> memref<1x128xi32, #tpu.memory_space<vmem>>
    %dma_wait3A_69 = tpu.memref_squeeze %dma_wait3A_68 : memref<1x128xi32, #tpu.memory_space<vmem>> -> memref<128xi32, #tpu.memory_space<vmem>>
    %dma_wait3A_70 = arith.constant 0 : i32
    %dma_wait3A_71 = tpu.memref_slice %arg3[%add3A, %dma_wait3A, %dma_wait3A_70] : memref<32x80x128xi32, #tpu.memory_space<hbm>> -> memref<1x1x128xi32, #tpu.memory_space<hbm>>
    %dma_wait3A_72 = tpu.memref_squeeze %dma_wait3A_71 : memref<1x1x128xi32, #tpu.memory_space<hbm>> -> memref<128xi32, #tpu.memory_space<hbm>>
    tpu.wait_dma2 semaphore(%arg10 : memref<!tpu.dma_semaphore, #tpu.memory_space<semaphore_mem>>) src(%dma_wait3A_72 : memref<128xi32, #tpu.memory_space<hbm>>) dst(%dma_wait3A_69 : memref<128xi32, #tpu.memory_space<vmem>>)
    %dma_start3A_73 = arith.constant 0 : i32
    %dma_start3A_74 = arith.constant 0 : i32
    %dma_start3A_75 = arith.constant 0 : i32
    %dma_start3A_76 = arith.constant 0 : i32
    %dma_start3A_77 = tpu.memref_slice %arg8[%dma_start3A_74, %dma_start3A_75, %dma_start3A_76] : memref<2x128x128xf32, #tpu.memory_space<vmem>> -> memref<1x128x128xf32, #tpu.memory_space<vmem>>
    %dma_start3A_78 = tpu.memref_squeeze %dma_start3A_77 : memref<1x128x128xf32, #tpu.memory_space<vmem>> -> memref<128x128xf32, #tpu.memory_space<vmem>>
    %dma_start3A_79 = arith.constant 0 : i32
    %dma_start3A_80 = tpu.memref_slice %arg6[%dma_start3A_73, %dma_start3A_79] : memref<4x128xi32, #tpu.memory_space<vmem>> -> memref<1x128xi32, #tpu.memory_space<vmem>>
    %dma_start3A_81 = tpu.memref_squeeze %dma_start3A_80 : memref<1x128xi32, #tpu.memory_space<vmem>> -> memref<128xi32, #tpu.memory_space<vmem>>
    %dma_start3A_82 = arith.constant 0 : i32
    %dma_start3A_83 = arith.constant 0 : i32
    %dma_start3A_84 = tpu.memref_slice %arg2[%dma_start3A_82, %dma_start3A_83] : memref<10240x128xf32, #tpu.memory_space<hbm>> -> memref<10240x128xf32, #tpu.memory_space<hbm>>
    tpu.enqueue_indirect_dma source(%dma_start3A_84 : memref<10240x128xf32, #tpu.memory_space<hbm>>) target(%dma_start3A_78 : memref<128x128xf32, #tpu.memory_space<vmem>>) offsets(%dma_start3A_81 : memref<128xi32, #tpu.memory_space<vmem>>) semaphore(%arg14 : memref<!tpu.dma_semaphore, #tpu.memory_space<semaphore_mem>>)
    %dma_wait3A_85 = arith.constant 1 : i32
    %dma_wait3A_86 = arith.constant 1 : i32
    %dma_wait3A_87 = arith.constant 0 : i32
    %dma_wait3A_88 = tpu.memref_slice %arg6[%dma_wait3A_86, %dma_wait3A_87] : memref<4x128xi32, #tpu.memory_space<vmem>> -> memref<1x128xi32, #tpu.memory_space<vmem>>
    %dma_wait3A_89 = tpu.memref_squeeze %dma_wait3A_88 : memref<1x128xi32, #tpu.memory_space<vmem>> -> memref<128xi32, #tpu.memory_space<vmem>>
    %dma_wait3A_90 = arith.constant 0 : i32
    %dma_wait3A_91 = tpu.memref_slice %arg3[%add3A, %dma_wait3A_85, %dma_wait3A_90] : memref<32x80x128xi32, #tpu.memory_space<hbm>> -> memref<1x1x128xi32, #tpu.memory_space<hbm>>
    %dma_wait3A_92 = tpu.memref_squeeze %dma_wait3A_91 : memref<1x1x128xi32, #tpu.memory_space<hbm>> -> memref<128xi32, #tpu.memory_space<hbm>>
    %dma_wait3A_93 = arith.constant 0 : i32
    %dma_wait3A_94 = tpu.memref_slice %arg6[%dma_wait3A_86, %dma_wait3A_93] : memref<4x128xi32, #tpu.memory_space<vmem>> -> memref<1x128xi32, #tpu.memory_space<vmem>>
    %dma_wait3A_95 = tpu.memref_squeeze %dma_wait3A_94 : memref<1x128xi32, #tpu.memory_space<vmem>> -> memref<128xi32, #tpu.memory_space<vmem>>
    %dma_wait3A_96 = arith.constant 0 : i32
    %dma_wait3A_97 = tpu.memref_slice %arg3[%add3A, %dma_wait3A_85, %dma_wait3A_96] : memref<32x80x128xi32, #tpu.memory_space<hbm>> -> memref<1x1x128xi32, #tpu.memory_space<hbm>>
    %dma_wait3A_98 = tpu.memref_squeeze %dma_wait3A_97 : memref<1x1x128xi32, #tpu.memory_space<hbm>> -> memref<128xi32, #tpu.memory_space<hbm>>
    tpu.wait_dma2 semaphore(%arg11 : memref<!tpu.dma_semaphore, #tpu.memory_space<semaphore_mem>>) src(%dma_wait3A_98 : memref<128xi32, #tpu.memory_space<hbm>>) dst(%dma_wait3A_95 : memref<128xi32, #tpu.memory_space<vmem>>)
    %dma_start3A_99 = arith.constant 1 : i32
    %dma_start3A_100 = arith.constant 1 : i32
    %dma_start3A_101 = arith.constant 0 : i32
    %dma_start3A_102 = arith.constant 0 : i32
    %dma_start3A_103 = tpu.memref_slice %arg8[%dma_start3A_100, %dma_start3A_101, %dma_start3A_102] : memref<2x128x128xf32, #tpu.memory_space<vmem>> -> memref<1x128x128xf32, #tpu.memory_space<vmem>>
    %dma_start3A_104 = tpu.memref_squeeze %dma_start3A_103 : memref<1x128x128xf32, #tpu.memory_space<vmem>> -> memref<128x128xf32, #tpu.memory_space<vmem>>
    %dma_start3A_105 = arith.constant 0 : i32
    %dma_start3A_106 = tpu.memref_slice %arg6[%dma_start3A_99, %dma_start3A_105] : memref<4x128xi32, #tpu.memory_space<vmem>> -> memref<1x128xi32, #tpu.memory_space<vmem>>
    %dma_start3A_107 = tpu.memref_squeeze %dma_start3A_106 : memref<1x128xi32, #tpu.memory_space<vmem>> -> memref<128xi32, #tpu.memory_space<vmem>>
    %dma_start3A_108 = arith.constant 0 : i32
    %dma_start3A_109 = arith.constant 0 : i32
    %dma_start3A_110 = tpu.memref_slice %arg2[%dma_start3A_108, %dma_start3A_109] : memref<10240x128xf32, #tpu.memory_space<hbm>> -> memref<10240x128xf32, #tpu.memory_space<hbm>>
    tpu.enqueue_indirect_dma source(%dma_start3A_110 : memref<10240x128xf32, #tpu.memory_space<hbm>>) target(%dma_start3A_104 : memref<128x128xf32, #tpu.memory_space<vmem>>) offsets(%dma_start3A_107 : memref<128xi32, #tpu.memory_space<vmem>>) semaphore(%arg15 : memref<!tpu.dma_semaphore, #tpu.memory_space<semaphore_mem>>)
    %barrier3A = arith.constant 0 : index
    tpu.barrier barrier_id(%barrier3A)
    %scan3A = arith.constant 0 : i32
    %scan3A_111 = arith.constant 0 : i32
    %scan3A_112 = arith.constant 20 : i32
    %scan3A_113 = arith.addi %scan3A_111, %scan3A_112 : i32
    %scan3A_114 = arith.constant 1 : i32
    %scan3A_115 = scf.for %scan3A_122 = %scan3A_111 to %scan3A_113 step %scan3A_114 iter_args(%scan3A_123 = %scan3A) -> (i32)  : i32 {
      %mul3A_124 = arith.constant 4 : i32
      %mul3A_125 = arith.muli %scan3A_122, %mul3A_124 : i32
      %add3A_126 = arith.constant 0 : i32
      %add3A_127 = arith.addi %mul3A_125, %add3A_126 : i32
      %dma_wait3A_128 = arith.constant 0 : i32
      %dma_wait3A_129 = arith.constant 0 : i32
      %dma_wait3A_130 = arith.constant 0 : i32
      %dma_wait3A_131 = arith.constant 0 : i32
      %dma_wait3A_132 = tpu.memref_slice %arg8[%dma_wait3A_129, %dma_wait3A_130, %dma_wait3A_131] : memref<2x128x128xf32, #tpu.memory_space<vmem>> -> memref<1x128x128xf32, #tpu.memory_space<vmem>>
      %dma_wait3A_133 = tpu.memref_squeeze %dma_wait3A_132 : memref<1x128x128xf32, #tpu.memory_space<vmem>> -> memref<128x128xf32, #tpu.memory_space<vmem>>
      %dma_wait3A_134 = arith.constant 0 : i32
      %dma_wait3A_135 = tpu.memref_slice %arg6[%dma_wait3A_128, %dma_wait3A_134] : memref<4x128xi32, #tpu.memory_space<vmem>> -> memref<1x128xi32, #tpu.memory_space<vmem>>
      %dma_wait3A_136 = tpu.memref_squeeze %dma_wait3A_135 : memref<1x128xi32, #tpu.memory_space<vmem>> -> memref<128xi32, #tpu.memory_space<vmem>>
      %dma_wait3A_137 = arith.constant 0 : i32
      %dma_wait3A_138 = arith.constant 0 : i32
      %dma_wait3A_139 = tpu.memref_slice %arg2[%dma_wait3A_137, %dma_wait3A_138] : memref<10240x128xf32, #tpu.memory_space<hbm>> -> memref<10240x128xf32, #tpu.memory_space<hbm>>
      tpu.wait_indirect_dma semaphore(%arg14 : memref<!tpu.dma_semaphore, #tpu.memory_space<semaphore_mem>>) src(%dma_wait3A_139 : memref<10240x128xf32, #tpu.memory_space<hbm>>) dst(%dma_wait3A_133 : memref<128x128xf32, #tpu.memory_space<vmem>>)
      %run_scoped3A = arith.constant 0 : i32
      "tpu.region"() ({
        %run_scoped3A_245 = tpu.sem_alloc : memref<!tpu.dma_semaphore, #tpu.memory_space<semaphore_mem>>
        %dma_start3A_246 = arith.constant 0 : i32
        %dma_start3A_247 = arith.constant 0 : i32
        %dma_start3A_248 = tpu.memref_slice %arg8[%run_scoped3A, %dma_start3A_246, %dma_start3A_247] : memref<2x128x128xf32, #tpu.memory_space<vmem>> -> memref<1x128x128xf32, #tpu.memory_space<vmem>>
        %dma_start3A_249 = tpu.memref_squeeze %dma_start3A_248 : memref<1x128x128xf32, #tpu.memory_space<vmem>> -> memref<128x128xf32, #tpu.memory_space<vmem>>
        %dma_start3A_250 = arith.constant 0 : i32
        %dma_start3A_251 = tpu.memref_slice %arg7[%add3A_127, %dma_start3A_250] : memref<80x128xi32, #tpu.memory_space<vmem>> -> memref<1x128xi32, #tpu.memory_space<vmem>>
        %dma_start3A_252 = tpu.memref_squeeze %dma_start3A_251 : memref<1x128xi32, #tpu.memory_space<vmem>> -> memref<128xi32, #tpu.memory_space<vmem>>
        %dma_start3A_253 = arith.constant 0 : i32
        %dma_start3A_254 = arith.constant 0 : i32
        %dma_start3A_255 = tpu.memref_slice %arg9[%dma_start3A_253, %dma_start3A_254] : memref<10240x128xf32, #tpu.memory_space<vmem_shared>> -> memref<10240x128xf32, #tpu.memory_space<vmem_shared>>
        tpu.enqueue_indirect_dma source(%dma_start3A_249 : memref<128x128xf32, #tpu.memory_space<vmem>>) target(%dma_start3A_255 : memref<10240x128xf32, #tpu.memory_space<vmem_shared>>) offsets(%dma_start3A_252 : memref<128xi32, #tpu.memory_space<vmem>>) semaphore(%run_scoped3A_245 : memref<!tpu.dma_semaphore, #tpu.memory_space<semaphore_mem>>) {add = true}
        %dma_wait3A_256 = arith.constant 0 : i32
        %dma_wait3A_257 = arith.constant 0 : i32
        %dma_wait3A_258 = tpu.memref_slice %arg8[%run_scoped3A, %dma_wait3A_256, %dma_wait3A_257] : memref<2x128x128xf32, #tpu.memory_space<vmem>> -> memref<1x128x128xf32, #tpu.memory_space<vmem>>
        %dma_wait3A_259 = tpu.memref_squeeze %dma_wait3A_258 : memref<1x128x128xf32, #tpu.memory_space<vmem>> -> memref<128x128xf32, #tpu.memory_space<vmem>>
        %dma_wait3A_260 = arith.constant 0 : i32
        %dma_wait3A_261 = tpu.memref_slice %arg7[%add3A_127, %dma_wait3A_260] : memref<80x128xi32, #tpu.memory_space<vmem>> -> memref<1x128xi32, #tpu.memory_space<vmem>>
        %dma_wait3A_262 = tpu.memref_squeeze %dma_wait3A_261 : memref<1x128xi32, #tpu.memory_space<vmem>> -> memref<128xi32, #tpu.memory_space<vmem>>
        %dma_wait3A_263 = arith.constant 0 : i32
        %dma_wait3A_264 = arith.constant 0 : i32
        %dma_wait3A_265 = tpu.memref_slice %arg9[%dma_wait3A_263, %dma_wait3A_264] : memref<10240x128xf32, #tpu.memory_space<vmem_shared>> -> memref<10240x128xf32, #tpu.memory_space<vmem_shared>>
        tpu.wait_indirect_dma semaphore(%run_scoped3A_245 : memref<!tpu.dma_semaphore, #tpu.memory_space<semaphore_mem>>) src(%dma_wait3A_259 : memref<128x128xf32, #tpu.memory_space<vmem>>) dst(%dma_wait3A_265 : memref<10240x128xf32, #tpu.memory_space<vmem_shared>>)
        tpu.yield
      }) : () -> ()
      %add3A_140 = arith.constant 4 : i32
      %add3A_141 = arith.addi %add3A_127, %add3A_140 : i32
      %lt3A = arith.constant 80 : i32
      %lt3A_142 = arith.cmpi slt, %add3A_141, %lt3A : i32
      %convert_element_type3A = arith.extui %lt3A_142 : i1 to i32
      %cond3A = arith.constant 0 : i32
      %cond3A_143 = arith.cmpi ne, %convert_element_type3A, %cond3A : i32
      scf.if %cond3A_143 {
        %add3A_245 = arith.constant 4 : i32
        %add3A_246 = arith.addi %add3A_127, %add3A_245 : i32
        %dma_start3A_247 = arith.constant 0 : i32
        %dma_start3A_248 = arith.constant 0 : i32
        %dma_start3A_249 = tpu.memref_slice %arg6[%dma_start3A_247, %dma_start3A_248] : memref<4x128xi32, #tpu.memory_space<vmem>> -> memref<1x128xi32, #tpu.memory_space<vmem>>
        %dma_start3A_250 = tpu.memref_squeeze %dma_start3A_249 : memref<1x128xi32, #tpu.memory_space<vmem>> -> memref<128xi32, #tpu.memory_space<vmem>>
        %dma_start3A_251 = arith.constant 0 : i32
        %dma_start3A_252 = tpu.memref_slice %arg3[%add3A, %add3A_246, %dma_start3A_251] : memref<32x80x128xi32, #tpu.memory_space<hbm>> -> memref<1x1x128xi32, #tpu.memory_space<hbm>>
        %dma_start3A_253 = tpu.memref_squeeze %dma_start3A_252 : memref<1x1x128xi32, #tpu.memory_space<hbm>> -> memref<128xi32, #tpu.memory_space<hbm>>
        %dma_start3A_254 = arith.constant 0 : i32
        %dma_start3A_255 = tpu.memref_slice %arg6[%dma_start3A_247, %dma_start3A_254] : memref<4x128xi32, #tpu.memory_space<vmem>> -> memref<1x128xi32, #tpu.memory_space<vmem>>
        %dma_start3A_256 = tpu.memref_squeeze %dma_start3A_255 : memref<1x128xi32, #tpu.memory_space<vmem>> -> memref<128xi32, #tpu.memory_space<vmem>>
        %dma_start3A_257 = arith.constant 0 : i32
        %dma_start3A_258 = tpu.memref_slice %arg3[%add3A, %add3A_246, %dma_start3A_257] : memref<32x80x128xi32, #tpu.memory_space<hbm>> -> memref<1x1x128xi32, #tpu.memory_space<hbm>>
        %dma_start3A_259 = tpu.memref_squeeze %dma_start3A_258 : memref<1x1x128xi32, #tpu.memory_space<hbm>> -> memref<128xi32, #tpu.memory_space<hbm>>
        tpu.enqueue_dma source(%dma_start3A_259 : memref<128xi32, #tpu.memory_space<hbm>>) target(%dma_start3A_256 : memref<128xi32, #tpu.memory_space<vmem>>) target_semaphore(%arg10 : memref<!tpu.dma_semaphore, #tpu.memory_space<semaphore_mem>>)
      } else {
      }
      %add3A_144 = arith.constant 2 : i32
      %add3A_145 = arith.addi %add3A_127, %add3A_144 : i32
      %lt3A_146 = arith.constant 80 : i32
      %lt3A_147 = arith.cmpi slt, %add3A_145, %lt3A_146 : i32
      %convert_element_type3A_148 = arith.extui %lt3A_147 : i1 to i32
      %cond3A_149 = arith.constant 0 : i32
      %cond3A_150 = arith.cmpi ne, %convert_element_type3A_148, %cond3A_149 : i32
      scf.if %cond3A_150 {
        %add3A_245 = arith.constant 2 : i32
        %add3A_246 = arith.addi %add3A_127, %add3A_245 : i32
        %dma_wait3A_247 = arith.constant 2 : i32
        %dma_wait3A_248 = arith.constant 0 : i32
        %dma_wait3A_249 = tpu.memref_slice %arg6[%dma_wait3A_247, %dma_wait3A_248] : memref<4x128xi32, #tpu.memory_space<vmem>> -> memref<1x128xi32, #tpu.memory_space<vmem>>
        %dma_wait3A_250 = tpu.memref_squeeze %dma_wait3A_249 : memref<1x128xi32, #tpu.memory_space<vmem>> -> memref<128xi32, #tpu.memory_space<vmem>>
        %dma_wait3A_251 = arith.constant 0 : i32
        %dma_wait3A_252 = tpu.memref_slice %arg3[%add3A, %add3A_246, %dma_wait3A_251] : memref<32x80x128xi32, #tpu.memory_space<hbm>> -> memref<1x1x128xi32, #tpu.memory_space<hbm>>
        %dma_wait3A_253 = tpu.memref_squeeze %dma_wait3A_252 : memref<1x1x128xi32, #tpu.memory_space<hbm>> -> memref<128xi32, #tpu.memory_space<hbm>>
        %dma_wait3A_254 = arith.constant 0 : i32
        %dma_wait3A_255 = tpu.memref_slice %arg6[%dma_wait3A_247, %dma_wait3A_254] : memref<4x128xi32, #tpu.memory_space<vmem>> -> memref<1x128xi32, #tpu.memory_space<vmem>>
        %dma_wait3A_256 = tpu.memref_squeeze %dma_wait3A_255 : memref<1x128xi32, #tpu.memory_space<vmem>> -> memref<128xi32, #tpu.memory_space<vmem>>
        %dma_wait3A_257 = arith.constant 0 : i32
        %dma_wait3A_258 = tpu.memref_slice %arg3[%add3A, %add3A_246, %dma_wait3A_257] : memref<32x80x128xi32, #tpu.memory_space<hbm>> -> memref<1x1x128xi32, #tpu.memory_space<hbm>>
        %dma_wait3A_259 = tpu.memref_squeeze %dma_wait3A_258 : memref<1x1x128xi32, #tpu.memory_space<hbm>> -> memref<128xi32, #tpu.memory_space<hbm>>
        tpu.wait_dma2 semaphore(%arg12 : memref<!tpu.dma_semaphore, #tpu.memory_space<semaphore_mem>>) src(%dma_wait3A_259 : memref<128xi32, #tpu.memory_space<hbm>>) dst(%dma_wait3A_256 : memref<128xi32, #tpu.memory_space<vmem>>)
        %dma_start3A_260 = arith.constant 2 : i32
        %dma_start3A_261 = arith.constant 0 : i32
        %dma_start3A_262 = arith.constant 0 : i32
        %dma_start3A_263 = arith.constant 0 : i32
        %dma_start3A_264 = tpu.memref_slice %arg8[%dma_start3A_261, %dma_start3A_262, %dma_start3A_263] : memref<2x128x128xf32, #tpu.memory_space<vmem>> -> memref<1x128x128xf32, #tpu.memory_space<vmem>>
        %dma_start3A_265 = tpu.memref_squeeze %dma_start3A_264 : memref<1x128x128xf32, #tpu.memory_space<vmem>> -> memref<128x128xf32, #tpu.memory_space<vmem>>
        %dma_start3A_266 = arith.constant 0 : i32
        %dma_start3A_267 = tpu.memref_slice %arg6[%dma_start3A_260, %dma_start3A_266] : memref<4x128xi32, #tpu.memory_space<vmem>> -> memref<1x128xi32, #tpu.memory_space<vmem>>
        %dma_start3A_268 = tpu.memref_squeeze %dma_start3A_267 : memref<1x128xi32, #tpu.memory_space<vmem>> -> memref<128xi32, #tpu.memory_space<vmem>>
        %dma_start3A_269 = arith.constant 0 : i32
        %dma_start3A_270 = arith.constant 0 : i32
        %dma_start3A_271 = tpu.memref_slice %arg2[%dma_start3A_269, %dma_start3A_270] : memref<10240x128xf32, #tpu.memory_space<hbm>> -> memref<10240x128xf32, #tpu.memory_space<hbm>>
        tpu.enqueue_indirect_dma source(%dma_start3A_271 : memref<10240x128xf32, #tpu.memory_space<hbm>>) target(%dma_start3A_265 : memref<128x128xf32, #tpu.memory_space<vmem>>) offsets(%dma_start3A_268 : memref<128xi32, #tpu.memory_space<vmem>>) semaphore(%arg14 : memref<!tpu.dma_semaphore, #tpu.memory_space<semaphore_mem>>)
      } else {
      }
      %mul3A_151 = arith.constant 4 : i32
      %mul3A_152 = arith.muli %scan3A_122, %mul3A_151 : i32
      %add3A_153 = arith.constant 1 : i32
      %add3A_154 = arith.addi %mul3A_152, %add3A_153 : i32
      %dma_wait3A_155 = arith.constant 1 : i32
      %dma_wait3A_156 = arith.constant 1 : i32
      %dma_wait3A_157 = arith.constant 0 : i32
      %dma_wait3A_158 = arith.constant 0 : i32
      %dma_wait3A_159 = tpu.memref_slice %arg8[%dma_wait3A_156, %dma_wait3A_157, %dma_wait3A_158] : memref<2x128x128xf32, #tpu.memory_space<vmem>> -> memref<1x128x128xf32, #tpu.memory_space<vmem>>
      %dma_wait3A_160 = tpu.memref_squeeze %dma_wait3A_159 : memref<1x128x128xf32, #tpu.memory_space<vmem>> -> memref<128x128xf32, #tpu.memory_space<vmem>>
      %dma_wait3A_161 = arith.constant 0 : i32
      %dma_wait3A_162 = tpu.memref_slice %arg6[%dma_wait3A_155, %dma_wait3A_161] : memref<4x128xi32, #tpu.memory_space<vmem>> -> memref<1x128xi32, #tpu.memory_space<vmem>>
      %dma_wait3A_163 = tpu.memref_squeeze %dma_wait3A_162 : memref<1x128xi32, #tpu.memory_space<vmem>> -> memref<128xi32, #tpu.memory_space<vmem>>
      %dma_wait3A_164 = arith.constant 0 : i32
      %dma_wait3A_165 = arith.constant 0 : i32
      %dma_wait3A_166 = tpu.memref_slice %arg2[%dma_wait3A_164, %dma_wait3A_165] : memref<10240x128xf32, #tpu.memory_space<hbm>> -> memref<10240x128xf32, #tpu.memory_space<hbm>>
      tpu.wait_indirect_dma semaphore(%arg15 : memref<!tpu.dma_semaphore, #tpu.memory_space<semaphore_mem>>) src(%dma_wait3A_166 : memref<10240x128xf32, #tpu.memory_space<hbm>>) dst(%dma_wait3A_160 : memref<128x128xf32, #tpu.memory_space<vmem>>)
      %run_scoped3A_167 = arith.constant 1 : i32
      "tpu.region"() ({
        %run_scoped3A_245 = tpu.sem_alloc : memref<!tpu.dma_semaphore, #tpu.memory_space<semaphore_mem>>
        %dma_start3A_246 = arith.constant 0 : i32
        %dma_start3A_247 = arith.constant 0 : i32
        %dma_start3A_248 = tpu.memref_slice %arg8[%run_scoped3A_167, %dma_start3A_246, %dma_start3A_247] : memref<2x128x128xf32, #tpu.memory_space<vmem>> -> memref<1x128x128xf32, #tpu.memory_space<vmem>>
        %dma_start3A_249 = tpu.memref_squeeze %dma_start3A_248 : memref<1x128x128xf32, #tpu.memory_space<vmem>> -> memref<128x128xf32, #tpu.memory_space<vmem>>
        %dma_start3A_250 = arith.constant 0 : i32
        %dma_start3A_251 = tpu.memref_slice %arg7[%add3A_154, %dma_start3A_250] : memref<80x128xi32, #tpu.memory_space<vmem>> -> memref<1x128xi32, #tpu.memory_space<vmem>>
        %dma_start3A_252 = tpu.memref_squeeze %dma_start3A_251 : memref<1x128xi32, #tpu.memory_space<vmem>> -> memref<128xi32, #tpu.memory_space<vmem>>
        %dma_start3A_253 = arith.constant 0 : i32
        %dma_start3A_254 = arith.constant 0 : i32
        %dma_start3A_255 = tpu.memref_slice %arg9[%dma_start3A_253, %dma_start3A_254] : memref<10240x128xf32, #tpu.memory_space<vmem_shared>> -> memref<10240x128xf32, #tpu.memory_space<vmem_shared>>
        tpu.enqueue_indirect_dma source(%dma_start3A_249 : memref<128x128xf32, #tpu.memory_space<vmem>>) target(%dma_start3A_255 : memref<10240x128xf32, #tpu.memory_space<vmem_shared>>) offsets(%dma_start3A_252 : memref<128xi32, #tpu.memory_space<vmem>>) semaphore(%run_scoped3A_245 : memref<!tpu.dma_semaphore, #tpu.memory_space<semaphore_mem>>) {add = true}
        %dma_wait3A_256 = arith.constant 0 : i32
        %dma_wait3A_257 = arith.constant 0 : i32
        %dma_wait3A_258 = tpu.memref_slice %arg8[%run_scoped3A_167, %dma_wait3A_256, %dma_wait3A_257] : memref<2x128x128xf32, #tpu.memory_space<vmem>> -> memref<1x128x128xf32, #tpu.memory_space<vmem>>
        %dma_wait3A_259 = tpu.memref_squeeze %dma_wait3A_258 : memref<1x128x128xf32, #tpu.memory_space<vmem>> -> memref<128x128xf32, #tpu.memory_space<vmem>>
        %dma_wait3A_260 = arith.constant 0 : i32
        %dma_wait3A_261 = tpu.memref_slice %arg7[%add3A_154, %dma_wait3A_260] : memref<80x128xi32, #tpu.memory_space<vmem>> -> memref<1x128xi32, #tpu.memory_space<vmem>>
        %dma_wait3A_262 = tpu.memref_squeeze %dma_wait3A_261 : memref<1x128xi32, #tpu.memory_space<vmem>> -> memref<128xi32, #tpu.memory_space<vmem>>
        %dma_wait3A_263 = arith.constant 0 : i32
        %dma_wait3A_264 = arith.constant 0 : i32
        %dma_wait3A_265 = tpu.memref_slice %arg9[%dma_wait3A_263, %dma_wait3A_264] : memref<10240x128xf32, #tpu.memory_space<vmem_shared>> -> memref<10240x128xf32, #tpu.memory_space<vmem_shared>>
        tpu.wait_indirect_dma semaphore(%run_scoped3A_245 : memref<!tpu.dma_semaphore, #tpu.memory_space<semaphore_mem>>) src(%dma_wait3A_259 : memref<128x128xf32, #tpu.memory_space<vmem>>) dst(%dma_wait3A_265 : memref<10240x128xf32, #tpu.memory_space<vmem_shared>>)
        tpu.yield
      }) : () -> ()
      %add3A_168 = arith.constant 4 : i32
      %add3A_169 = arith.addi %add3A_154, %add3A_168 : i32
      %lt3A_170 = arith.constant 80 : i32
      %lt3A_171 = arith.cmpi slt, %add3A_169, %lt3A_170 : i32
      %convert_element_type3A_172 = arith.extui %lt3A_171 : i1 to i32
      %cond3A_173 = arith.constant 0 : i32
      %cond3A_174 = arith.cmpi ne, %convert_element_type3A_172, %cond3A_173 : i32
      scf.if %cond3A_174 {
        %add3A_245 = arith.constant 4 : i32
        %add3A_246 = arith.addi %add3A_154, %add3A_245 : i32
        %dma_start3A_247 = arith.constant 1 : i32
        %dma_start3A_248 = arith.constant 0 : i32
        %dma_start3A_249 = tpu.memref_slice %arg6[%dma_start3A_247, %dma_start3A_248] : memref<4x128xi32, #tpu.memory_space<vmem>> -> memref<1x128xi32, #tpu.memory_space<vmem>>
        %dma_start3A_250 = tpu.memref_squeeze %dma_start3A_249 : memref<1x128xi32, #tpu.memory_space<vmem>> -> memref<128xi32, #tpu.memory_space<vmem>>
        %dma_start3A_251 = arith.constant 0 : i32
        %dma_start3A_252 = tpu.memref_slice %arg3[%add3A, %add3A_246, %dma_start3A_251] : memref<32x80x128xi32, #tpu.memory_space<hbm>> -> memref<1x1x128xi32, #tpu.memory_space<hbm>>
        %dma_start3A_253 = tpu.memref_squeeze %dma_start3A_252 : memref<1x1x128xi32, #tpu.memory_space<hbm>> -> memref<128xi32, #tpu.memory_space<hbm>>
        %dma_start3A_254 = arith.constant 0 : i32
        %dma_start3A_255 = tpu.memref_slice %arg6[%dma_start3A_247, %dma_start3A_254] : memref<4x128xi32, #tpu.memory_space<vmem>> -> memref<1x128xi32, #tpu.memory_space<vmem>>
        %dma_start3A_256 = tpu.memref_squeeze %dma_start3A_255 : memref<1x128xi32, #tpu.memory_space<vmem>> -> memref<128xi32, #tpu.memory_space<vmem>>
        %dma_start3A_257 = arith.constant 0 : i32
        %dma_start3A_258 = tpu.memref_slice %arg3[%add3A, %add3A_246, %dma_start3A_257] : memref<32x80x128xi32, #tpu.memory_space<hbm>> -> memref<1x1x128xi32, #tpu.memory_space<hbm>>
        %dma_start3A_259 = tpu.memref_squeeze %dma_start3A_258 : memref<1x1x128xi32, #tpu.memory_space<hbm>> -> memref<128xi32, #tpu.memory_space<hbm>>
        tpu.enqueue_dma source(%dma_start3A_259 : memref<128xi32, #tpu.memory_space<hbm>>) target(%dma_start3A_256 : memref<128xi32, #tpu.memory_space<vmem>>) target_semaphore(%arg11 : memref<!tpu.dma_semaphore, #tpu.memory_space<semaphore_mem>>)
      } else {
      }
      %add3A_175 = arith.constant 2 : i32
      %add3A_176 = arith.addi %add3A_154, %add3A_175 : i32
      %lt3A_177 = arith.constant 80 : i32
      %lt3A_178 = arith.cmpi slt, %add3A_176, %lt3A_177 : i32
      %convert_element_type3A_179 = arith.extui %lt3A_178 : i1 to i32
      %cond3A_180 = arith.constant 0 : i32
      %cond3A_181 = arith.cmpi ne, %convert_element_type3A_179, %cond3A_180 : i32
      scf.if %cond3A_181 {
        %add3A_245 = arith.constant 2 : i32
        %add3A_246 = arith.addi %add3A_154, %add3A_245 : i32
        %dma_wait3A_247 = arith.constant 3 : i32
        %dma_wait3A_248 = arith.constant 0 : i32
        %dma_wait3A_249 = tpu.memref_slice %arg6[%dma_wait3A_247, %dma_wait3A_248] : memref<4x128xi32, #tpu.memory_space<vmem>> -> memref<1x128xi32, #tpu.memory_space<vmem>>
        %dma_wait3A_250 = tpu.memref_squeeze %dma_wait3A_249 : memref<1x128xi32, #tpu.memory_space<vmem>> -> memref<128xi32, #tpu.memory_space<vmem>>
        %dma_wait3A_251 = arith.constant 0 : i32
        %dma_wait3A_252 = tpu.memref_slice %arg3[%add3A, %add3A_246, %dma_wait3A_251] : memref<32x80x128xi32, #tpu.memory_space<hbm>> -> memref<1x1x128xi32, #tpu.memory_space<hbm>>
        %dma_wait3A_253 = tpu.memref_squeeze %dma_wait3A_252 : memref<1x1x128xi32, #tpu.memory_space<hbm>> -> memref<128xi32, #tpu.memory_space<hbm>>
        %dma_wait3A_254 = arith.constant 0 : i32
        %dma_wait3A_255 = tpu.memref_slice %arg6[%dma_wait3A_247, %dma_wait3A_254] : memref<4x128xi32, #tpu.memory_space<vmem>> -> memref<1x128xi32, #tpu.memory_space<vmem>>
        %dma_wait3A_256 = tpu.memref_squeeze %dma_wait3A_255 : memref<1x128xi32, #tpu.memory_space<vmem>> -> memref<128xi32, #tpu.memory_space<vmem>>
        %dma_wait3A_257 = arith.constant 0 : i32
        %dma_wait3A_258 = tpu.memref_slice %arg3[%add3A, %add3A_246, %dma_wait3A_257] : memref<32x80x128xi32, #tpu.memory_space<hbm>> -> memref<1x1x128xi32, #tpu.memory_space<hbm>>
        %dma_wait3A_259 = tpu.memref_squeeze %dma_wait3A_258 : memref<1x1x128xi32, #tpu.memory_space<hbm>> -> memref<128xi32, #tpu.memory_space<hbm>>
        tpu.wait_dma2 semaphore(%arg13 : memref<!tpu.dma_semaphore, #tpu.memory_space<semaphore_mem>>) src(%dma_wait3A_259 : memref<128xi32, #tpu.memory_space<hbm>>) dst(%dma_wait3A_256 : memref<128xi32, #tpu.memory_space<vmem>>)
        %dma_start3A_260 = arith.constant 3 : i32
        %dma_start3A_261 = arith.constant 1 : i32
        %dma_start3A_262 = arith.constant 0 : i32
        %dma_start3A_263 = arith.constant 0 : i32
        %dma_start3A_264 = tpu.memref_slice %arg8[%dma_start3A_261, %dma_start3A_262, %dma_start3A_263] : memref<2x128x128xf32, #tpu.memory_space<vmem>> -> memref<1x128x128xf32, #tpu.memory_space<vmem>>
        %dma_start3A_265 = tpu.memref_squeeze %dma_start3A_264 : memref<1x128x128xf32, #tpu.memory_space<vmem>> -> memref<128x128xf32, #tpu.memory_space<vmem>>
        %dma_start3A_266 = arith.constant 0 : i32
        %dma_start3A_267 = tpu.memref_slice %arg6[%dma_start3A_260, %dma_start3A_266] : memref<4x128xi32, #tpu.memory_space<vmem>> -> memref<1x128xi32, #tpu.memory_space<vmem>>
        %dma_start3A_268 = tpu.memref_squeeze %dma_start3A_267 : memref<1x128xi32, #tpu.memory_space<vmem>> -> memref<128xi32, #tpu.memory_space<vmem>>
        %dma_start3A_269 = arith.constant 0 : i32
        %dma_start3A_270 = arith.constant 0 : i32
        %dma_start3A_271 = tpu.memref_slice %arg2[%dma_start3A_269, %dma_start3A_270] : memref<10240x128xf32, #tpu.memory_space<hbm>> -> memref<10240x128xf32, #tpu.memory_space<hbm>>
        tpu.enqueue_indirect_dma source(%dma_start3A_271 : memref<10240x128xf32, #tpu.memory_space<hbm>>) target(%dma_start3A_265 : memref<128x128xf32, #tpu.memory_space<vmem>>) offsets(%dma_start3A_268 : memref<128xi32, #tpu.memory_space<vmem>>) semaphore(%arg15 : memref<!tpu.dma_semaphore, #tpu.memory_space<semaphore_mem>>)
      } else {
      }
      %mul3A_182 = arith.constant 4 : i32
      %mul3A_183 = arith.muli %scan3A_122, %mul3A_182 : i32
      %add3A_184 = arith.constant 2 : i32
      %add3A_185 = arith.addi %mul3A_183, %add3A_184 : i32
      %dma_wait3A_186 = arith.constant 2 : i32
      %dma_wait3A_187 = arith.constant 0 : i32
      %dma_wait3A_188 = arith.constant 0 : i32
      %dma_wait3A_189 = arith.constant 0 : i32
      %dma_wait3A_190 = tpu.memref_slice %arg8[%dma_wait3A_187, %dma_wait3A_188, %dma_wait3A_189] : memref<2x128x128xf32, #tpu.memory_space<vmem>> -> memref<1x128x128xf32, #tpu.memory_space<vmem>>
      %dma_wait3A_191 = tpu.memref_squeeze %dma_wait3A_190 : memref<1x128x128xf32, #tpu.memory_space<vmem>> -> memref<128x128xf32, #tpu.memory_space<vmem>>
      %dma_wait3A_192 = arith.constant 0 : i32
      %dma_wait3A_193 = tpu.memref_slice %arg6[%dma_wait3A_186, %dma_wait3A_192] : memref<4x128xi32, #tpu.memory_space<vmem>> -> memref<1x128xi32, #tpu.memory_space<vmem>>
      %dma_wait3A_194 = tpu.memref_squeeze %dma_wait3A_193 : memref<1x128xi32, #tpu.memory_space<vmem>> -> memref<128xi32, #tpu.memory_space<vmem>>
      %dma_wait3A_195 = arith.constant 0 : i32
      %dma_wait3A_196 = arith.constant 0 : i32
      %dma_wait3A_197 = tpu.memref_slice %arg2[%dma_wait3A_195, %dma_wait3A_196] : memref<10240x128xf32, #tpu.memory_space<hbm>> -> memref<10240x128xf32, #tpu.memory_space<hbm>>
      tpu.wait_indirect_dma semaphore(%arg14 : memref<!tpu.dma_semaphore, #tpu.memory_space<semaphore_mem>>) src(%dma_wait3A_197 : memref<10240x128xf32, #tpu.memory_space<hbm>>) dst(%dma_wait3A_191 : memref<128x128xf32, #tpu.memory_space<vmem>>)
      %run_scoped3A_198 = arith.constant 0 : i32
      "tpu.region"() ({
        %run_scoped3A_245 = tpu.sem_alloc : memref<!tpu.dma_semaphore, #tpu.memory_space<semaphore_mem>>
        %dma_start3A_246 = arith.constant 0 : i32
        %dma_start3A_247 = arith.constant 0 : i32
        %dma_start3A_248 = tpu.memref_slice %arg8[%run_scoped3A_198, %dma_start3A_246, %dma_start3A_247] : memref<2x128x128xf32, #tpu.memory_space<vmem>> -> memref<1x128x128xf32, #tpu.memory_space<vmem>>
        %dma_start3A_249 = tpu.memref_squeeze %dma_start3A_248 : memref<1x128x128xf32, #tpu.memory_space<vmem>> -> memref<128x128xf32, #tpu.memory_space<vmem>>
        %dma_start3A_250 = arith.constant 0 : i32
        %dma_start3A_251 = tpu.memref_slice %arg7[%add3A_185, %dma_start3A_250] : memref<80x128xi32, #tpu.memory_space<vmem>> -> memref<1x128xi32, #tpu.memory_space<vmem>>
        %dma_start3A_252 = tpu.memref_squeeze %dma_start3A_251 : memref<1x128xi32, #tpu.memory_space<vmem>> -> memref<128xi32, #tpu.memory_space<vmem>>
        %dma_start3A_253 = arith.constant 0 : i32
        %dma_start3A_254 = arith.constant 0 : i32
        %dma_start3A_255 = tpu.memref_slice %arg9[%dma_start3A_253, %dma_start3A_254] : memref<10240x128xf32, #tpu.memory_space<vmem_shared>> -> memref<10240x128xf32, #tpu.memory_space<vmem_shared>>
        tpu.enqueue_indirect_dma source(%dma_start3A_249 : memref<128x128xf32, #tpu.memory_space<vmem>>) target(%dma_start3A_255 : memref<10240x128xf32, #tpu.memory_space<vmem_shared>>) offsets(%dma_start3A_252 : memref<128xi32, #tpu.memory_space<vmem>>) semaphore(%run_scoped3A_245 : memref<!tpu.dma_semaphore, #tpu.memory_space<semaphore_mem>>) {add = true}
        %dma_wait3A_256 = arith.constant 0 : i32
        %dma_wait3A_257 = arith.constant 0 : i32
        %dma_wait3A_258 = tpu.memref_slice %arg8[%run_scoped3A_198, %dma_wait3A_256, %dma_wait3A_257] : memref<2x128x128xf32, #tpu.memory_space<vmem>> -> memref<1x128x128xf32, #tpu.memory_space<vmem>>
        %dma_wait3A_259 = tpu.memref_squeeze %dma_wait3A_258 : memref<1x128x128xf32, #tpu.memory_space<vmem>> -> memref<128x128xf32, #tpu.memory_space<vmem>>
        %dma_wait3A_260 = arith.constant 0 : i32
        %dma_wait3A_261 = tpu.memref_slice %arg7[%add3A_185, %dma_wait3A_260] : memref<80x128xi32, #tpu.memory_space<vmem>> -> memref<1x128xi32, #tpu.memory_space<vmem>>
        %dma_wait3A_262 = tpu.memref_squeeze %dma_wait3A_261 : memref<1x128xi32, #tpu.memory_space<vmem>> -> memref<128xi32, #tpu.memory_space<vmem>>
        %dma_wait3A_263 = arith.constant 0 : i32
        %dma_wait3A_264 = arith.constant 0 : i32
        %dma_wait3A_265 = tpu.memref_slice %arg9[%dma_wait3A_263, %dma_wait3A_264] : memref<10240x128xf32, #tpu.memory_space<vmem_shared>> -> memref<10240x128xf32, #tpu.memory_space<vmem_shared>>
        tpu.wait_indirect_dma semaphore(%run_scoped3A_245 : memref<!tpu.dma_semaphore, #tpu.memory_space<semaphore_mem>>) src(%dma_wait3A_259 : memref<128x128xf32, #tpu.memory_space<vmem>>) dst(%dma_wait3A_265 : memref<10240x128xf32, #tpu.memory_space<vmem_shared>>)
        tpu.yield
      }) : () -> ()
      %add3A_199 = arith.constant 4 : i32
      %add3A_200 = arith.addi %add3A_185, %add3A_199 : i32
      %lt3A_201 = arith.constant 80 : i32
      %lt3A_202 = arith.cmpi slt, %add3A_200, %lt3A_201 : i32
      %convert_element_type3A_203 = arith.extui %lt3A_202 : i1 to i32
      %cond3A_204 = arith.constant 0 : i32
      %cond3A_205 = arith.cmpi ne, %convert_element_type3A_203, %cond3A_204 : i32
      scf.if %cond3A_205 {
        %add3A_245 = arith.constant 4 : i32
        %add3A_246 = arith.addi %add3A_185, %add3A_245 : i32
        %dma_start3A_247 = arith.constant 2 : i32
        %dma_start3A_248 = arith.constant 0 : i32
        %dma_start3A_249 = tpu.memref_slice %arg6[%dma_start3A_247, %dma_start3A_248] : memref<4x128xi32, #tpu.memory_space<vmem>> -> memref<1x128xi32, #tpu.memory_space<vmem>>
        %dma_start3A_250 = tpu.memref_squeeze %dma_start3A_249 : memref<1x128xi32, #tpu.memory_space<vmem>> -> memref<128xi32, #tpu.memory_space<vmem>>
        %dma_start3A_251 = arith.constant 0 : i32
        %dma_start3A_252 = tpu.memref_slice %arg3[%add3A, %add3A_246, %dma_start3A_251] : memref<32x80x128xi32, #tpu.memory_space<hbm>> -> memref<1x1x128xi32, #tpu.memory_space<hbm>>
        %dma_start3A_253 = tpu.memref_squeeze %dma_start3A_252 : memref<1x1x128xi32, #tpu.memory_space<hbm>> -> memref<128xi32, #tpu.memory_space<hbm>>
        %dma_start3A_254 = arith.constant 0 : i32
        %dma_start3A_255 = tpu.memref_slice %arg6[%dma_start3A_247, %dma_start3A_254] : memref<4x128xi32, #tpu.memory_space<vmem>> -> memref<1x128xi32, #tpu.memory_space<vmem>>
        %dma_start3A_256 = tpu.memref_squeeze %dma_start3A_255 : memref<1x128xi32, #tpu.memory_space<vmem>> -> memref<128xi32, #tpu.memory_space<vmem>>
        %dma_start3A_257 = arith.constant 0 : i32
        %dma_start3A_258 = tpu.memref_slice %arg3[%add3A, %add3A_246, %dma_start3A_257] : memref<32x80x128xi32, #tpu.memory_space<hbm>> -> memref<1x1x128xi32, #tpu.memory_space<hbm>>
        %dma_start3A_259 = tpu.memref_squeeze %dma_start3A_258 : memref<1x1x128xi32, #tpu.memory_space<hbm>> -> memref<128xi32, #tpu.memory_space<hbm>>
        tpu.enqueue_dma source(%dma_start3A_259 : memref<128xi32, #tpu.memory_space<hbm>>) target(%dma_start3A_256 : memref<128xi32, #tpu.memory_space<vmem>>) target_semaphore(%arg12 : memref<!tpu.dma_semaphore, #tpu.memory_space<semaphore_mem>>)
      } else {
      }
      %add3A_206 = arith.constant 2 : i32
      %add3A_207 = arith.addi %add3A_185, %add3A_206 : i32
      %lt3A_208 = arith.constant 80 : i32
      %lt3A_209 = arith.cmpi slt, %add3A_207, %lt3A_208 : i32
      %convert_element_type3A_210 = arith.extui %lt3A_209 : i1 to i32
      %cond3A_211 = arith.constant 0 : i32
      %cond3A_212 = arith.cmpi ne, %convert_element_type3A_210, %cond3A_211 : i32
      scf.if %cond3A_212 {
        %add3A_245 = arith.constant 2 : i32
        %add3A_246 = arith.addi %add3A_185, %add3A_245 : i32
        %dma_wait3A_247 = arith.constant 0 : i32
        %dma_wait3A_248 = arith.constant 0 : i32
        %dma_wait3A_249 = tpu.memref_slice %arg6[%dma_wait3A_247, %dma_wait3A_248] : memref<4x128xi32, #tpu.memory_space<vmem>> -> memref<1x128xi32, #tpu.memory_space<vmem>>
        %dma_wait3A_250 = tpu.memref_squeeze %dma_wait3A_249 : memref<1x128xi32, #tpu.memory_space<vmem>> -> memref<128xi32, #tpu.memory_space<vmem>>
        %dma_wait3A_251 = arith.constant 0 : i32
        %dma_wait3A_252 = tpu.memref_slice %arg3[%add3A, %add3A_246, %dma_wait3A_251] : memref<32x80x128xi32, #tpu.memory_space<hbm>> -> memref<1x1x128xi32, #tpu.memory_space<hbm>>
        %dma_wait3A_253 = tpu.memref_squeeze %dma_wait3A_252 : memref<1x1x128xi32, #tpu.memory_space<hbm>> -> memref<128xi32, #tpu.memory_space<hbm>>
        %dma_wait3A_254 = arith.constant 0 : i32
        %dma_wait3A_255 = tpu.memref_slice %arg6[%dma_wait3A_247, %dma_wait3A_254] : memref<4x128xi32, #tpu.memory_space<vmem>> -> memref<1x128xi32, #tpu.memory_space<vmem>>
        %dma_wait3A_256 = tpu.memref_squeeze %dma_wait3A_255 : memref<1x128xi32, #tpu.memory_space<vmem>> -> memref<128xi32, #tpu.memory_space<vmem>>
        %dma_wait3A_257 = arith.constant 0 : i32
        %dma_wait3A_258 = tpu.memref_slice %arg3[%add3A, %add3A_246, %dma_wait3A_257] : memref<32x80x128xi32, #tpu.memory_space<hbm>> -> memref<1x1x128xi32, #tpu.memory_space<hbm>>
        %dma_wait3A_259 = tpu.memref_squeeze %dma_wait3A_258 : memref<1x1x128xi32, #tpu.memory_space<hbm>> -> memref<128xi32, #tpu.memory_space<hbm>>
        tpu.wait_dma2 semaphore(%arg10 : memref<!tpu.dma_semaphore, #tpu.memory_space<semaphore_mem>>) src(%dma_wait3A_259 : memref<128xi32, #tpu.memory_space<hbm>>) dst(%dma_wait3A_256 : memref<128xi32, #tpu.memory_space<vmem>>)
        %dma_start3A_260 = arith.constant 0 : i32
        %dma_start3A_261 = arith.constant 0 : i32
        %dma_start3A_262 = arith.constant 0 : i32
        %dma_start3A_263 = arith.constant 0 : i32
        %dma_start3A_264 = tpu.memref_slice %arg8[%dma_start3A_261, %dma_start3A_262, %dma_start3A_263] : memref<2x128x128xf32, #tpu.memory_space<vmem>> -> memref<1x128x128xf32, #tpu.memory_space<vmem>>
        %dma_start3A_265 = tpu.memref_squeeze %dma_start3A_264 : memref<1x128x128xf32, #tpu.memory_space<vmem>> -> memref<128x128xf32, #tpu.memory_space<vmem>>
        %dma_start3A_266 = arith.constant 0 : i32
        %dma_start3A_267 = tpu.memref_slice %arg6[%dma_start3A_260, %dma_start3A_266] : memref<4x128xi32, #tpu.memory_space<vmem>> -> memref<1x128xi32, #tpu.memory_space<vmem>>
        %dma_start3A_268 = tpu.memref_squeeze %dma_start3A_267 : memref<1x128xi32, #tpu.memory_space<vmem>> -> memref<128xi32, #tpu.memory_space<vmem>>
        %dma_start3A_269 = arith.constant 0 : i32
        %dma_start3A_270 = arith.constant 0 : i32
        %dma_start3A_271 = tpu.memref_slice %arg2[%dma_start3A_269, %dma_start3A_270] : memref<10240x128xf32, #tpu.memory_space<hbm>> -> memref<10240x128xf32, #tpu.memory_space<hbm>>
        tpu.enqueue_indirect_dma source(%dma_start3A_271 : memref<10240x128xf32, #tpu.memory_space<hbm>>) target(%dma_start3A_265 : memref<128x128xf32, #tpu.memory_space<vmem>>) offsets(%dma_start3A_268 : memref<128xi32, #tpu.memory_space<vmem>>) semaphore(%arg14 : memref<!tpu.dma_semaphore, #tpu.memory_space<semaphore_mem>>)
      } else {
      }
      %mul3A_213 = arith.constant 4 : i32
      %mul3A_214 = arith.muli %scan3A_122, %mul3A_213 : i32
      %add3A_215 = arith.constant 3 : i32
      %add3A_216 = arith.addi %mul3A_214, %add3A_215 : i32
      %dma_wait3A_217 = arith.constant 3 : i32
      %dma_wait3A_218 = arith.constant 1 : i32
      %dma_wait3A_219 = arith.constant 0 : i32
      %dma_wait3A_220 = arith.constant 0 : i32
      %dma_wait3A_221 = tpu.memref_slice %arg8[%dma_wait3A_218, %dma_wait3A_219, %dma_wait3A_220] : memref<2x128x128xf32, #tpu.memory_space<vmem>> -> memref<1x128x128xf32, #tpu.memory_space<vmem>>
      %dma_wait3A_222 = tpu.memref_squeeze %dma_wait3A_221 : memref<1x128x128xf32, #tpu.memory_space<vmem>> -> memref<128x128xf32, #tpu.memory_space<vmem>>
      %dma_wait3A_223 = arith.constant 0 : i32
      %dma_wait3A_224 = tpu.memref_slice %arg6[%dma_wait3A_217, %dma_wait3A_223] : memref<4x128xi32, #tpu.memory_space<vmem>> -> memref<1x128xi32, #tpu.memory_space<vmem>>
      %dma_wait3A_225 = tpu.memref_squeeze %dma_wait3A_224 : memref<1x128xi32, #tpu.memory_space<vmem>> -> memref<128xi32, #tpu.memory_space<vmem>>
      %dma_wait3A_226 = arith.constant 0 : i32
      %dma_wait3A_227 = arith.constant 0 : i32
      %dma_wait3A_228 = tpu.memref_slice %arg2[%dma_wait3A_226, %dma_wait3A_227] : memref<10240x128xf32, #tpu.memory_space<hbm>> -> memref<10240x128xf32, #tpu.memory_space<hbm>>
      tpu.wait_indirect_dma semaphore(%arg15 : memref<!tpu.dma_semaphore, #tpu.memory_space<semaphore_mem>>) src(%dma_wait3A_228 : memref<10240x128xf32, #tpu.memory_space<hbm>>) dst(%dma_wait3A_222 : memref<128x128xf32, #tpu.memory_space<vmem>>)
      %run_scoped3A_229 = arith.constant 1 : i32
      "tpu.region"() ({
        %run_scoped3A_245 = tpu.sem_alloc : memref<!tpu.dma_semaphore, #tpu.memory_space<semaphore_mem>>
        %dma_start3A_246 = arith.constant 0 : i32
        %dma_start3A_247 = arith.constant 0 : i32
        %dma_start3A_248 = tpu.memref_slice %arg8[%run_scoped3A_229, %dma_start3A_246, %dma_start3A_247] : memref<2x128x128xf32, #tpu.memory_space<vmem>> -> memref<1x128x128xf32, #tpu.memory_space<vmem>>
        %dma_start3A_249 = tpu.memref_squeeze %dma_start3A_248 : memref<1x128x128xf32, #tpu.memory_space<vmem>> -> memref<128x128xf32, #tpu.memory_space<vmem>>
        %dma_start3A_250 = arith.constant 0 : i32
        %dma_start3A_251 = tpu.memref_slice %arg7[%add3A_216, %dma_start3A_250] : memref<80x128xi32, #tpu.memory_space<vmem>> -> memref<1x128xi32, #tpu.memory_space<vmem>>
        %dma_start3A_252 = tpu.memref_squeeze %dma_start3A_251 : memref<1x128xi32, #tpu.memory_space<vmem>> -> memref<128xi32, #tpu.memory_space<vmem>>
        %dma_start3A_253 = arith.constant 0 : i32
        %dma_start3A_254 = arith.constant 0 : i32
        %dma_start3A_255 = tpu.memref_slice %arg9[%dma_start3A_253, %dma_start3A_254] : memref<10240x128xf32, #tpu.memory_space<vmem_shared>> -> memref<10240x128xf32, #tpu.memory_space<vmem_shared>>
        tpu.enqueue_indirect_dma source(%dma_start3A_249 : memref<128x128xf32, #tpu.memory_space<vmem>>) target(%dma_start3A_255 : memref<10240x128xf32, #tpu.memory_space<vmem_shared>>) offsets(%dma_start3A_252 : memref<128xi32, #tpu.memory_space<vmem>>) semaphore(%run_scoped3A_245 : memref<!tpu.dma_semaphore, #tpu.memory_space<semaphore_mem>>) {add = true}
        %dma_wait3A_256 = arith.constant 0 : i32
        %dma_wait3A_257 = arith.constant 0 : i32
        %dma_wait3A_258 = tpu.memref_slice %arg8[%run_scoped3A_229, %dma_wait3A_256, %dma_wait3A_257] : memref<2x128x128xf32, #tpu.memory_space<vmem>> -> memref<1x128x128xf32, #tpu.memory_space<vmem>>
        %dma_wait3A_259 = tpu.memref_squeeze %dma_wait3A_258 : memref<1x128x128xf32, #tpu.memory_space<vmem>> -> memref<128x128xf32, #tpu.memory_space<vmem>>
        %dma_wait3A_260 = arith.constant 0 : i32
        %dma_wait3A_261 = tpu.memref_slice %arg7[%add3A_216, %dma_wait3A_260] : memref<80x128xi32, #tpu.memory_space<vmem>> -> memref<1x128xi32, #tpu.memory_space<vmem>>
        %dma_wait3A_262 = tpu.memref_squeeze %dma_wait3A_261 : memref<1x128xi32, #tpu.memory_space<vmem>> -> memref<128xi32, #tpu.memory_space<vmem>>
        %dma_wait3A_263 = arith.constant 0 : i32
        %dma_wait3A_264 = arith.constant 0 : i32
        %dma_wait3A_265 = tpu.memref_slice %arg9[%dma_wait3A_263, %dma_wait3A_264] : memref<10240x128xf32, #tpu.memory_space<vmem_shared>> -> memref<10240x128xf32, #tpu.memory_space<vmem_shared>>
        tpu.wait_indirect_dma semaphore(%run_scoped3A_245 : memref<!tpu.dma_semaphore, #tpu.memory_space<semaphore_mem>>) src(%dma_wait3A_259 : memref<128x128xf32, #tpu.memory_space<vmem>>) dst(%dma_wait3A_265 : memref<10240x128xf32, #tpu.memory_space<vmem_shared>>)
        tpu.yield
      }) : () -> ()
      %add3A_230 = arith.constant 4 : i32
      %add3A_231 = arith.addi %add3A_216, %add3A_230 : i32
      %lt3A_232 = arith.constant 80 : i32
      %lt3A_233 = arith.cmpi slt, %add3A_231, %lt3A_232 : i32
      %convert_element_type3A_234 = arith.extui %lt3A_233 : i1 to i32
      %cond3A_235 = arith.constant 0 : i32
      %cond3A_236 = arith.cmpi ne, %convert_element_type3A_234, %cond3A_235 : i32
      scf.if %cond3A_236 {
        %add3A_245 = arith.constant 4 : i32
        %add3A_246 = arith.addi %add3A_216, %add3A_245 : i32
        %dma_start3A_247 = arith.constant 3 : i32
        %dma_start3A_248 = arith.constant 0 : i32
        %dma_start3A_249 = tpu.memref_slice %arg6[%dma_start3A_247, %dma_start3A_248] : memref<4x128xi32, #tpu.memory_space<vmem>> -> memref<1x128xi32, #tpu.memory_space<vmem>>
        %dma_start3A_250 = tpu.memref_squeeze %dma_start3A_249 : memref<1x128xi32, #tpu.memory_space<vmem>> -> memref<128xi32, #tpu.memory_space<vmem>>
        %dma_start3A_251 = arith.constant 0 : i32
        %dma_start3A_252 = tpu.memref_slice %arg3[%add3A, %add3A_246, %dma_start3A_251] : memref<32x80x128xi32, #tpu.memory_space<hbm>> -> memref<1x1x128xi32, #tpu.memory_space<hbm>>
        %dma_start3A_253 = tpu.memref_squeeze %dma_start3A_252 : memref<1x1x128xi32, #tpu.memory_space<hbm>> -> memref<128xi32, #tpu.memory_space<hbm>>
        %dma_start3A_254 = arith.constant 0 : i32
        %dma_start3A_255 = tpu.memref_slice %arg6[%dma_start3A_247, %dma_start3A_254] : memref<4x128xi32, #tpu.memory_space<vmem>> -> memref<1x128xi32, #tpu.memory_space<vmem>>
        %dma_start3A_256 = tpu.memref_squeeze %dma_start3A_255 : memref<1x128xi32, #tpu.memory_space<vmem>> -> memref<128xi32, #tpu.memory_space<vmem>>
        %dma_start3A_257 = arith.constant 0 : i32
        %dma_start3A_258 = tpu.memref_slice %arg3[%add3A, %add3A_246, %dma_start3A_257] : memref<32x80x128xi32, #tpu.memory_space<hbm>> -> memref<1x1x128xi32, #tpu.memory_space<hbm>>
        %dma_start3A_259 = tpu.memref_squeeze %dma_start3A_258 : memref<1x1x128xi32, #tpu.memory_space<hbm>> -> memref<128xi32, #tpu.memory_space<hbm>>
        tpu.enqueue_dma source(%dma_start3A_259 : memref<128xi32, #tpu.memory_space<hbm>>) target(%dma_start3A_256 : memref<128xi32, #tpu.memory_space<vmem>>) target_semaphore(%arg13 : memref<!tpu.dma_semaphore, #tpu.memory_space<semaphore_mem>>)
      } else {
      }
      %add3A_237 = arith.constant 2 : i32
      %add3A_238 = arith.addi %add3A_216, %add3A_237 : i32
      %lt3A_239 = arith.constant 80 : i32
      %lt3A_240 = arith.cmpi slt, %add3A_238, %lt3A_239 : i32
      %convert_element_type3A_241 = arith.extui %lt3A_240 : i1 to i32
      %cond3A_242 = arith.constant 0 : i32
      %cond3A_243 = arith.cmpi ne, %convert_element_type3A_241, %cond3A_242 : i32
      scf.if %cond3A_243 {
        %add3A_245 = arith.constant 2 : i32
        %add3A_246 = arith.addi %add3A_216, %add3A_245 : i32
        %dma_wait3A_247 = arith.constant 1 : i32
        %dma_wait3A_248 = arith.constant 0 : i32
        %dma_wait3A_249 = tpu.memref_slice %arg6[%dma_wait3A_247, %dma_wait3A_248] : memref<4x128xi32, #tpu.memory_space<vmem>> -> memref<1x128xi32, #tpu.memory_space<vmem>>
        %dma_wait3A_250 = tpu.memref_squeeze %dma_wait3A_249 : memref<1x128xi32, #tpu.memory_space<vmem>> -> memref<128xi32, #tpu.memory_space<vmem>>
        %dma_wait3A_251 = arith.constant 0 : i32
        %dma_wait3A_252 = tpu.memref_slice %arg3[%add3A, %add3A_246, %dma_wait3A_251] : memref<32x80x128xi32, #tpu.memory_space<hbm>> -> memref<1x1x128xi32, #tpu.memory_space<hbm>>
        %dma_wait3A_253 = tpu.memref_squeeze %dma_wait3A_252 : memref<1x1x128xi32, #tpu.memory_space<hbm>> -> memref<128xi32, #tpu.memory_space<hbm>>
        %dma_wait3A_254 = arith.constant 0 : i32
        %dma_wait3A_255 = tpu.memref_slice %arg6[%dma_wait3A_247, %dma_wait3A_254] : memref<4x128xi32, #tpu.memory_space<vmem>> -> memref<1x128xi32, #tpu.memory_space<vmem>>
        %dma_wait3A_256 = tpu.memref_squeeze %dma_wait3A_255 : memref<1x128xi32, #tpu.memory_space<vmem>> -> memref<128xi32, #tpu.memory_space<vmem>>
        %dma_wait3A_257 = arith.constant 0 : i32
        %dma_wait3A_258 = tpu.memref_slice %arg3[%add3A, %add3A_246, %dma_wait3A_257] : memref<32x80x128xi32, #tpu.memory_space<hbm>> -> memref<1x1x128xi32, #tpu.memory_space<hbm>>
        %dma_wait3A_259 = tpu.memref_squeeze %dma_wait3A_258 : memref<1x1x128xi32, #tpu.memory_space<hbm>> -> memref<128xi32, #tpu.memory_space<hbm>>
        tpu.wait_dma2 semaphore(%arg11 : memref<!tpu.dma_semaphore, #tpu.memory_space<semaphore_mem>>) src(%dma_wait3A_259 : memref<128xi32, #tpu.memory_space<hbm>>) dst(%dma_wait3A_256 : memref<128xi32, #tpu.memory_space<vmem>>)
        %dma_start3A_260 = arith.constant 1 : i32
        %dma_start3A_261 = arith.constant 1 : i32
        %dma_start3A_262 = arith.constant 0 : i32
        %dma_start3A_263 = arith.constant 0 : i32
        %dma_start3A_264 = tpu.memref_slice %arg8[%dma_start3A_261, %dma_start3A_262, %dma_start3A_263] : memref<2x128x128xf32, #tpu.memory_space<vmem>> -> memref<1x128x128xf32, #tpu.memory_space<vmem>>
        %dma_start3A_265 = tpu.memref_squeeze %dma_start3A_264 : memref<1x128x128xf32, #tpu.memory_space<vmem>> -> memref<128x128xf32, #tpu.memory_space<vmem>>
        %dma_start3A_266 = arith.constant 0 : i32
        %dma_start3A_267 = tpu.memref_slice %arg6[%dma_start3A_260, %dma_start3A_266] : memref<4x128xi32, #tpu.memory_space<vmem>> -> memref<1x128xi32, #tpu.memory_space<vmem>>
        %dma_start3A_268 = tpu.memref_squeeze %dma_start3A_267 : memref<1x128xi32, #tpu.memory_space<vmem>> -> memref<128xi32, #tpu.memory_space<vmem>>
        %dma_start3A_269 = arith.constant 0 : i32
        %dma_start3A_270 = arith.constant 0 : i32
        %dma_start3A_271 = tpu.memref_slice %arg2[%dma_start3A_269, %dma_start3A_270] : memref<10240x128xf32, #tpu.memory_space<hbm>> -> memref<10240x128xf32, #tpu.memory_space<hbm>>
        tpu.enqueue_indirect_dma source(%dma_start3A_271 : memref<10240x128xf32, #tpu.memory_space<hbm>>) target(%dma_start3A_265 : memref<128x128xf32, #tpu.memory_space<vmem>>) offsets(%dma_start3A_268 : memref<128xi32, #tpu.memory_space<vmem>>) semaphore(%arg15 : memref<!tpu.dma_semaphore, #tpu.memory_space<semaphore_mem>>)
      } else {
      }
      %scan3A_244 = arith.constant 0 : i32
      scf.yield %scan3A_244 : i32
    }
    %scan3A_116 = arith.constant 20 : i32
    %barrier3A_117 = arith.constant 0 : index
    tpu.barrier barrier_id(%barrier3A_117)
    %mul3A_118 = arith.constant 640 : i32
    %mul3A_119 = arith.muli %arg1, %mul3A_118 : i32
    %mul3A_120 = arith.constant 640 : i32
    %mul3A_121 = arith.muli %arg1, %mul3A_120 : i32
    "tpu.region"() ({
      %run_scoped3A = tpu.sem_alloc : memref<!tpu.dma_semaphore, #tpu.memory_space<semaphore_mem>>
      %dma_start3A_122 = arith.constant 0 : i32
      %dma_start3A_123 = tpu.memref_slice %arg5[%arg0, %mul3A_121, %dma_start3A_122] : memref<2x10240x128xf32, #tpu.memory_space<hbm>> -> memref<1x640x128xf32, #tpu.memory_space<hbm>>
      %dma_start3A_124 = tpu.memref_squeeze %dma_start3A_123 : memref<1x640x128xf32, #tpu.memory_space<hbm>> -> memref<640x128xf32, #tpu.memory_space<hbm>>
      %dma_start3A_125 = arith.constant 0 : i32
      %dma_start3A_126 = tpu.memref_slice %arg9[%mul3A_119, %dma_start3A_125] : memref<10240x128xf32, #tpu.memory_space<vmem_shared>> -> memref<640x128xf32, #tpu.memory_space<vmem_shared>>
      tpu.enqueue_dma source(%dma_start3A_126 : memref<640x128xf32, #tpu.memory_space<vmem_shared>>) target(%dma_start3A_124 : memref<640x128xf32, #tpu.memory_space<hbm>>) target_semaphore(%run_scoped3A : memref<!tpu.dma_semaphore, #tpu.memory_space<semaphore_mem>>)
      %dma_wait3A_127 = arith.constant 0 : i32
      %dma_wait3A_128 = tpu.memref_slice %arg5[%arg0, %mul3A_121, %dma_wait3A_127] : memref<2x10240x128xf32, #tpu.memory_space<hbm>> -> memref<1x640x128xf32, #tpu.memory_space<hbm>>
      %dma_wait3A_129 = tpu.memref_squeeze %dma_wait3A_128 : memref<1x640x128xf32, #tpu.memory_space<hbm>> -> memref<640x128xf32, #tpu.memory_space<hbm>>
      %dma_wait3A_130 = arith.constant 0 : i32
      %dma_wait3A_131 = tpu.memref_slice %arg9[%mul3A_119, %dma_wait3A_130] : memref<10240x128xf32, #tpu.memory_space<vmem_shared>> -> memref<640x128xf32, #tpu.memory_space<vmem_shared>>
      tpu.wait_dma2 semaphore(%run_scoped3A : memref<!tpu.dma_semaphore, #tpu.memory_space<semaphore_mem>>) src(%dma_wait3A_131 : memref<640x128xf32, #tpu.memory_space<vmem_shared>>) dst(%dma_wait3A_129 : memref<640x128xf32, #tpu.memory_space<hbm>>)
      tpu.yield
    }) : () -> ()
    return
  }
}

#map = affine_map<(d0, d1) -> (0, 0)>
#map1 = affine_map<(d0, d1) -> (0, 0, 0)>
module attributes {stable_mosaic.version = 14 : i64} {
  func.func @_hop_kernel(%arg0: i32, %arg1: i32, %arg2: memref<10240x128xf32, #tpu.memory_space<hbm>>, %arg3: memref<32x80x128xi32, #tpu.memory_space<hbm>>, %arg4: memref<32x80x128xi32, #tpu.memory_space<hbm>>, %arg5: memref<2x10240x128xf32, #tpu.memory_space<hbm>>, %arg6: memref<4x128xi32, #tpu.memory_space<vmem>>, %arg7: memref<80x128xi32, #tpu.memory_space<vmem>>, %arg8: memref<2x128x128xf32, #tpu.memory_space<vmem>>, %arg9: memref<10240x128xf32, #tpu.memory_space<vmem_shared>>, %arg10: memref<!tpu.dma_semaphore, #tpu.memory_space<semaphore_mem>>, %arg11: memref<!tpu.dma_semaphore, #tpu.memory_space<semaphore_mem>>, %arg12: memref<!tpu.dma_semaphore, #tpu.memory_space<semaphore_mem>>, %arg13: memref<!tpu.dma_semaphore, #tpu.memory_space<semaphore_mem>>, %arg14: memref<!tpu.dma_semaphore, #tpu.memory_space<semaphore_mem>>, %arg15: memref<!tpu.dma_semaphore, #tpu.memory_space<semaphore_mem>>) attributes {dimension_semantics = [#tpu.dimension_semantics<core_parallel>, #tpu.dimension_semantics<subcore_parallel>], iteration_bounds = array<i64: 2, 16>, scalar_prefetch = 0 : i64, scratch_operands = 10 : i64, tpu.core_type = #tpu.core_type<sc_vector_subcore>, window_params = [{transform_indices = #map}, {transform_indices = #map1}, {transform_indices = #map1}, {transform_indices = #map1}]} {
    %mul3A = arith.constant 16 : i32
    %mul3A_0 = arith.muli %arg0, %mul3A : i32
    %add3A = arith.addi %mul3A_0, %arg1 : i32
    "tpu.region"() ({
      %run_scoped3A = tpu.sem_alloc : memref<!tpu.dma_semaphore, #tpu.memory_space<semaphore_mem>>
      %dma_start3A_122 = arith.constant 0 : i32
      %dma_start3A_123 = arith.constant 0 : i32
      %dma_start3A_124 = tpu.memref_slice %arg4[%add3A, %dma_start3A_122, %dma_start3A_123] : memref<32x80x128xi32, #tpu.memory_space<hbm>> -> memref<1x80x128xi32, #tpu.memory_space<hbm>>
      %dma_start3A_125 = tpu.memref_squeeze %dma_start3A_124 : memref<1x80x128xi32, #tpu.memory_space<hbm>> -> memref<80x128xi32, #tpu.memory_space<hbm>>
      %dma_start3A_126 = arith.constant 0 : i32
      %dma_start3A_127 = arith.constant 0 : i32
      %dma_start3A_128 = tpu.memref_slice %arg4[%add3A, %dma_start3A_126, %dma_start3A_127] : memref<32x80x128xi32, #tpu.memory_space<hbm>> -> memref<1x80x128xi32, #tpu.memory_space<hbm>>
      %dma_start3A_129 = tpu.memref_squeeze %dma_start3A_128 : memref<1x80x128xi32, #tpu.memory_space<hbm>> -> memref<80x128xi32, #tpu.memory_space<hbm>>
      tpu.enqueue_dma source(%dma_start3A_129 : memref<80x128xi32, #tpu.memory_space<hbm>>) target(%arg7 : memref<80x128xi32, #tpu.memory_space<vmem>>) target_semaphore(%run_scoped3A : memref<!tpu.dma_semaphore, #tpu.memory_space<semaphore_mem>>)
      %dma_wait3A_130 = arith.constant 0 : i32
      %dma_wait3A_131 = arith.constant 0 : i32
      %dma_wait3A_132 = tpu.memref_slice %arg4[%add3A, %dma_wait3A_130, %dma_wait3A_131] : memref<32x80x128xi32, #tpu.memory_space<hbm>> -> memref<1x80x128xi32, #tpu.memory_space<hbm>>
      %dma_wait3A_133 = tpu.memref_squeeze %dma_wait3A_132 : memref<1x80x128xi32, #tpu.memory_space<hbm>> -> memref<80x128xi32, #tpu.memory_space<hbm>>
      %dma_wait3A_134 = arith.constant 0 : i32
      %dma_wait3A_135 = arith.constant 0 : i32
      %dma_wait3A_136 = tpu.memref_slice %arg4[%add3A, %dma_wait3A_134, %dma_wait3A_135] : memref<32x80x128xi32, #tpu.memory_space<hbm>> -> memref<1x80x128xi32, #tpu.memory_space<hbm>>
      %dma_wait3A_137 = tpu.memref_squeeze %dma_wait3A_136 : memref<1x80x128xi32, #tpu.memory_space<hbm>> -> memref<80x128xi32, #tpu.memory_space<hbm>>
      tpu.wait_dma2 semaphore(%run_scoped3A : memref<!tpu.dma_semaphore, #tpu.memory_space<semaphore_mem>>) src(%dma_wait3A_137 : memref<80x128xi32, #tpu.memory_space<hbm>>) dst(%arg7 : memref<80x128xi32, #tpu.memory_space<vmem>>)
      tpu.yield
    }) : () -> ()
    %dma_start3A = arith.constant 0 : i32
    %dma_start3A_1 = arith.constant 0 : i32
    %dma_start3A_2 = arith.constant 0 : i32
    %dma_start3A_3 = tpu.memref_slice %arg6[%dma_start3A_1, %dma_start3A_2] : memref<4x128xi32, #tpu.memory_space<vmem>> -> memref<1x128xi32, #tpu.memory_space<vmem>>
    %dma_start3A_4 = tpu.memref_squeeze %dma_start3A_3 : memref<1x128xi32, #tpu.memory_space<vmem>> -> memref<128xi32, #tpu.memory_space<vmem>>
    %dma_start3A_5 = arith.constant 0 : i32
    %dma_start3A_6 = tpu.memref_slice %arg3[%add3A, %dma_start3A, %dma_start3A_5] : memref<32x80x128xi32, #tpu.memory_space<hbm>> -> memref<1x1x128xi32, #tpu.memory_space<hbm>>
    %dma_start3A_7 = tpu.memref_squeeze %dma_start3A_6 : memref<1x1x128xi32, #tpu.memory_space<hbm>> -> memref<128xi32, #tpu.memory_space<hbm>>
    %dma_start3A_8 = arith.constant 0 : i32
    %dma_start3A_9 = tpu.memref_slice %arg6[%dma_start3A_1, %dma_start3A_8] : memref<4x128xi32, #tpu.memory_space<vmem>> -> memref<1x128xi32, #tpu.memory_space<vmem>>
    %dma_start3A_10 = tpu.memref_squeeze %dma_start3A_9 : memref<1x128xi32, #tpu.memory_space<vmem>> -> memref<128xi32, #tpu.memory_space<vmem>>
    %dma_start3A_11 = arith.constant 0 : i32
    %dma_start3A_12 = tpu.memref_slice %arg3[%add3A, %dma_start3A, %dma_start3A_11] : memref<32x80x128xi32, #tpu.memory_space<hbm>> -> memref<1x1x128xi32, #tpu.memory_space<hbm>>
    %dma_start3A_13 = tpu.memref_squeeze %dma_start3A_12 : memref<1x1x128xi32, #tpu.memory_space<hbm>> -> memref<128xi32, #tpu.memory_space<hbm>>
    tpu.enqueue_dma source(%dma_start3A_13 : memref<128xi32, #tpu.memory_space<hbm>>) target(%dma_start3A_10 : memref<128xi32, #tpu.memory_space<vmem>>) target_semaphore(%arg10 : memref<!tpu.dma_semaphore, #tpu.memory_space<semaphore_mem>>)
    %dma_start3A_14 = arith.constant 1 : i32
    %dma_start3A_15 = arith.constant 1 : i32
    %dma_start3A_16 = arith.constant 0 : i32
    %dma_start3A_17 = tpu.memref_slice %arg6[%dma_start3A_15, %dma_start3A_16] : memref<4x128xi32, #tpu.memory_space<vmem>> -> memref<1x128xi32, #tpu.memory_space<vmem>>
    %dma_start3A_18 = tpu.memref_squeeze %dma_start3A_17 : memref<1x128xi32, #tpu.memory_space<vmem>> -> memref<128xi32, #tpu.memory_space<vmem>>
    %dma_start3A_19 = arith.constant 0 : i32
    %dma_start3A_20 = tpu.memref_slice %arg3[%add3A, %dma_start3A_14, %dma_start3A_19] : memref<32x80x128xi32, #tpu.memory_space<hbm>> -> memref<1x1x128xi32, #tpu.memory_space<hbm>>
    %dma_start3A_21 = tpu.memref_squeeze %dma_start3A_20 : memref<1x1x128xi32, #tpu.memory_space<hbm>> -> memref<128xi32, #tpu.memory_space<hbm>>
    %dma_start3A_22 = arith.constant 0 : i32
    %dma_start3A_23 = tpu.memref_slice %arg6[%dma_start3A_15, %dma_start3A_22] : memref<4x128xi32, #tpu.memory_space<vmem>> -> memref<1x128xi32, #tpu.memory_space<vmem>>
    %dma_start3A_24 = tpu.memref_squeeze %dma_start3A_23 : memref<1x128xi32, #tpu.memory_space<vmem>> -> memref<128xi32, #tpu.memory_space<vmem>>
    %dma_start3A_25 = arith.constant 0 : i32
    %dma_start3A_26 = tpu.memref_slice %arg3[%add3A, %dma_start3A_14, %dma_start3A_25] : memref<32x80x128xi32, #tpu.memory_space<hbm>> -> memref<1x1x128xi32, #tpu.memory_space<hbm>>
    %dma_start3A_27 = tpu.memref_squeeze %dma_start3A_26 : memref<1x1x128xi32, #tpu.memory_space<hbm>> -> memref<128xi32, #tpu.memory_space<hbm>>
    tpu.enqueue_dma source(%dma_start3A_27 : memref<128xi32, #tpu.memory_space<hbm>>) target(%dma_start3A_24 : memref<128xi32, #tpu.memory_space<vmem>>) target_semaphore(%arg11 : memref<!tpu.dma_semaphore, #tpu.memory_space<semaphore_mem>>)
    %dma_start3A_28 = arith.constant 2 : i32
    %dma_start3A_29 = arith.constant 2 : i32
    %dma_start3A_30 = arith.constant 0 : i32
    %dma_start3A_31 = tpu.memref_slice %arg6[%dma_start3A_29, %dma_start3A_30] : memref<4x128xi32, #tpu.memory_space<vmem>> -> memref<1x128xi32, #tpu.memory_space<vmem>>
    %dma_start3A_32 = tpu.memref_squeeze %dma_start3A_31 : memref<1x128xi32, #tpu.memory_space<vmem>> -> memref<128xi32, #tpu.memory_space<vmem>>
    %dma_start3A_33 = arith.constant 0 : i32
    %dma_start3A_34 = tpu.memref_slice %arg3[%add3A, %dma_start3A_28, %dma_start3A_33] : memref<32x80x128xi32, #tpu.memory_space<hbm>> -> memref<1x1x128xi32, #tpu.memory_space<hbm>>
    %dma_start3A_35 = tpu.memref_squeeze %dma_start3A_34 : memref<1x1x128xi32, #tpu.memory_space<hbm>> -> memref<128xi32, #tpu.memory_space<hbm>>
    %dma_start3A_36 = arith.constant 0 : i32
    %dma_start3A_37 = tpu.memref_slice %arg6[%dma_start3A_29, %dma_start3A_36] : memref<4x128xi32, #tpu.memory_space<vmem>> -> memref<1x128xi32, #tpu.memory_space<vmem>>
    %dma_start3A_38 = tpu.memref_squeeze %dma_start3A_37 : memref<1x128xi32, #tpu.memory_space<vmem>> -> memref<128xi32, #tpu.memory_space<vmem>>
    %dma_start3A_39 = arith.constant 0 : i32
    %dma_start3A_40 = tpu.memref_slice %arg3[%add3A, %dma_start3A_28, %dma_start3A_39] : memref<32x80x128xi32, #tpu.memory_space<hbm>> -> memref<1x1x128xi32, #tpu.memory_space<hbm>>
    %dma_start3A_41 = tpu.memref_squeeze %dma_start3A_40 : memref<1x1x128xi32, #tpu.memory_space<hbm>> -> memref<128xi32, #tpu.memory_space<hbm>>
    tpu.enqueue_dma source(%dma_start3A_41 : memref<128xi32, #tpu.memory_space<hbm>>) target(%dma_start3A_38 : memref<128xi32, #tpu.memory_space<vmem>>) target_semaphore(%arg12 : memref<!tpu.dma_semaphore, #tpu.memory_space<semaphore_mem>>)
    %dma_start3A_42 = arith.constant 3 : i32
    %dma_start3A_43 = arith.constant 3 : i32
    %dma_start3A_44 = arith.constant 0 : i32
    %dma_start3A_45 = tpu.memref_slice %arg6[%dma_start3A_43, %dma_start3A_44] : memref<4x128xi32, #tpu.memory_space<vmem>> -> memref<1x128xi32, #tpu.memory_space<vmem>>
    %dma_start3A_46 = tpu.memref_squeeze %dma_start3A_45 : memref<1x128xi32, #tpu.memory_space<vmem>> -> memref<128xi32, #tpu.memory_space<vmem>>
    %dma_start3A_47 = arith.constant 0 : i32
    %dma_start3A_48 = tpu.memref_slice %arg3[%add3A, %dma_start3A_42, %dma_start3A_47] : memref<32x80x128xi32, #tpu.memory_space<hbm>> -> memref<1x1x128xi32, #tpu.memory_space<hbm>>
    %dma_start3A_49 = tpu.memref_squeeze %dma_start3A_48 : memref<1x1x128xi32, #tpu.memory_space<hbm>> -> memref<128xi32, #tpu.memory_space<hbm>>
    %dma_start3A_50 = arith.constant 0 : i32
    %dma_start3A_51 = tpu.memref_slice %arg6[%dma_start3A_43, %dma_start3A_50] : memref<4x128xi32, #tpu.memory_space<vmem>> -> memref<1x128xi32, #tpu.memory_space<vmem>>
    %dma_start3A_52 = tpu.memref_squeeze %dma_start3A_51 : memref<1x128xi32, #tpu.memory_space<vmem>> -> memref<128xi32, #tpu.memory_space<vmem>>
    %dma_start3A_53 = arith.constant 0 : i32
    %dma_start3A_54 = tpu.memref_slice %arg3[%add3A, %dma_start3A_42, %dma_start3A_53] : memref<32x80x128xi32, #tpu.memory_space<hbm>> -> memref<1x1x128xi32, #tpu.memory_space<hbm>>
    %dma_start3A_55 = tpu.memref_squeeze %dma_start3A_54 : memref<1x1x128xi32, #tpu.memory_space<hbm>> -> memref<128xi32, #tpu.memory_space<hbm>>
    tpu.enqueue_dma source(%dma_start3A_55 : memref<128xi32, #tpu.memory_space<hbm>>) target(%dma_start3A_52 : memref<128xi32, #tpu.memory_space<vmem>>) target_semaphore(%arg13 : memref<!tpu.dma_semaphore, #tpu.memory_space<semaphore_mem>>)
    %mul3A_56 = arith.constant 640 : i32
    %mul3A_57 = arith.muli %arg1, %mul3A_56 : i32
    %mul3A_58 = arith.constant 640 : i32
    %mul3A_59 = arith.muli %arg1, %mul3A_58 : i32
    "tpu.region"() ({
      %run_scoped3A = tpu.sem_alloc : memref<!tpu.dma_semaphore, #tpu.memory_space<semaphore_mem>>
      %dma_start3A_122 = arith.constant 0 : i32
      %dma_start3A_123 = tpu.memref_slice %arg9[%mul3A_59, %dma_start3A_122] : memref<10240x128xf32, #tpu.memory_space<vmem_shared>> -> memref<640x128xf32, #tpu.memory_space<vmem_shared>>
      %dma_start3A_124 = arith.constant 0 : i32
      %dma_start3A_125 = tpu.memref_slice %arg2[%mul3A_57, %dma_start3A_124] : memref<10240x128xf32, #tpu.memory_space<hbm>> -> memref<640x128xf32, #tpu.memory_space<hbm>>
      tpu.enqueue_dma source(%dma_start3A_125 : memref<640x128xf32, #tpu.memory_space<hbm>>) target(%dma_start3A_123 : memref<640x128xf32, #tpu.memory_space<vmem_shared>>) target_semaphore(%run_scoped3A : memref<!tpu.dma_semaphore, #tpu.memory_space<semaphore_mem>>)
      %dma_wait3A_126 = arith.constant 0 : i32
      %dma_wait3A_127 = tpu.memref_slice %arg9[%mul3A_59, %dma_wait3A_126] : memref<10240x128xf32, #tpu.memory_space<vmem_shared>> -> memref<640x128xf32, #tpu.memory_space<vmem_shared>>
      %dma_wait3A_128 = arith.constant 0 : i32
      %dma_wait3A_129 = tpu.memref_slice %arg2[%mul3A_57, %dma_wait3A_128] : memref<10240x128xf32, #tpu.memory_space<hbm>> -> memref<640x128xf32, #tpu.memory_space<hbm>>
      tpu.wait_dma2 semaphore(%run_scoped3A : memref<!tpu.dma_semaphore, #tpu.memory_space<semaphore_mem>>) src(%dma_wait3A_129 : memref<640x128xf32, #tpu.memory_space<hbm>>) dst(%dma_wait3A_127 : memref<640x128xf32, #tpu.memory_space<vmem_shared>>)
      tpu.yield
    }) : () -> ()
    %dma_wait3A = arith.constant 0 : i32
    %dma_wait3A_60 = arith.constant 0 : i32
    %dma_wait3A_61 = arith.constant 0 : i32
    %dma_wait3A_62 = tpu.memref_slice %arg6[%dma_wait3A_60, %dma_wait3A_61] : memref<4x128xi32, #tpu.memory_space<vmem>> -> memref<1x128xi32, #tpu.memory_space<vmem>>
    %dma_wait3A_63 = tpu.memref_squeeze %dma_wait3A_62 : memref<1x128xi32, #tpu.memory_space<vmem>> -> memref<128xi32, #tpu.memory_space<vmem>>
    %dma_wait3A_64 = arith.constant 0 : i32
    %dma_wait3A_65 = tpu.memref_slice %arg3[%add3A, %dma_wait3A, %dma_wait3A_64] : memref<32x80x128xi32, #tpu.memory_space<hbm>> -> memref<1x1x128xi32, #tpu.memory_space<hbm>>
    %dma_wait3A_66 = tpu.memref_squeeze %dma_wait3A_65 : memref<1x1x128xi32, #tpu.memory_space<hbm>> -> memref<128xi32, #tpu.memory_space<hbm>>
    %dma_wait3A_67 = arith.constant 0 : i32
    %dma_wait3A_68 = tpu.memref_slice %arg6[%dma_wait3A_60, %dma_wait3A_67] : memref<4x128xi32, #tpu.memory_space<vmem>> -> memref<1x128xi32, #tpu.memory_space<vmem>>
    %dma_wait3A_69 = tpu.memref_squeeze %dma_wait3A_68 : memref<1x128xi32, #tpu.memory_space<vmem>> -> memref<128xi32, #tpu.memory_space<vmem>>
    %dma_wait3A_70 = arith.constant 0 : i32
    %dma_wait3A_71 = tpu.memref_slice %arg3[%add3A, %dma_wait3A, %dma_wait3A_70] : memref<32x80x128xi32, #tpu.memory_space<hbm>> -> memref<1x1x128xi32, #tpu.memory_space<hbm>>
    %dma_wait3A_72 = tpu.memref_squeeze %dma_wait3A_71 : memref<1x1x128xi32, #tpu.memory_space<hbm>> -> memref<128xi32, #tpu.memory_space<hbm>>
    tpu.wait_dma2 semaphore(%arg10 : memref<!tpu.dma_semaphore, #tpu.memory_space<semaphore_mem>>) src(%dma_wait3A_72 : memref<128xi32, #tpu.memory_space<hbm>>) dst(%dma_wait3A_69 : memref<128xi32, #tpu.memory_space<vmem>>)
    %dma_start3A_73 = arith.constant 0 : i32
    %dma_start3A_74 = arith.constant 0 : i32
    %dma_start3A_75 = arith.constant 0 : i32
    %dma_start3A_76 = arith.constant 0 : i32
    %dma_start3A_77 = tpu.memref_slice %arg8[%dma_start3A_74, %dma_start3A_75, %dma_start3A_76] : memref<2x128x128xf32, #tpu.memory_space<vmem>> -> memref<1x128x128xf32, #tpu.memory_space<vmem>>
    %dma_start3A_78 = tpu.memref_squeeze %dma_start3A_77 : memref<1x128x128xf32, #tpu.memory_space<vmem>> -> memref<128x128xf32, #tpu.memory_space<vmem>>
    %dma_start3A_79 = arith.constant 0 : i32
    %dma_start3A_80 = tpu.memref_slice %arg6[%dma_start3A_73, %dma_start3A_79] : memref<4x128xi32, #tpu.memory_space<vmem>> -> memref<1x128xi32, #tpu.memory_space<vmem>>
    %dma_start3A_81 = tpu.memref_squeeze %dma_start3A_80 : memref<1x128xi32, #tpu.memory_space<vmem>> -> memref<128xi32, #tpu.memory_space<vmem>>
    %dma_start3A_82 = arith.constant 0 : i32
    %dma_start3A_83 = arith.constant 0 : i32
    %dma_start3A_84 = tpu.memref_slice %arg2[%dma_start3A_82, %dma_start3A_83] : memref<10240x128xf32, #tpu.memory_space<hbm>> -> memref<10240x128xf32, #tpu.memory_space<hbm>>
    tpu.enqueue_indirect_dma source(%dma_start3A_84 : memref<10240x128xf32, #tpu.memory_space<hbm>>) target(%dma_start3A_78 : memref<128x128xf32, #tpu.memory_space<vmem>>) offsets(%dma_start3A_81 : memref<128xi32, #tpu.memory_space<vmem>>) semaphore(%arg14 : memref<!tpu.dma_semaphore, #tpu.memory_space<semaphore_mem>>)
    %dma_wait3A_85 = arith.constant 1 : i32
    %dma_wait3A_86 = arith.constant 1 : i32
    %dma_wait3A_87 = arith.constant 0 : i32
    %dma_wait3A_88 = tpu.memref_slice %arg6[%dma_wait3A_86, %dma_wait3A_87] : memref<4x128xi32, #tpu.memory_space<vmem>> -> memref<1x128xi32, #tpu.memory_space<vmem>>
    %dma_wait3A_89 = tpu.memref_squeeze %dma_wait3A_88 : memref<1x128xi32, #tpu.memory_space<vmem>> -> memref<128xi32, #tpu.memory_space<vmem>>
    %dma_wait3A_90 = arith.constant 0 : i32
    %dma_wait3A_91 = tpu.memref_slice %arg3[%add3A, %dma_wait3A_85, %dma_wait3A_90] : memref<32x80x128xi32, #tpu.memory_space<hbm>> -> memref<1x1x128xi32, #tpu.memory_space<hbm>>
    %dma_wait3A_92 = tpu.memref_squeeze %dma_wait3A_91 : memref<1x1x128xi32, #tpu.memory_space<hbm>> -> memref<128xi32, #tpu.memory_space<hbm>>
    %dma_wait3A_93 = arith.constant 0 : i32
    %dma_wait3A_94 = tpu.memref_slice %arg6[%dma_wait3A_86, %dma_wait3A_93] : memref<4x128xi32, #tpu.memory_space<vmem>> -> memref<1x128xi32, #tpu.memory_space<vmem>>
    %dma_wait3A_95 = tpu.memref_squeeze %dma_wait3A_94 : memref<1x128xi32, #tpu.memory_space<vmem>> -> memref<128xi32, #tpu.memory_space<vmem>>
    %dma_wait3A_96 = arith.constant 0 : i32
    %dma_wait3A_97 = tpu.memref_slice %arg3[%add3A, %dma_wait3A_85, %dma_wait3A_96] : memref<32x80x128xi32, #tpu.memory_space<hbm>> -> memref<1x1x128xi32, #tpu.memory_space<hbm>>
    %dma_wait3A_98 = tpu.memref_squeeze %dma_wait3A_97 : memref<1x1x128xi32, #tpu.memory_space<hbm>> -> memref<128xi32, #tpu.memory_space<hbm>>
    tpu.wait_dma2 semaphore(%arg11 : memref<!tpu.dma_semaphore, #tpu.memory_space<semaphore_mem>>) src(%dma_wait3A_98 : memref<128xi32, #tpu.memory_space<hbm>>) dst(%dma_wait3A_95 : memref<128xi32, #tpu.memory_space<vmem>>)
    %dma_start3A_99 = arith.constant 1 : i32
    %dma_start3A_100 = arith.constant 1 : i32
    %dma_start3A_101 = arith.constant 0 : i32
    %dma_start3A_102 = arith.constant 0 : i32
    %dma_start3A_103 = tpu.memref_slice %arg8[%dma_start3A_100, %dma_start3A_101, %dma_start3A_102] : memref<2x128x128xf32, #tpu.memory_space<vmem>> -> memref<1x128x128xf32, #tpu.memory_space<vmem>>
    %dma_start3A_104 = tpu.memref_squeeze %dma_start3A_103 : memref<1x128x128xf32, #tpu.memory_space<vmem>> -> memref<128x128xf32, #tpu.memory_space<vmem>>
    %dma_start3A_105 = arith.constant 0 : i32
    %dma_start3A_106 = tpu.memref_slice %arg6[%dma_start3A_99, %dma_start3A_105] : memref<4x128xi32, #tpu.memory_space<vmem>> -> memref<1x128xi32, #tpu.memory_space<vmem>>
    %dma_start3A_107 = tpu.memref_squeeze %dma_start3A_106 : memref<1x128xi32, #tpu.memory_space<vmem>> -> memref<128xi32, #tpu.memory_space<vmem>>
    %dma_start3A_108 = arith.constant 0 : i32
    %dma_start3A_109 = arith.constant 0 : i32
    %dma_start3A_110 = tpu.memref_slice %arg2[%dma_start3A_108, %dma_start3A_109] : memref<10240x128xf32, #tpu.memory_space<hbm>> -> memref<10240x128xf32, #tpu.memory_space<hbm>>
    tpu.enqueue_indirect_dma source(%dma_start3A_110 : memref<10240x128xf32, #tpu.memory_space<hbm>>) target(%dma_start3A_104 : memref<128x128xf32, #tpu.memory_space<vmem>>) offsets(%dma_start3A_107 : memref<128xi32, #tpu.memory_space<vmem>>) semaphore(%arg15 : memref<!tpu.dma_semaphore, #tpu.memory_space<semaphore_mem>>)
    %barrier3A = arith.constant 0 : index
    tpu.barrier barrier_id(%barrier3A)
    %scan3A = arith.constant 0 : i32
    %scan3A_111 = arith.constant 0 : i32
    %scan3A_112 = arith.constant 20 : i32
    %scan3A_113 = arith.addi %scan3A_111, %scan3A_112 : i32
    %scan3A_114 = arith.constant 1 : i32
    %scan3A_115 = scf.for %scan3A_122 = %scan3A_111 to %scan3A_113 step %scan3A_114 iter_args(%scan3A_123 = %scan3A) -> (i32)  : i32 {
      %mul3A_124 = arith.constant 4 : i32
      %mul3A_125 = arith.muli %scan3A_122, %mul3A_124 : i32
      %add3A_126 = arith.constant 0 : i32
      %add3A_127 = arith.addi %mul3A_125, %add3A_126 : i32
      %dma_wait3A_128 = arith.constant 0 : i32
      %dma_wait3A_129 = arith.constant 0 : i32
      %dma_wait3A_130 = arith.constant 0 : i32
      %dma_wait3A_131 = arith.constant 0 : i32
      %dma_wait3A_132 = tpu.memref_slice %arg8[%dma_wait3A_129, %dma_wait3A_130, %dma_wait3A_131] : memref<2x128x128xf32, #tpu.memory_space<vmem>> -> memref<1x128x128xf32, #tpu.memory_space<vmem>>
      %dma_wait3A_133 = tpu.memref_squeeze %dma_wait3A_132 : memref<1x128x128xf32, #tpu.memory_space<vmem>> -> memref<128x128xf32, #tpu.memory_space<vmem>>
      %dma_wait3A_134 = arith.constant 0 : i32
      %dma_wait3A_135 = tpu.memref_slice %arg6[%dma_wait3A_128, %dma_wait3A_134] : memref<4x128xi32, #tpu.memory_space<vmem>> -> memref<1x128xi32, #tpu.memory_space<vmem>>
      %dma_wait3A_136 = tpu.memref_squeeze %dma_wait3A_135 : memref<1x128xi32, #tpu.memory_space<vmem>> -> memref<128xi32, #tpu.memory_space<vmem>>
      %dma_wait3A_137 = arith.constant 0 : i32
      %dma_wait3A_138 = arith.constant 0 : i32
      %dma_wait3A_139 = tpu.memref_slice %arg2[%dma_wait3A_137, %dma_wait3A_138] : memref<10240x128xf32, #tpu.memory_space<hbm>> -> memref<10240x128xf32, #tpu.memory_space<hbm>>
      tpu.wait_indirect_dma semaphore(%arg14 : memref<!tpu.dma_semaphore, #tpu.memory_space<semaphore_mem>>) src(%dma_wait3A_139 : memref<10240x128xf32, #tpu.memory_space<hbm>>) dst(%dma_wait3A_133 : memref<128x128xf32, #tpu.memory_space<vmem>>)
      %run_scoped3A = arith.constant 0 : i32
      "tpu.region"() ({
        %run_scoped3A_245 = tpu.sem_alloc : memref<!tpu.dma_semaphore, #tpu.memory_space<semaphore_mem>>
        %dma_start3A_246 = arith.constant 0 : i32
        %dma_start3A_247 = arith.constant 0 : i32
        %dma_start3A_248 = tpu.memref_slice %arg8[%run_scoped3A, %dma_start3A_246, %dma_start3A_247] : memref<2x128x128xf32, #tpu.memory_space<vmem>> -> memref<1x128x128xf32, #tpu.memory_space<vmem>>
        %dma_start3A_249 = tpu.memref_squeeze %dma_start3A_248 : memref<1x128x128xf32, #tpu.memory_space<vmem>> -> memref<128x128xf32, #tpu.memory_space<vmem>>
        %dma_start3A_250 = arith.constant 0 : i32
        %dma_start3A_251 = tpu.memref_slice %arg7[%add3A_127, %dma_start3A_250] : memref<80x128xi32, #tpu.memory_space<vmem>> -> memref<1x128xi32, #tpu.memory_space<vmem>>
        %dma_start3A_252 = tpu.memref_squeeze %dma_start3A_251 : memref<1x128xi32, #tpu.memory_space<vmem>> -> memref<128xi32, #tpu.memory_space<vmem>>
        %dma_start3A_253 = arith.constant 0 : i32
        %dma_start3A_254 = arith.constant 0 : i32
        %dma_start3A_255 = tpu.memref_slice %arg9[%dma_start3A_253, %dma_start3A_254] : memref<10240x128xf32, #tpu.memory_space<vmem_shared>> -> memref<10240x128xf32, #tpu.memory_space<vmem_shared>>
        tpu.enqueue_indirect_dma source(%dma_start3A_249 : memref<128x128xf32, #tpu.memory_space<vmem>>) target(%dma_start3A_255 : memref<10240x128xf32, #tpu.memory_space<vmem_shared>>) offsets(%dma_start3A_252 : memref<128xi32, #tpu.memory_space<vmem>>) semaphore(%run_scoped3A_245 : memref<!tpu.dma_semaphore, #tpu.memory_space<semaphore_mem>>) {add = true}
        %dma_wait3A_256 = arith.constant 0 : i32
        %dma_wait3A_257 = arith.constant 0 : i32
        %dma_wait3A_258 = tpu.memref_slice %arg8[%run_scoped3A, %dma_wait3A_256, %dma_wait3A_257] : memref<2x128x128xf32, #tpu.memory_space<vmem>> -> memref<1x128x128xf32, #tpu.memory_space<vmem>>
        %dma_wait3A_259 = tpu.memref_squeeze %dma_wait3A_258 : memref<1x128x128xf32, #tpu.memory_space<vmem>> -> memref<128x128xf32, #tpu.memory_space<vmem>>
        %dma_wait3A_260 = arith.constant 0 : i32
        %dma_wait3A_261 = tpu.memref_slice %arg7[%add3A_127, %dma_wait3A_260] : memref<80x128xi32, #tpu.memory_space<vmem>> -> memref<1x128xi32, #tpu.memory_space<vmem>>
        %dma_wait3A_262 = tpu.memref_squeeze %dma_wait3A_261 : memref<1x128xi32, #tpu.memory_space<vmem>> -> memref<128xi32, #tpu.memory_space<vmem>>
        %dma_wait3A_263 = arith.constant 0 : i32
        %dma_wait3A_264 = arith.constant 0 : i32
        %dma_wait3A_265 = tpu.memref_slice %arg9[%dma_wait3A_263, %dma_wait3A_264] : memref<10240x128xf32, #tpu.memory_space<vmem_shared>> -> memref<10240x128xf32, #tpu.memory_space<vmem_shared>>
        tpu.wait_indirect_dma semaphore(%run_scoped3A_245 : memref<!tpu.dma_semaphore, #tpu.memory_space<semaphore_mem>>) src(%dma_wait3A_259 : memref<128x128xf32, #tpu.memory_space<vmem>>) dst(%dma_wait3A_265 : memref<10240x128xf32, #tpu.memory_space<vmem_shared>>)
        tpu.yield
      }) : () -> ()
      %add3A_140 = arith.constant 4 : i32
      %add3A_141 = arith.addi %add3A_127, %add3A_140 : i32
      %lt3A = arith.constant 80 : i32
      %lt3A_142 = arith.cmpi slt, %add3A_141, %lt3A : i32
      %convert_element_type3A = arith.extui %lt3A_142 : i1 to i32
      %cond3A = arith.constant 0 : i32
      %cond3A_143 = arith.cmpi ne, %convert_element_type3A, %cond3A : i32
      scf.if %cond3A_143 {
        %add3A_245 = arith.constant 4 : i32
        %add3A_246 = arith.addi %add3A_127, %add3A_245 : i32
        %dma_start3A_247 = arith.constant 0 : i32
        %dma_start3A_248 = arith.constant 0 : i32
        %dma_start3A_249 = tpu.memref_slice %arg6[%dma_start3A_247, %dma_start3A_248] : memref<4x128xi32, #tpu.memory_space<vmem>> -> memref<1x128xi32, #tpu.memory_space<vmem>>
        %dma_start3A_250 = tpu.memref_squeeze %dma_start3A_249 : memref<1x128xi32, #tpu.memory_space<vmem>> -> memref<128xi32, #tpu.memory_space<vmem>>
        %dma_start3A_251 = arith.constant 0 : i32
        %dma_start3A_252 = tpu.memref_slice %arg3[%add3A, %add3A_246, %dma_start3A_251] : memref<32x80x128xi32, #tpu.memory_space<hbm>> -> memref<1x1x128xi32, #tpu.memory_space<hbm>>
        %dma_start3A_253 = tpu.memref_squeeze %dma_start3A_252 : memref<1x1x128xi32, #tpu.memory_space<hbm>> -> memref<128xi32, #tpu.memory_space<hbm>>
        %dma_start3A_254 = arith.constant 0 : i32
        %dma_start3A_255 = tpu.memref_slice %arg6[%dma_start3A_247, %dma_start3A_254] : memref<4x128xi32, #tpu.memory_space<vmem>> -> memref<1x128xi32, #tpu.memory_space<vmem>>
        %dma_start3A_256 = tpu.memref_squeeze %dma_start3A_255 : memref<1x128xi32, #tpu.memory_space<vmem>> -> memref<128xi32, #tpu.memory_space<vmem>>
        %dma_start3A_257 = arith.constant 0 : i32
        %dma_start3A_258 = tpu.memref_slice %arg3[%add3A, %add3A_246, %dma_start3A_257] : memref<32x80x128xi32, #tpu.memory_space<hbm>> -> memref<1x1x128xi32, #tpu.memory_space<hbm>>
        %dma_start3A_259 = tpu.memref_squeeze %dma_start3A_258 : memref<1x1x128xi32, #tpu.memory_space<hbm>> -> memref<128xi32, #tpu.memory_space<hbm>>
        tpu.enqueue_dma source(%dma_start3A_259 : memref<128xi32, #tpu.memory_space<hbm>>) target(%dma_start3A_256 : memref<128xi32, #tpu.memory_space<vmem>>) target_semaphore(%arg10 : memref<!tpu.dma_semaphore, #tpu.memory_space<semaphore_mem>>)
      } else {
      }
      %add3A_144 = arith.constant 2 : i32
      %add3A_145 = arith.addi %add3A_127, %add3A_144 : i32
      %lt3A_146 = arith.constant 80 : i32
      %lt3A_147 = arith.cmpi slt, %add3A_145, %lt3A_146 : i32
      %convert_element_type3A_148 = arith.extui %lt3A_147 : i1 to i32
      %cond3A_149 = arith.constant 0 : i32
      %cond3A_150 = arith.cmpi ne, %convert_element_type3A_148, %cond3A_149 : i32
      scf.if %cond3A_150 {
        %add3A_245 = arith.constant 2 : i32
        %add3A_246 = arith.addi %add3A_127, %add3A_245 : i32
        %dma_wait3A_247 = arith.constant 2 : i32
        %dma_wait3A_248 = arith.constant 0 : i32
        %dma_wait3A_249 = tpu.memref_slice %arg6[%dma_wait3A_247, %dma_wait3A_248] : memref<4x128xi32, #tpu.memory_space<vmem>> -> memref<1x128xi32, #tpu.memory_space<vmem>>
        %dma_wait3A_250 = tpu.memref_squeeze %dma_wait3A_249 : memref<1x128xi32, #tpu.memory_space<vmem>> -> memref<128xi32, #tpu.memory_space<vmem>>
        %dma_wait3A_251 = arith.constant 0 : i32
        %dma_wait3A_252 = tpu.memref_slice %arg3[%add3A, %add3A_246, %dma_wait3A_251] : memref<32x80x128xi32, #tpu.memory_space<hbm>> -> memref<1x1x128xi32, #tpu.memory_space<hbm>>
        %dma_wait3A_253 = tpu.memref_squeeze %dma_wait3A_252 : memref<1x1x128xi32, #tpu.memory_space<hbm>> -> memref<128xi32, #tpu.memory_space<hbm>>
        %dma_wait3A_254 = arith.constant 0 : i32
        %dma_wait3A_255 = tpu.memref_slice %arg6[%dma_wait3A_247, %dma_wait3A_254] : memref<4x128xi32, #tpu.memory_space<vmem>> -> memref<1x128xi32, #tpu.memory_space<vmem>>
        %dma_wait3A_256 = tpu.memref_squeeze %dma_wait3A_255 : memref<1x128xi32, #tpu.memory_space<vmem>> -> memref<128xi32, #tpu.memory_space<vmem>>
        %dma_wait3A_257 = arith.constant 0 : i32
        %dma_wait3A_258 = tpu.memref_slice %arg3[%add3A, %add3A_246, %dma_wait3A_257] : memref<32x80x128xi32, #tpu.memory_space<hbm>> -> memref<1x1x128xi32, #tpu.memory_space<hbm>>
        %dma_wait3A_259 = tpu.memref_squeeze %dma_wait3A_258 : memref<1x1x128xi32, #tpu.memory_space<hbm>> -> memref<128xi32, #tpu.memory_space<hbm>>
        tpu.wait_dma2 semaphore(%arg12 : memref<!tpu.dma_semaphore, #tpu.memory_space<semaphore_mem>>) src(%dma_wait3A_259 : memref<128xi32, #tpu.memory_space<hbm>>) dst(%dma_wait3A_256 : memref<128xi32, #tpu.memory_space<vmem>>)
        %dma_start3A_260 = arith.constant 2 : i32
        %dma_start3A_261 = arith.constant 0 : i32
        %dma_start3A_262 = arith.constant 0 : i32
        %dma_start3A_263 = arith.constant 0 : i32
        %dma_start3A_264 = tpu.memref_slice %arg8[%dma_start3A_261, %dma_start3A_262, %dma_start3A_263] : memref<2x128x128xf32, #tpu.memory_space<vmem>> -> memref<1x128x128xf32, #tpu.memory_space<vmem>>
        %dma_start3A_265 = tpu.memref_squeeze %dma_start3A_264 : memref<1x128x128xf32, #tpu.memory_space<vmem>> -> memref<128x128xf32, #tpu.memory_space<vmem>>
        %dma_start3A_266 = arith.constant 0 : i32
        %dma_start3A_267 = tpu.memref_slice %arg6[%dma_start3A_260, %dma_start3A_266] : memref<4x128xi32, #tpu.memory_space<vmem>> -> memref<1x128xi32, #tpu.memory_space<vmem>>
        %dma_start3A_268 = tpu.memref_squeeze %dma_start3A_267 : memref<1x128xi32, #tpu.memory_space<vmem>> -> memref<128xi32, #tpu.memory_space<vmem>>
        %dma_start3A_269 = arith.constant 0 : i32
        %dma_start3A_270 = arith.constant 0 : i32
        %dma_start3A_271 = tpu.memref_slice %arg2[%dma_start3A_269, %dma_start3A_270] : memref<10240x128xf32, #tpu.memory_space<hbm>> -> memref<10240x128xf32, #tpu.memory_space<hbm>>
        tpu.enqueue_indirect_dma source(%dma_start3A_271 : memref<10240x128xf32, #tpu.memory_space<hbm>>) target(%dma_start3A_265 : memref<128x128xf32, #tpu.memory_space<vmem>>) offsets(%dma_start3A_268 : memref<128xi32, #tpu.memory_space<vmem>>) semaphore(%arg14 : memref<!tpu.dma_semaphore, #tpu.memory_space<semaphore_mem>>)
      } else {
      }
      %mul3A_151 = arith.constant 4 : i32
      %mul3A_152 = arith.muli %scan3A_122, %mul3A_151 : i32
      %add3A_153 = arith.constant 1 : i32
      %add3A_154 = arith.addi %mul3A_152, %add3A_153 : i32
      %dma_wait3A_155 = arith.constant 1 : i32
      %dma_wait3A_156 = arith.constant 1 : i32
      %dma_wait3A_157 = arith.constant 0 : i32
      %dma_wait3A_158 = arith.constant 0 : i32
      %dma_wait3A_159 = tpu.memref_slice %arg8[%dma_wait3A_156, %dma_wait3A_157, %dma_wait3A_158] : memref<2x128x128xf32, #tpu.memory_space<vmem>> -> memref<1x128x128xf32, #tpu.memory_space<vmem>>
      %dma_wait3A_160 = tpu.memref_squeeze %dma_wait3A_159 : memref<1x128x128xf32, #tpu.memory_space<vmem>> -> memref<128x128xf32, #tpu.memory_space<vmem>>
      %dma_wait3A_161 = arith.constant 0 : i32
      %dma_wait3A_162 = tpu.memref_slice %arg6[%dma_wait3A_155, %dma_wait3A_161] : memref<4x128xi32, #tpu.memory_space<vmem>> -> memref<1x128xi32, #tpu.memory_space<vmem>>
      %dma_wait3A_163 = tpu.memref_squeeze %dma_wait3A_162 : memref<1x128xi32, #tpu.memory_space<vmem>> -> memref<128xi32, #tpu.memory_space<vmem>>
      %dma_wait3A_164 = arith.constant 0 : i32
      %dma_wait3A_165 = arith.constant 0 : i32
      %dma_wait3A_166 = tpu.memref_slice %arg2[%dma_wait3A_164, %dma_wait3A_165] : memref<10240x128xf32, #tpu.memory_space<hbm>> -> memref<10240x128xf32, #tpu.memory_space<hbm>>
      tpu.wait_indirect_dma semaphore(%arg15 : memref<!tpu.dma_semaphore, #tpu.memory_space<semaphore_mem>>) src(%dma_wait3A_166 : memref<10240x128xf32, #tpu.memory_space<hbm>>) dst(%dma_wait3A_160 : memref<128x128xf32, #tpu.memory_space<vmem>>)
      %run_scoped3A_167 = arith.constant 1 : i32
      "tpu.region"() ({
        %run_scoped3A_245 = tpu.sem_alloc : memref<!tpu.dma_semaphore, #tpu.memory_space<semaphore_mem>>
        %dma_start3A_246 = arith.constant 0 : i32
        %dma_start3A_247 = arith.constant 0 : i32
        %dma_start3A_248 = tpu.memref_slice %arg8[%run_scoped3A_167, %dma_start3A_246, %dma_start3A_247] : memref<2x128x128xf32, #tpu.memory_space<vmem>> -> memref<1x128x128xf32, #tpu.memory_space<vmem>>
        %dma_start3A_249 = tpu.memref_squeeze %dma_start3A_248 : memref<1x128x128xf32, #tpu.memory_space<vmem>> -> memref<128x128xf32, #tpu.memory_space<vmem>>
        %dma_start3A_250 = arith.constant 0 : i32
        %dma_start3A_251 = tpu.memref_slice %arg7[%add3A_154, %dma_start3A_250] : memref<80x128xi32, #tpu.memory_space<vmem>> -> memref<1x128xi32, #tpu.memory_space<vmem>>
        %dma_start3A_252 = tpu.memref_squeeze %dma_start3A_251 : memref<1x128xi32, #tpu.memory_space<vmem>> -> memref<128xi32, #tpu.memory_space<vmem>>
        %dma_start3A_253 = arith.constant 0 : i32
        %dma_start3A_254 = arith.constant 0 : i32
        %dma_start3A_255 = tpu.memref_slice %arg9[%dma_start3A_253, %dma_start3A_254] : memref<10240x128xf32, #tpu.memory_space<vmem_shared>> -> memref<10240x128xf32, #tpu.memory_space<vmem_shared>>
        tpu.enqueue_indirect_dma source(%dma_start3A_249 : memref<128x128xf32, #tpu.memory_space<vmem>>) target(%dma_start3A_255 : memref<10240x128xf32, #tpu.memory_space<vmem_shared>>) offsets(%dma_start3A_252 : memref<128xi32, #tpu.memory_space<vmem>>) semaphore(%run_scoped3A_245 : memref<!tpu.dma_semaphore, #tpu.memory_space<semaphore_mem>>) {add = true}
        %dma_wait3A_256 = arith.constant 0 : i32
        %dma_wait3A_257 = arith.constant 0 : i32
        %dma_wait3A_258 = tpu.memref_slice %arg8[%run_scoped3A_167, %dma_wait3A_256, %dma_wait3A_257] : memref<2x128x128xf32, #tpu.memory_space<vmem>> -> memref<1x128x128xf32, #tpu.memory_space<vmem>>
        %dma_wait3A_259 = tpu.memref_squeeze %dma_wait3A_258 : memref<1x128x128xf32, #tpu.memory_space<vmem>> -> memref<128x128xf32, #tpu.memory_space<vmem>>
        %dma_wait3A_260 = arith.constant 0 : i32
        %dma_wait3A_261 = tpu.memref_slice %arg7[%add3A_154, %dma_wait3A_260] : memref<80x128xi32, #tpu.memory_space<vmem>> -> memref<1x128xi32, #tpu.memory_space<vmem>>
        %dma_wait3A_262 = tpu.memref_squeeze %dma_wait3A_261 : memref<1x128xi32, #tpu.memory_space<vmem>> -> memref<128xi32, #tpu.memory_space<vmem>>
        %dma_wait3A_263 = arith.constant 0 : i32
        %dma_wait3A_264 = arith.constant 0 : i32
        %dma_wait3A_265 = tpu.memref_slice %arg9[%dma_wait3A_263, %dma_wait3A_264] : memref<10240x128xf32, #tpu.memory_space<vmem_shared>> -> memref<10240x128xf32, #tpu.memory_space<vmem_shared>>
        tpu.wait_indirect_dma semaphore(%run_scoped3A_245 : memref<!tpu.dma_semaphore, #tpu.memory_space<semaphore_mem>>) src(%dma_wait3A_259 : memref<128x128xf32, #tpu.memory_space<vmem>>) dst(%dma_wait3A_265 : memref<10240x128xf32, #tpu.memory_space<vmem_shared>>)
        tpu.yield
      }) : () -> ()
      %add3A_168 = arith.constant 4 : i32
      %add3A_169 = arith.addi %add3A_154, %add3A_168 : i32
      %lt3A_170 = arith.constant 80 : i32
      %lt3A_171 = arith.cmpi slt, %add3A_169, %lt3A_170 : i32
      %convert_element_type3A_172 = arith.extui %lt3A_171 : i1 to i32
      %cond3A_173 = arith.constant 0 : i32
      %cond3A_174 = arith.cmpi ne, %convert_element_type3A_172, %cond3A_173 : i32
      scf.if %cond3A_174 {
        %add3A_245 = arith.constant 4 : i32
        %add3A_246 = arith.addi %add3A_154, %add3A_245 : i32
        %dma_start3A_247 = arith.constant 1 : i32
        %dma_start3A_248 = arith.constant 0 : i32
        %dma_start3A_249 = tpu.memref_slice %arg6[%dma_start3A_247, %dma_start3A_248] : memref<4x128xi32, #tpu.memory_space<vmem>> -> memref<1x128xi32, #tpu.memory_space<vmem>>
        %dma_start3A_250 = tpu.memref_squeeze %dma_start3A_249 : memref<1x128xi32, #tpu.memory_space<vmem>> -> memref<128xi32, #tpu.memory_space<vmem>>
        %dma_start3A_251 = arith.constant 0 : i32
        %dma_start3A_252 = tpu.memref_slice %arg3[%add3A, %add3A_246, %dma_start3A_251] : memref<32x80x128xi32, #tpu.memory_space<hbm>> -> memref<1x1x128xi32, #tpu.memory_space<hbm>>
        %dma_start3A_253 = tpu.memref_squeeze %dma_start3A_252 : memref<1x1x128xi32, #tpu.memory_space<hbm>> -> memref<128xi32, #tpu.memory_space<hbm>>
        %dma_start3A_254 = arith.constant 0 : i32
        %dma_start3A_255 = tpu.memref_slice %arg6[%dma_start3A_247, %dma_start3A_254] : memref<4x128xi32, #tpu.memory_space<vmem>> -> memref<1x128xi32, #tpu.memory_space<vmem>>
        %dma_start3A_256 = tpu.memref_squeeze %dma_start3A_255 : memref<1x128xi32, #tpu.memory_space<vmem>> -> memref<128xi32, #tpu.memory_space<vmem>>
        %dma_start3A_257 = arith.constant 0 : i32
        %dma_start3A_258 = tpu.memref_slice %arg3[%add3A, %add3A_246, %dma_start3A_257] : memref<32x80x128xi32, #tpu.memory_space<hbm>> -> memref<1x1x128xi32, #tpu.memory_space<hbm>>
        %dma_start3A_259 = tpu.memref_squeeze %dma_start3A_258 : memref<1x1x128xi32, #tpu.memory_space<hbm>> -> memref<128xi32, #tpu.memory_space<hbm>>
        tpu.enqueue_dma source(%dma_start3A_259 : memref<128xi32, #tpu.memory_space<hbm>>) target(%dma_start3A_256 : memref<128xi32, #tpu.memory_space<vmem>>) target_semaphore(%arg11 : memref<!tpu.dma_semaphore, #tpu.memory_space<semaphore_mem>>)
      } else {
      }
      %add3A_175 = arith.constant 2 : i32
      %add3A_176 = arith.addi %add3A_154, %add3A_175 : i32
      %lt3A_177 = arith.constant 80 : i32
      %lt3A_178 = arith.cmpi slt, %add3A_176, %lt3A_177 : i32
      %convert_element_type3A_179 = arith.extui %lt3A_178 : i1 to i32
      %cond3A_180 = arith.constant 0 : i32
      %cond3A_181 = arith.cmpi ne, %convert_element_type3A_179, %cond3A_180 : i32
      scf.if %cond3A_181 {
        %add3A_245 = arith.constant 2 : i32
        %add3A_246 = arith.addi %add3A_154, %add3A_245 : i32
        %dma_wait3A_247 = arith.constant 3 : i32
        %dma_wait3A_248 = arith.constant 0 : i32
        %dma_wait3A_249 = tpu.memref_slice %arg6[%dma_wait3A_247, %dma_wait3A_248] : memref<4x128xi32, #tpu.memory_space<vmem>> -> memref<1x128xi32, #tpu.memory_space<vmem>>
        %dma_wait3A_250 = tpu.memref_squeeze %dma_wait3A_249 : memref<1x128xi32, #tpu.memory_space<vmem>> -> memref<128xi32, #tpu.memory_space<vmem>>
        %dma_wait3A_251 = arith.constant 0 : i32
        %dma_wait3A_252 = tpu.memref_slice %arg3[%add3A, %add3A_246, %dma_wait3A_251] : memref<32x80x128xi32, #tpu.memory_space<hbm>> -> memref<1x1x128xi32, #tpu.memory_space<hbm>>
        %dma_wait3A_253 = tpu.memref_squeeze %dma_wait3A_252 : memref<1x1x128xi32, #tpu.memory_space<hbm>> -> memref<128xi32, #tpu.memory_space<hbm>>
        %dma_wait3A_254 = arith.constant 0 : i32
        %dma_wait3A_255 = tpu.memref_slice %arg6[%dma_wait3A_247, %dma_wait3A_254] : memref<4x128xi32, #tpu.memory_space<vmem>> -> memref<1x128xi32, #tpu.memory_space<vmem>>
        %dma_wait3A_256 = tpu.memref_squeeze %dma_wait3A_255 : memref<1x128xi32, #tpu.memory_space<vmem>> -> memref<128xi32, #tpu.memory_space<vmem>>
        %dma_wait3A_257 = arith.constant 0 : i32
        %dma_wait3A_258 = tpu.memref_slice %arg3[%add3A, %add3A_246, %dma_wait3A_257] : memref<32x80x128xi32, #tpu.memory_space<hbm>> -> memref<1x1x128xi32, #tpu.memory_space<hbm>>
        %dma_wait3A_259 = tpu.memref_squeeze %dma_wait3A_258 : memref<1x1x128xi32, #tpu.memory_space<hbm>> -> memref<128xi32, #tpu.memory_space<hbm>>
        tpu.wait_dma2 semaphore(%arg13 : memref<!tpu.dma_semaphore, #tpu.memory_space<semaphore_mem>>) src(%dma_wait3A_259 : memref<128xi32, #tpu.memory_space<hbm>>) dst(%dma_wait3A_256 : memref<128xi32, #tpu.memory_space<vmem>>)
        %dma_start3A_260 = arith.constant 3 : i32
        %dma_start3A_261 = arith.constant 1 : i32
        %dma_start3A_262 = arith.constant 0 : i32
        %dma_start3A_263 = arith.constant 0 : i32
        %dma_start3A_264 = tpu.memref_slice %arg8[%dma_start3A_261, %dma_start3A_262, %dma_start3A_263] : memref<2x128x128xf32, #tpu.memory_space<vmem>> -> memref<1x128x128xf32, #tpu.memory_space<vmem>>
        %dma_start3A_265 = tpu.memref_squeeze %dma_start3A_264 : memref<1x128x128xf32, #tpu.memory_space<vmem>> -> memref<128x128xf32, #tpu.memory_space<vmem>>
        %dma_start3A_266 = arith.constant 0 : i32
        %dma_start3A_267 = tpu.memref_slice %arg6[%dma_start3A_260, %dma_start3A_266] : memref<4x128xi32, #tpu.memory_space<vmem>> -> memref<1x128xi32, #tpu.memory_space<vmem>>
        %dma_start3A_268 = tpu.memref_squeeze %dma_start3A_267 : memref<1x128xi32, #tpu.memory_space<vmem>> -> memref<128xi32, #tpu.memory_space<vmem>>
        %dma_start3A_269 = arith.constant 0 : i32
        %dma_start3A_270 = arith.constant 0 : i32
        %dma_start3A_271 = tpu.memref_slice %arg2[%dma_start3A_269, %dma_start3A_270] : memref<10240x128xf32, #tpu.memory_space<hbm>> -> memref<10240x128xf32, #tpu.memory_space<hbm>>
        tpu.enqueue_indirect_dma source(%dma_start3A_271 : memref<10240x128xf32, #tpu.memory_space<hbm>>) target(%dma_start3A_265 : memref<128x128xf32, #tpu.memory_space<vmem>>) offsets(%dma_start3A_268 : memref<128xi32, #tpu.memory_space<vmem>>) semaphore(%arg15 : memref<!tpu.dma_semaphore, #tpu.memory_space<semaphore_mem>>)
      } else {
      }
      %mul3A_182 = arith.constant 4 : i32
      %mul3A_183 = arith.muli %scan3A_122, %mul3A_182 : i32
      %add3A_184 = arith.constant 2 : i32
      %add3A_185 = arith.addi %mul3A_183, %add3A_184 : i32
      %dma_wait3A_186 = arith.constant 2 : i32
      %dma_wait3A_187 = arith.constant 0 : i32
      %dma_wait3A_188 = arith.constant 0 : i32
      %dma_wait3A_189 = arith.constant 0 : i32
      %dma_wait3A_190 = tpu.memref_slice %arg8[%dma_wait3A_187, %dma_wait3A_188, %dma_wait3A_189] : memref<2x128x128xf32, #tpu.memory_space<vmem>> -> memref<1x128x128xf32, #tpu.memory_space<vmem>>
      %dma_wait3A_191 = tpu.memref_squeeze %dma_wait3A_190 : memref<1x128x128xf32, #tpu.memory_space<vmem>> -> memref<128x128xf32, #tpu.memory_space<vmem>>
      %dma_wait3A_192 = arith.constant 0 : i32
      %dma_wait3A_193 = tpu.memref_slice %arg6[%dma_wait3A_186, %dma_wait3A_192] : memref<4x128xi32, #tpu.memory_space<vmem>> -> memref<1x128xi32, #tpu.memory_space<vmem>>
      %dma_wait3A_194 = tpu.memref_squeeze %dma_wait3A_193 : memref<1x128xi32, #tpu.memory_space<vmem>> -> memref<128xi32, #tpu.memory_space<vmem>>
      %dma_wait3A_195 = arith.constant 0 : i32
      %dma_wait3A_196 = arith.constant 0 : i32
      %dma_wait3A_197 = tpu.memref_slice %arg2[%dma_wait3A_195, %dma_wait3A_196] : memref<10240x128xf32, #tpu.memory_space<hbm>> -> memref<10240x128xf32, #tpu.memory_space<hbm>>
      tpu.wait_indirect_dma semaphore(%arg14 : memref<!tpu.dma_semaphore, #tpu.memory_space<semaphore_mem>>) src(%dma_wait3A_197 : memref<10240x128xf32, #tpu.memory_space<hbm>>) dst(%dma_wait3A_191 : memref<128x128xf32, #tpu.memory_space<vmem>>)
      %run_scoped3A_198 = arith.constant 0 : i32
      "tpu.region"() ({
        %run_scoped3A_245 = tpu.sem_alloc : memref<!tpu.dma_semaphore, #tpu.memory_space<semaphore_mem>>
        %dma_start3A_246 = arith.constant 0 : i32
        %dma_start3A_247 = arith.constant 0 : i32
        %dma_start3A_248 = tpu.memref_slice %arg8[%run_scoped3A_198, %dma_start3A_246, %dma_start3A_247] : memref<2x128x128xf32, #tpu.memory_space<vmem>> -> memref<1x128x128xf32, #tpu.memory_space<vmem>>
        %dma_start3A_249 = tpu.memref_squeeze %dma_start3A_248 : memref<1x128x128xf32, #tpu.memory_space<vmem>> -> memref<128x128xf32, #tpu.memory_space<vmem>>
        %dma_start3A_250 = arith.constant 0 : i32
        %dma_start3A_251 = tpu.memref_slice %arg7[%add3A_185, %dma_start3A_250] : memref<80x128xi32, #tpu.memory_space<vmem>> -> memref<1x128xi32, #tpu.memory_space<vmem>>
        %dma_start3A_252 = tpu.memref_squeeze %dma_start3A_251 : memref<1x128xi32, #tpu.memory_space<vmem>> -> memref<128xi32, #tpu.memory_space<vmem>>
        %dma_start3A_253 = arith.constant 0 : i32
        %dma_start3A_254 = arith.constant 0 : i32
        %dma_start3A_255 = tpu.memref_slice %arg9[%dma_start3A_253, %dma_start3A_254] : memref<10240x128xf32, #tpu.memory_space<vmem_shared>> -> memref<10240x128xf32, #tpu.memory_space<vmem_shared>>
        tpu.enqueue_indirect_dma source(%dma_start3A_249 : memref<128x128xf32, #tpu.memory_space<vmem>>) target(%dma_start3A_255 : memref<10240x128xf32, #tpu.memory_space<vmem_shared>>) offsets(%dma_start3A_252 : memref<128xi32, #tpu.memory_space<vmem>>) semaphore(%run_scoped3A_245 : memref<!tpu.dma_semaphore, #tpu.memory_space<semaphore_mem>>) {add = true}
        %dma_wait3A_256 = arith.constant 0 : i32
        %dma_wait3A_257 = arith.constant 0 : i32
        %dma_wait3A_258 = tpu.memref_slice %arg8[%run_scoped3A_198, %dma_wait3A_256, %dma_wait3A_257] : memref<2x128x128xf32, #tpu.memory_space<vmem>> -> memref<1x128x128xf32, #tpu.memory_space<vmem>>
        %dma_wait3A_259 = tpu.memref_squeeze %dma_wait3A_258 : memref<1x128x128xf32, #tpu.memory_space<vmem>> -> memref<128x128xf32, #tpu.memory_space<vmem>>
        %dma_wait3A_260 = arith.constant 0 : i32
        %dma_wait3A_261 = tpu.memref_slice %arg7[%add3A_185, %dma_wait3A_260] : memref<80x128xi32, #tpu.memory_space<vmem>> -> memref<1x128xi32, #tpu.memory_space<vmem>>
        %dma_wait3A_262 = tpu.memref_squeeze %dma_wait3A_261 : memref<1x128xi32, #tpu.memory_space<vmem>> -> memref<128xi32, #tpu.memory_space<vmem>>
        %dma_wait3A_263 = arith.constant 0 : i32
        %dma_wait3A_264 = arith.constant 0 : i32
        %dma_wait3A_265 = tpu.memref_slice %arg9[%dma_wait3A_263, %dma_wait3A_264] : memref<10240x128xf32, #tpu.memory_space<vmem_shared>> -> memref<10240x128xf32, #tpu.memory_space<vmem_shared>>
        tpu.wait_indirect_dma semaphore(%run_scoped3A_245 : memref<!tpu.dma_semaphore, #tpu.memory_space<semaphore_mem>>) src(%dma_wait3A_259 : memref<128x128xf32, #tpu.memory_space<vmem>>) dst(%dma_wait3A_265 : memref<10240x128xf32, #tpu.memory_space<vmem_shared>>)
        tpu.yield
      }) : () -> ()
      %add3A_199 = arith.constant 4 : i32
      %add3A_200 = arith.addi %add3A_185, %add3A_199 : i32
      %lt3A_201 = arith.constant 80 : i32
      %lt3A_202 = arith.cmpi slt, %add3A_200, %lt3A_201 : i32
      %convert_element_type3A_203 = arith.extui %lt3A_202 : i1 to i32
      %cond3A_204 = arith.constant 0 : i32
      %cond3A_205 = arith.cmpi ne, %convert_element_type3A_203, %cond3A_204 : i32
      scf.if %cond3A_205 {
        %add3A_245 = arith.constant 4 : i32
        %add3A_246 = arith.addi %add3A_185, %add3A_245 : i32
        %dma_start3A_247 = arith.constant 2 : i32
        %dma_start3A_248 = arith.constant 0 : i32
        %dma_start3A_249 = tpu.memref_slice %arg6[%dma_start3A_247, %dma_start3A_248] : memref<4x128xi32, #tpu.memory_space<vmem>> -> memref<1x128xi32, #tpu.memory_space<vmem>>
        %dma_start3A_250 = tpu.memref_squeeze %dma_start3A_249 : memref<1x128xi32, #tpu.memory_space<vmem>> -> memref<128xi32, #tpu.memory_space<vmem>>
        %dma_start3A_251 = arith.constant 0 : i32
        %dma_start3A_252 = tpu.memref_slice %arg3[%add3A, %add3A_246, %dma_start3A_251] : memref<32x80x128xi32, #tpu.memory_space<hbm>> -> memref<1x1x128xi32, #tpu.memory_space<hbm>>
        %dma_start3A_253 = tpu.memref_squeeze %dma_start3A_252 : memref<1x1x128xi32, #tpu.memory_space<hbm>> -> memref<128xi32, #tpu.memory_space<hbm>>
        %dma_start3A_254 = arith.constant 0 : i32
        %dma_start3A_255 = tpu.memref_slice %arg6[%dma_start3A_247, %dma_start3A_254] : memref<4x128xi32, #tpu.memory_space<vmem>> -> memref<1x128xi32, #tpu.memory_space<vmem>>
        %dma_start3A_256 = tpu.memref_squeeze %dma_start3A_255 : memref<1x128xi32, #tpu.memory_space<vmem>> -> memref<128xi32, #tpu.memory_space<vmem>>
        %dma_start3A_257 = arith.constant 0 : i32
        %dma_start3A_258 = tpu.memref_slice %arg3[%add3A, %add3A_246, %dma_start3A_257] : memref<32x80x128xi32, #tpu.memory_space<hbm>> -> memref<1x1x128xi32, #tpu.memory_space<hbm>>
        %dma_start3A_259 = tpu.memref_squeeze %dma_start3A_258 : memref<1x1x128xi32, #tpu.memory_space<hbm>> -> memref<128xi32, #tpu.memory_space<hbm>>
        tpu.enqueue_dma source(%dma_start3A_259 : memref<128xi32, #tpu.memory_space<hbm>>) target(%dma_start3A_256 : memref<128xi32, #tpu.memory_space<vmem>>) target_semaphore(%arg12 : memref<!tpu.dma_semaphore, #tpu.memory_space<semaphore_mem>>)
      } else {
      }
      %add3A_206 = arith.constant 2 : i32
      %add3A_207 = arith.addi %add3A_185, %add3A_206 : i32
      %lt3A_208 = arith.constant 80 : i32
      %lt3A_209 = arith.cmpi slt, %add3A_207, %lt3A_208 : i32
      %convert_element_type3A_210 = arith.extui %lt3A_209 : i1 to i32
      %cond3A_211 = arith.constant 0 : i32
      %cond3A_212 = arith.cmpi ne, %convert_element_type3A_210, %cond3A_211 : i32
      scf.if %cond3A_212 {
        %add3A_245 = arith.constant 2 : i32
        %add3A_246 = arith.addi %add3A_185, %add3A_245 : i32
        %dma_wait3A_247 = arith.constant 0 : i32
        %dma_wait3A_248 = arith.constant 0 : i32
        %dma_wait3A_249 = tpu.memref_slice %arg6[%dma_wait3A_247, %dma_wait3A_248] : memref<4x128xi32, #tpu.memory_space<vmem>> -> memref<1x128xi32, #tpu.memory_space<vmem>>
        %dma_wait3A_250 = tpu.memref_squeeze %dma_wait3A_249 : memref<1x128xi32, #tpu.memory_space<vmem>> -> memref<128xi32, #tpu.memory_space<vmem>>
        %dma_wait3A_251 = arith.constant 0 : i32
        %dma_wait3A_252 = tpu.memref_slice %arg3[%add3A, %add3A_246, %dma_wait3A_251] : memref<32x80x128xi32, #tpu.memory_space<hbm>> -> memref<1x1x128xi32, #tpu.memory_space<hbm>>
        %dma_wait3A_253 = tpu.memref_squeeze %dma_wait3A_252 : memref<1x1x128xi32, #tpu.memory_space<hbm>> -> memref<128xi32, #tpu.memory_space<hbm>>
        %dma_wait3A_254 = arith.constant 0 : i32
        %dma_wait3A_255 = tpu.memref_slice %arg6[%dma_wait3A_247, %dma_wait3A_254] : memref<4x128xi32, #tpu.memory_space<vmem>> -> memref<1x128xi32, #tpu.memory_space<vmem>>
        %dma_wait3A_256 = tpu.memref_squeeze %dma_wait3A_255 : memref<1x128xi32, #tpu.memory_space<vmem>> -> memref<128xi32, #tpu.memory_space<vmem>>
        %dma_wait3A_257 = arith.constant 0 : i32
        %dma_wait3A_258 = tpu.memref_slice %arg3[%add3A, %add3A_246, %dma_wait3A_257] : memref<32x80x128xi32, #tpu.memory_space<hbm>> -> memref<1x1x128xi32, #tpu.memory_space<hbm>>
        %dma_wait3A_259 = tpu.memref_squeeze %dma_wait3A_258 : memref<1x1x128xi32, #tpu.memory_space<hbm>> -> memref<128xi32, #tpu.memory_space<hbm>>
        tpu.wait_dma2 semaphore(%arg10 : memref<!tpu.dma_semaphore, #tpu.memory_space<semaphore_mem>>) src(%dma_wait3A_259 : memref<128xi32, #tpu.memory_space<hbm>>) dst(%dma_wait3A_256 : memref<128xi32, #tpu.memory_space<vmem>>)
        %dma_start3A_260 = arith.constant 0 : i32
        %dma_start3A_261 = arith.constant 0 : i32
        %dma_start3A_262 = arith.constant 0 : i32
        %dma_start3A_263 = arith.constant 0 : i32
        %dma_start3A_264 = tpu.memref_slice %arg8[%dma_start3A_261, %dma_start3A_262, %dma_start3A_263] : memref<2x128x128xf32, #tpu.memory_space<vmem>> -> memref<1x128x128xf32, #tpu.memory_space<vmem>>
        %dma_start3A_265 = tpu.memref_squeeze %dma_start3A_264 : memref<1x128x128xf32, #tpu.memory_space<vmem>> -> memref<128x128xf32, #tpu.memory_space<vmem>>
        %dma_start3A_266 = arith.constant 0 : i32
        %dma_start3A_267 = tpu.memref_slice %arg6[%dma_start3A_260, %dma_start3A_266] : memref<4x128xi32, #tpu.memory_space<vmem>> -> memref<1x128xi32, #tpu.memory_space<vmem>>
        %dma_start3A_268 = tpu.memref_squeeze %dma_start3A_267 : memref<1x128xi32, #tpu.memory_space<vmem>> -> memref<128xi32, #tpu.memory_space<vmem>>
        %dma_start3A_269 = arith.constant 0 : i32
        %dma_start3A_270 = arith.constant 0 : i32
        %dma_start3A_271 = tpu.memref_slice %arg2[%dma_start3A_269, %dma_start3A_270] : memref<10240x128xf32, #tpu.memory_space<hbm>> -> memref<10240x128xf32, #tpu.memory_space<hbm>>
        tpu.enqueue_indirect_dma source(%dma_start3A_271 : memref<10240x128xf32, #tpu.memory_space<hbm>>) target(%dma_start3A_265 : memref<128x128xf32, #tpu.memory_space<vmem>>) offsets(%dma_start3A_268 : memref<128xi32, #tpu.memory_space<vmem>>) semaphore(%arg14 : memref<!tpu.dma_semaphore, #tpu.memory_space<semaphore_mem>>)
      } else {
      }
      %mul3A_213 = arith.constant 4 : i32
      %mul3A_214 = arith.muli %scan3A_122, %mul3A_213 : i32
      %add3A_215 = arith.constant 3 : i32
      %add3A_216 = arith.addi %mul3A_214, %add3A_215 : i32
      %dma_wait3A_217 = arith.constant 3 : i32
      %dma_wait3A_218 = arith.constant 1 : i32
      %dma_wait3A_219 = arith.constant 0 : i32
      %dma_wait3A_220 = arith.constant 0 : i32
      %dma_wait3A_221 = tpu.memref_slice %arg8[%dma_wait3A_218, %dma_wait3A_219, %dma_wait3A_220] : memref<2x128x128xf32, #tpu.memory_space<vmem>> -> memref<1x128x128xf32, #tpu.memory_space<vmem>>
      %dma_wait3A_222 = tpu.memref_squeeze %dma_wait3A_221 : memref<1x128x128xf32, #tpu.memory_space<vmem>> -> memref<128x128xf32, #tpu.memory_space<vmem>>
      %dma_wait3A_223 = arith.constant 0 : i32
      %dma_wait3A_224 = tpu.memref_slice %arg6[%dma_wait3A_217, %dma_wait3A_223] : memref<4x128xi32, #tpu.memory_space<vmem>> -> memref<1x128xi32, #tpu.memory_space<vmem>>
      %dma_wait3A_225 = tpu.memref_squeeze %dma_wait3A_224 : memref<1x128xi32, #tpu.memory_space<vmem>> -> memref<128xi32, #tpu.memory_space<vmem>>
      %dma_wait3A_226 = arith.constant 0 : i32
      %dma_wait3A_227 = arith.constant 0 : i32
      %dma_wait3A_228 = tpu.memref_slice %arg2[%dma_wait3A_226, %dma_wait3A_227] : memref<10240x128xf32, #tpu.memory_space<hbm>> -> memref<10240x128xf32, #tpu.memory_space<hbm>>
      tpu.wait_indirect_dma semaphore(%arg15 : memref<!tpu.dma_semaphore, #tpu.memory_space<semaphore_mem>>) src(%dma_wait3A_228 : memref<10240x128xf32, #tpu.memory_space<hbm>>) dst(%dma_wait3A_222 : memref<128x128xf32, #tpu.memory_space<vmem>>)
      %run_scoped3A_229 = arith.constant 1 : i32
      "tpu.region"() ({
        %run_scoped3A_245 = tpu.sem_alloc : memref<!tpu.dma_semaphore, #tpu.memory_space<semaphore_mem>>
        %dma_start3A_246 = arith.constant 0 : i32
        %dma_start3A_247 = arith.constant 0 : i32
        %dma_start3A_248 = tpu.memref_slice %arg8[%run_scoped3A_229, %dma_start3A_246, %dma_start3A_247] : memref<2x128x128xf32, #tpu.memory_space<vmem>> -> memref<1x128x128xf32, #tpu.memory_space<vmem>>
        %dma_start3A_249 = tpu.memref_squeeze %dma_start3A_248 : memref<1x128x128xf32, #tpu.memory_space<vmem>> -> memref<128x128xf32, #tpu.memory_space<vmem>>
        %dma_start3A_250 = arith.constant 0 : i32
        %dma_start3A_251 = tpu.memref_slice %arg7[%add3A_216, %dma_start3A_250] : memref<80x128xi32, #tpu.memory_space<vmem>> -> memref<1x128xi32, #tpu.memory_space<vmem>>
        %dma_start3A_252 = tpu.memref_squeeze %dma_start3A_251 : memref<1x128xi32, #tpu.memory_space<vmem>> -> memref<128xi32, #tpu.memory_space<vmem>>
        %dma_start3A_253 = arith.constant 0 : i32
        %dma_start3A_254 = arith.constant 0 : i32
        %dma_start3A_255 = tpu.memref_slice %arg9[%dma_start3A_253, %dma_start3A_254] : memref<10240x128xf32, #tpu.memory_space<vmem_shared>> -> memref<10240x128xf32, #tpu.memory_space<vmem_shared>>
        tpu.enqueue_indirect_dma source(%dma_start3A_249 : memref<128x128xf32, #tpu.memory_space<vmem>>) target(%dma_start3A_255 : memref<10240x128xf32, #tpu.memory_space<vmem_shared>>) offsets(%dma_start3A_252 : memref<128xi32, #tpu.memory_space<vmem>>) semaphore(%run_scoped3A_245 : memref<!tpu.dma_semaphore, #tpu.memory_space<semaphore_mem>>) {add = true}
        %dma_wait3A_256 = arith.constant 0 : i32
        %dma_wait3A_257 = arith.constant 0 : i32
        %dma_wait3A_258 = tpu.memref_slice %arg8[%run_scoped3A_229, %dma_wait3A_256, %dma_wait3A_257] : memref<2x128x128xf32, #tpu.memory_space<vmem>> -> memref<1x128x128xf32, #tpu.memory_space<vmem>>
        %dma_wait3A_259 = tpu.memref_squeeze %dma_wait3A_258 : memref<1x128x128xf32, #tpu.memory_space<vmem>> -> memref<128x128xf32, #tpu.memory_space<vmem>>
        %dma_wait3A_260 = arith.constant 0 : i32
        %dma_wait3A_261 = tpu.memref_slice %arg7[%add3A_216, %dma_wait3A_260] : memref<80x128xi32, #tpu.memory_space<vmem>> -> memref<1x128xi32, #tpu.memory_space<vmem>>
        %dma_wait3A_262 = tpu.memref_squeeze %dma_wait3A_261 : memref<1x128xi32, #tpu.memory_space<vmem>> -> memref<128xi32, #tpu.memory_space<vmem>>
        %dma_wait3A_263 = arith.constant 0 : i32
        %dma_wait3A_264 = arith.constant 0 : i32
        %dma_wait3A_265 = tpu.memref_slice %arg9[%dma_wait3A_263, %dma_wait3A_264] : memref<10240x128xf32, #tpu.memory_space<vmem_shared>> -> memref<10240x128xf32, #tpu.memory_space<vmem_shared>>
        tpu.wait_indirect_dma semaphore(%run_scoped3A_245 : memref<!tpu.dma_semaphore, #tpu.memory_space<semaphore_mem>>) src(%dma_wait3A_259 : memref<128x128xf32, #tpu.memory_space<vmem>>) dst(%dma_wait3A_265 : memref<10240x128xf32, #tpu.memory_space<vmem_shared>>)
        tpu.yield
      }) : () -> ()
      %add3A_230 = arith.constant 4 : i32
      %add3A_231 = arith.addi %add3A_216, %add3A_230 : i32
      %lt3A_232 = arith.constant 80 : i32
      %lt3A_233 = arith.cmpi slt, %add3A_231, %lt3A_232 : i32
      %convert_element_type3A_234 = arith.extui %lt3A_233 : i1 to i32
      %cond3A_235 = arith.constant 0 : i32
      %cond3A_236 = arith.cmpi ne, %convert_element_type3A_234, %cond3A_235 : i32
      scf.if %cond3A_236 {
        %add3A_245 = arith.constant 4 : i32
        %add3A_246 = arith.addi %add3A_216, %add3A_245 : i32
        %dma_start3A_247 = arith.constant 3 : i32
        %dma_start3A_248 = arith.constant 0 : i32
        %dma_start3A_249 = tpu.memref_slice %arg6[%dma_start3A_247, %dma_start3A_248] : memref<4x128xi32, #tpu.memory_space<vmem>> -> memref<1x128xi32, #tpu.memory_space<vmem>>
        %dma_start3A_250 = tpu.memref_squeeze %dma_start3A_249 : memref<1x128xi32, #tpu.memory_space<vmem>> -> memref<128xi32, #tpu.memory_space<vmem>>
        %dma_start3A_251 = arith.constant 0 : i32
        %dma_start3A_252 = tpu.memref_slice %arg3[%add3A, %add3A_246, %dma_start3A_251] : memref<32x80x128xi32, #tpu.memory_space<hbm>> -> memref<1x1x128xi32, #tpu.memory_space<hbm>>
        %dma_start3A_253 = tpu.memref_squeeze %dma_start3A_252 : memref<1x1x128xi32, #tpu.memory_space<hbm>> -> memref<128xi32, #tpu.memory_space<hbm>>
        %dma_start3A_254 = arith.constant 0 : i32
        %dma_start3A_255 = tpu.memref_slice %arg6[%dma_start3A_247, %dma_start3A_254] : memref<4x128xi32, #tpu.memory_space<vmem>> -> memref<1x128xi32, #tpu.memory_space<vmem>>
        %dma_start3A_256 = tpu.memref_squeeze %dma_start3A_255 : memref<1x128xi32, #tpu.memory_space<vmem>> -> memref<128xi32, #tpu.memory_space<vmem>>
        %dma_start3A_257 = arith.constant 0 : i32
        %dma_start3A_258 = tpu.memref_slice %arg3[%add3A, %add3A_246, %dma_start3A_257] : memref<32x80x128xi32, #tpu.memory_space<hbm>> -> memref<1x1x128xi32, #tpu.memory_space<hbm>>
        %dma_start3A_259 = tpu.memref_squeeze %dma_start3A_258 : memref<1x1x128xi32, #tpu.memory_space<hbm>> -> memref<128xi32, #tpu.memory_space<hbm>>
        tpu.enqueue_dma source(%dma_start3A_259 : memref<128xi32, #tpu.memory_space<hbm>>) target(%dma_start3A_256 : memref<128xi32, #tpu.memory_space<vmem>>) target_semaphore(%arg13 : memref<!tpu.dma_semaphore, #tpu.memory_space<semaphore_mem>>)
      } else {
      }
      %add3A_237 = arith.constant 2 : i32
      %add3A_238 = arith.addi %add3A_216, %add3A_237 : i32
      %lt3A_239 = arith.constant 80 : i32
      %lt3A_240 = arith.cmpi slt, %add3A_238, %lt3A_239 : i32
      %convert_element_type3A_241 = arith.extui %lt3A_240 : i1 to i32
      %cond3A_242 = arith.constant 0 : i32
      %cond3A_243 = arith.cmpi ne, %convert_element_type3A_241, %cond3A_242 : i32
      scf.if %cond3A_243 {
        %add3A_245 = arith.constant 2 : i32
        %add3A_246 = arith.addi %add3A_216, %add3A_245 : i32
        %dma_wait3A_247 = arith.constant 1 : i32
        %dma_wait3A_248 = arith.constant 0 : i32
        %dma_wait3A_249 = tpu.memref_slice %arg6[%dma_wait3A_247, %dma_wait3A_248] : memref<4x128xi32, #tpu.memory_space<vmem>> -> memref<1x128xi32, #tpu.memory_space<vmem>>
        %dma_wait3A_250 = tpu.memref_squeeze %dma_wait3A_249 : memref<1x128xi32, #tpu.memory_space<vmem>> -> memref<128xi32, #tpu.memory_space<vmem>>
        %dma_wait3A_251 = arith.constant 0 : i32
        %dma_wait3A_252 = tpu.memref_slice %arg3[%add3A, %add3A_246, %dma_wait3A_251] : memref<32x80x128xi32, #tpu.memory_space<hbm>> -> memref<1x1x128xi32, #tpu.memory_space<hbm>>
        %dma_wait3A_253 = tpu.memref_squeeze %dma_wait3A_252 : memref<1x1x128xi32, #tpu.memory_space<hbm>> -> memref<128xi32, #tpu.memory_space<hbm>>
        %dma_wait3A_254 = arith.constant 0 : i32
        %dma_wait3A_255 = tpu.memref_slice %arg6[%dma_wait3A_247, %dma_wait3A_254] : memref<4x128xi32, #tpu.memory_space<vmem>> -> memref<1x128xi32, #tpu.memory_space<vmem>>
        %dma_wait3A_256 = tpu.memref_squeeze %dma_wait3A_255 : memref<1x128xi32, #tpu.memory_space<vmem>> -> memref<128xi32, #tpu.memory_space<vmem>>
        %dma_wait3A_257 = arith.constant 0 : i32
        %dma_wait3A_258 = tpu.memref_slice %arg3[%add3A, %add3A_246, %dma_wait3A_257] : memref<32x80x128xi32, #tpu.memory_space<hbm>> -> memref<1x1x128xi32, #tpu.memory_space<hbm>>
        %dma_wait3A_259 = tpu.memref_squeeze %dma_wait3A_258 : memref<1x1x128xi32, #tpu.memory_space<hbm>> -> memref<128xi32, #tpu.memory_space<hbm>>
        tpu.wait_dma2 semaphore(%arg11 : memref<!tpu.dma_semaphore, #tpu.memory_space<semaphore_mem>>) src(%dma_wait3A_259 : memref<128xi32, #tpu.memory_space<hbm>>) dst(%dma_wait3A_256 : memref<128xi32, #tpu.memory_space<vmem>>)
        %dma_start3A_260 = arith.constant 1 : i32
        %dma_start3A_261 = arith.constant 1 : i32
        %dma_start3A_262 = arith.constant 0 : i32
        %dma_start3A_263 = arith.constant 0 : i32
        %dma_start3A_264 = tpu.memref_slice %arg8[%dma_start3A_261, %dma_start3A_262, %dma_start3A_263] : memref<2x128x128xf32, #tpu.memory_space<vmem>> -> memref<1x128x128xf32, #tpu.memory_space<vmem>>
        %dma_start3A_265 = tpu.memref_squeeze %dma_start3A_264 : memref<1x128x128xf32, #tpu.memory_space<vmem>> -> memref<128x128xf32, #tpu.memory_space<vmem>>
        %dma_start3A_266 = arith.constant 0 : i32
        %dma_start3A_267 = tpu.memref_slice %arg6[%dma_start3A_260, %dma_start3A_266] : memref<4x128xi32, #tpu.memory_space<vmem>> -> memref<1x128xi32, #tpu.memory_space<vmem>>
        %dma_start3A_268 = tpu.memref_squeeze %dma_start3A_267 : memref<1x128xi32, #tpu.memory_space<vmem>> -> memref<128xi32, #tpu.memory_space<vmem>>
        %dma_start3A_269 = arith.constant 0 : i32
        %dma_start3A_270 = arith.constant 0 : i32
        %dma_start3A_271 = tpu.memref_slice %arg2[%dma_start3A_269, %dma_start3A_270] : memref<10240x128xf32, #tpu.memory_space<hbm>> -> memref<10240x128xf32, #tpu.memory_space<hbm>>
        tpu.enqueue_indirect_dma source(%dma_start3A_271 : memref<10240x128xf32, #tpu.memory_space<hbm>>) target(%dma_start3A_265 : memref<128x128xf32, #tpu.memory_space<vmem>>) offsets(%dma_start3A_268 : memref<128xi32, #tpu.memory_space<vmem>>) semaphore(%arg15 : memref<!tpu.dma_semaphore, #tpu.memory_space<semaphore_mem>>)
      } else {
      }
      %scan3A_244 = arith.constant 0 : i32
      scf.yield %scan3A_244 : i32
    }
    %scan3A_116 = arith.constant 20 : i32
    %barrier3A_117 = arith.constant 0 : index
    tpu.barrier barrier_id(%barrier3A_117)
    %mul3A_118 = arith.constant 640 : i32
    %mul3A_119 = arith.muli %arg1, %mul3A_118 : i32
    %mul3A_120 = arith.constant 640 : i32
    %mul3A_121 = arith.muli %arg1, %mul3A_120 : i32
    "tpu.region"() ({
      %run_scoped3A = tpu.sem_alloc : memref<!tpu.dma_semaphore, #tpu.memory_space<semaphore_mem>>
      %dma_start3A_122 = arith.constant 0 : i32
      %dma_start3A_123 = tpu.memref_slice %arg5[%arg0, %mul3A_121, %dma_start3A_122] : memref<2x10240x128xf32, #tpu.memory_space<hbm>> -> memref<1x640x128xf32, #tpu.memory_space<hbm>>
      %dma_start3A_124 = tpu.memref_squeeze %dma_start3A_123 : memref<1x640x128xf32, #tpu.memory_space<hbm>> -> memref<640x128xf32, #tpu.memory_space<hbm>>
      %dma_start3A_125 = arith.constant 0 : i32
      %dma_start3A_126 = tpu.memref_slice %arg9[%mul3A_119, %dma_start3A_125] : memref<10240x128xf32, #tpu.memory_space<vmem_shared>> -> memref<640x128xf32, #tpu.memory_space<vmem_shared>>
      tpu.enqueue_dma source(%dma_start3A_126 : memref<640x128xf32, #tpu.memory_space<vmem_shared>>) target(%dma_start3A_124 : memref<640x128xf32, #tpu.memory_space<hbm>>) target_semaphore(%run_scoped3A : memref<!tpu.dma_semaphore, #tpu.memory_space<semaphore_mem>>)
      %dma_wait3A_127 = arith.constant 0 : i32
      %dma_wait3A_128 = tpu.memref_slice %arg5[%arg0, %mul3A_121, %dma_wait3A_127] : memref<2x10240x128xf32, #tpu.memory_space<hbm>> -> memref<1x640x128xf32, #tpu.memory_space<hbm>>
      %dma_wait3A_129 = tpu.memref_squeeze %dma_wait3A_128 : memref<1x640x128xf32, #tpu.memory_space<hbm>> -> memref<640x128xf32, #tpu.memory_space<hbm>>
      %dma_wait3A_130 = arith.constant 0 : i32
      %dma_wait3A_131 = tpu.memref_slice %arg9[%mul3A_119, %dma_wait3A_130] : memref<10240x128xf32, #tpu.memory_space<vmem_shared>> -> memref<640x128xf32, #tpu.memory_space<vmem_shared>>
      tpu.wait_dma2 semaphore(%run_scoped3A : memref<!tpu.dma_semaphore, #tpu.memory_space<semaphore_mem>>) src(%dma_wait3A_131 : memref<640x128xf32, #tpu.memory_space<vmem_shared>>) dst(%dma_wait3A_129 : memref<640x128xf32, #tpu.memory_space<hbm>>)
      tpu.yield
    }) : () -> ()
    return
  }
}

module attributes {stable_mosaic.version = 14 : i64} {
  func.func @_combine_body(%arg0: i32, %arg1: memref<2x2048x128xf32, #tpu.memory_space<vmem>>, %arg2: memref<2048x128xf32, #tpu.memory_space<vmem>>, %arg3: memref<2048x1xf32, #tpu.memory_space<vmem>>, %arg4: memref<2048x128xf32, #tpu.memory_space<vmem>>) attributes {dimension_semantics = [#tpu.dimension_semantics<arbitrary>], iteration_bounds = array<i64: 5>, scalar_prefetch = 0 : i64, scratch_operands = 0 : i64, tpu.core_type = #tpu.core_type<tc>, window_params = [{transform_indices = @transform_0, window_bounds = array<i64: 2, 2048, 128>}, {transform_indices = @transform_1, window_bounds = array<i64: 2048, 128>}, {transform_indices = @transform_2, window_bounds = array<i64: 2048, 1>}, {transform_indices = @transform_3, window_bounds = array<i64: 2048, 128>}]} {
    %get3A = arith.constant 0 : index
    %get3A_0 = arith.constant 0 : index
    %get3A_1 = vector.load %arg3[%get3A, %get3A_0] : memref<2048x1xf32, #tpu.memory_space<vmem>>, vector<2048x1xf32>
    %get3A_2 = arith.constant 0 : index
    %get3A_3 = arith.constant 0 : index
    %get3A_4 = arith.constant 0 : index
    %get3A_5 = vector.load %arg1[%get3A_2, %get3A_3, %get3A_4] : memref<2x2048x128xf32, #tpu.memory_space<vmem>>, vector<1x2048x128xf32>
    %get3A_6 = vector.shape_cast %get3A_5 : vector<1x2048x128xf32> to vector<2048x128xf32>
    %get3A_7 = arith.constant 1 : index
    %get3A_8 = arith.constant 0 : index
    %get3A_9 = arith.constant 0 : index
    %get3A_10 = vector.load %arg1[%get3A_7, %get3A_8, %get3A_9] : memref<2x2048x128xf32, #tpu.memory_space<vmem>>, vector<1x2048x128xf32>
    %get3A_11 = vector.shape_cast %get3A_10 : vector<1x2048x128xf32> to vector<2048x128xf32>
    %add3A = arith.addf %get3A_6, %get3A_11 : vector<2048x128xf32>
    %get3A_12 = arith.constant 0 : index
    %get3A_13 = arith.constant 0 : index
    %get3A_14 = vector.load %arg2[%get3A_12, %get3A_13] : memref<2048x128xf32, #tpu.memory_space<vmem>>, vector<2048x128xf32>
    %sub3A = arith.subf %add3A, %get3A_14 : vector<2048x128xf32>
    %mul3A = vector.broadcast %get3A_1 : vector<2048x1xf32> to vector<2048x128xf32>
    %mul3A_15 = arith.mulf %mul3A, %sub3A : vector<2048x128xf32>
    %swap3A = arith.constant 0 : index
    %swap3A_16 = arith.constant 0 : index
    %swap3A_17 = vector.load %arg4[%swap3A, %swap3A_16] : memref<2048x128xf32, #tpu.memory_space<vmem>>, vector<2048x128xf32>
    tpu.vector_store %arg4[%swap3A, %swap3A_16], %mul3A_15 {strides = array<i32>} : memref<2048x128xf32, #tpu.memory_space<vmem>>, vector<2048x128xf32>,
    return
  }
  func.func @transform_0(%arg0: i32) -> (i32, i32, i32) {
    %c0_i32 = arith.constant 0 : i32
    %c0_i32_0 = arith.constant 0 : i32
    %c0_i32_1 = arith.constant 0 : i32
    return %c0_i32, %arg0, %c0_i32_0 : i32, i32, i32
  }
  func.func @transform_1(%arg0: i32) -> (i32, i32) {
    %c0_i32 = arith.constant 0 : i32
    %c0_i32_0 = arith.constant 0 : i32
    return %arg0, %c0_i32 : i32, i32
  }
  func.func @transform_2(%arg0: i32) -> (i32, i32) {
    %c0_i32 = arith.constant 0 : i32
    %c0_i32_0 = arith.constant 0 : i32
    return %arg0, %c0_i32 : i32, i32
  }
  func.func @transform_3(%arg0: i32) -> (i32, i32) {
    %c0_i32 = arith.constant 0 : i32
    %c0_i32_0 = arith.constant 0 : i32
    return %arg0, %c0_i32 : i32, i32
  }
}

module attributes {stable_mosaic.version = 14 : i64} {
  func.func @_prep_body(%arg0: memref<2x10240x1xf32, #tpu.memory_space<vmem>>, %arg1: memref<10240x128xf32, #tpu.memory_space<vmem>>, %arg2: memref<10240x128xf32, #tpu.memory_space<vmem>>, %arg3: memref<10240x1xf32, #tpu.memory_space<vmem>>, %arg4: memref<10240x1xf32, #tpu.memory_space<vmem>>) attributes {dimension_semantics = [], scalar_prefetch = 0 : i64, scratch_operands = 0 : i64, tpu.core_type = #tpu.core_type<tc>} {
    %get3A = arith.constant 0 : index
    %get3A_0 = arith.constant 0 : index
    %get3A_1 = arith.constant 0 : index
    %get3A_2 = vector.load %arg0[%get3A, %get3A_0, %get3A_1] : memref<2x10240x1xf32, #tpu.memory_space<vmem>>, vector<1x10240x1xf32>
    %get3A_3 = vector.shape_cast %get3A_2 : vector<1x10240x1xf32> to vector<10240x1xf32>
    %get3A_4 = arith.constant 1 : index
    %get3A_5 = arith.constant 0 : index
    %get3A_6 = arith.constant 0 : index
    %get3A_7 = vector.load %arg0[%get3A_4, %get3A_5, %get3A_6] : memref<2x10240x1xf32, #tpu.memory_space<vmem>>, vector<1x10240x1xf32>
    %get3A_8 = vector.shape_cast %get3A_7 : vector<1x10240x1xf32> to vector<10240x1xf32>
    %add3A = arith.addf %get3A_3, %get3A_8 : vector<10240x1xf32>
    %add3A_9 = arith.constant 1.000000e+00 : f32
    %add3A_10 = vector.broadcast %add3A_9 : f32 to vector<10240x1xf32>
    %add3A_11 = arith.addf %add3A, %add3A_10 : vector<10240x1xf32>
    %rsqrt3A = math.rsqrt %add3A_11 : vector<10240x1xf32>
    %swap3A = arith.constant 0 : index
    %swap3A_12 = arith.constant 0 : index
    %swap3A_13 = vector.load %arg3[%swap3A, %swap3A_12] : memref<10240x1xf32, #tpu.memory_space<vmem>>, vector<10240x1xf32>
    tpu.vector_store %arg3[%swap3A, %swap3A_12], %rsqrt3A {strides = array<i32>} : memref<10240x1xf32, #tpu.memory_space<vmem>>, vector<10240x1xf32>,
    %mul3A = arith.mulf %rsqrt3A, %rsqrt3A : vector<10240x1xf32>
    %swap3A_14 = arith.constant 0 : index
    %swap3A_15 = arith.constant 0 : index
    %swap3A_16 = vector.load %arg4[%swap3A_14, %swap3A_15] : memref<10240x1xf32, #tpu.memory_space<vmem>>, vector<10240x1xf32>
    tpu.vector_store %arg4[%swap3A_14, %swap3A_15], %mul3A {strides = array<i32>} : memref<10240x1xf32, #tpu.memory_space<vmem>>, vector<10240x1xf32>,
    %get3A_17 = arith.constant 0 : index
    %get3A_18 = arith.constant 0 : index
    %get3A_19 = vector.load %arg1[%get3A_17, %get3A_18] : memref<10240x128xf32, #tpu.memory_space<vmem>>, vector<10240x128xf32>
    %mul3A_20 = vector.broadcast %rsqrt3A : vector<10240x1xf32> to vector<10240x128xf32>
    %mul3A_21 = arith.mulf %get3A_19, %mul3A_20 : vector<10240x128xf32>
    %swap3A_22 = arith.constant 0 : index
    %swap3A_23 = arith.constant 0 : index
    %swap3A_24 = vector.load %arg2[%swap3A_22, %swap3A_23] : memref<10240x128xf32, #tpu.memory_space<vmem>>, vector<10240x128xf32>
    tpu.vector_store %arg2[%swap3A_22, %swap3A_23], %mul3A_21 {strides = array<i32>} : memref<10240x128xf32, #tpu.memory_space<vmem>>, vector<10240x128xf32>,
    return
  }
}

module attributes {stable_mosaic.version = 14 : i64} {
  func.func @_final_body(%arg0: i32, %arg1: memref<2x2048x128xf32, #tpu.memory_space<vmem>>, %arg2: memref<2048x128xf32, #tpu.memory_space<vmem>>, %arg3: memref<2048x1xf32, #tpu.memory_space<vmem>>, %arg4: memref<128x128xf32, #tpu.memory_space<vmem>>, %arg5: memref<1x128xf32, #tpu.memory_space<vmem>>, %arg6: memref<2048x128xf32, #tpu.memory_space<vmem>>) attributes {dimension_semantics = [#tpu.dimension_semantics<arbitrary>], iteration_bounds = array<i64: 5>, scalar_prefetch = 0 : i64, scratch_operands = 0 : i64, tpu.core_type = #tpu.core_type<tc>, window_params = [{transform_indices = @transform_0, window_bounds = array<i64: 2, 2048, 128>}, {transform_indices = @transform_1, window_bounds = array<i64: 2048, 128>}, {transform_indices = @transform_2, window_bounds = array<i64: 2048, 1>}, {pipeline_mode = #tpu.pipeline_mode<synchronous>, transform_indices = @transform_3, window_bounds = array<i64: 128, 128>}, {pipeline_mode = #tpu.pipeline_mode<synchronous>, transform_indices = @transform_4, window_bounds = array<i64: 1, 128>}, {transform_indices = @transform_5, window_bounds = array<i64: 2048, 128>}]} {
    %get3A = arith.constant 0 : index
    %get3A_0 = arith.constant 0 : index
    %get3A_1 = vector.load %arg3[%get3A, %get3A_0] : memref<2048x1xf32, #tpu.memory_space<vmem>>, vector<2048x1xf32>
    %get3A_2 = arith.constant 0 : index
    %get3A_3 = arith.constant 0 : index
    %get3A_4 = arith.constant 0 : index
    %get3A_5 = vector.load %arg1[%get3A_2, %get3A_3, %get3A_4] : memref<2x2048x128xf32, #tpu.memory_space<vmem>>, vector<1x2048x128xf32>
    %get3A_6 = vector.shape_cast %get3A_5 : vector<1x2048x128xf32> to vector<2048x128xf32>
    %get3A_7 = arith.constant 1 : index
    %get3A_8 = arith.constant 0 : index
    %get3A_9 = arith.constant 0 : index
    %get3A_10 = vector.load %arg1[%get3A_7, %get3A_8, %get3A_9] : memref<2x2048x128xf32, #tpu.memory_space<vmem>>, vector<1x2048x128xf32>
    %get3A_11 = vector.shape_cast %get3A_10 : vector<1x2048x128xf32> to vector<2048x128xf32>
    %add3A = arith.addf %get3A_6, %get3A_11 : vector<2048x128xf32>
    %get3A_12 = arith.constant 0 : index
    %get3A_13 = arith.constant 0 : index
    %get3A_14 = vector.load %arg2[%get3A_12, %get3A_13] : memref<2048x128xf32, #tpu.memory_space<vmem>>, vector<2048x128xf32>
    %sub3A = arith.subf %add3A, %get3A_14 : vector<2048x128xf32>
    %mul3A = vector.broadcast %get3A_1 : vector<2048x1xf32> to vector<2048x128xf32>
    %mul3A_15 = arith.mulf %mul3A, %sub3A : vector<2048x128xf32>
    %get3A_16 = arith.constant 0 : index
    %get3A_17 = arith.constant 0 : index
    %get3A_18 = vector.load %arg4[%get3A_16, %get3A_17] : memref<128x128xf32, #tpu.memory_space<vmem>>, vector<128x128xf32>
    %dot_general3A = arith.constant dense<0.000000e+00> : vector<2048x128xf32>
    %dot_general3A_19 = tpu.matmul %mul3A_15, %get3A_18, %dot_general3A {dimension_numbers = #tpu.dot_dimension_numbers<[1], [1], [0], [0], [0, 0, 1, 0], [], []>, transpose_lhs_hint = false} : vector<2048x128xf32>, vector<128x128xf32>, vector<2048x128xf32> -> vector<2048x128xf32>
    %get3A_20 = arith.constant 0 : index
    %get3A_21 = arith.constant 0 : index
    %get3A_22 = vector.load %arg5[%get3A_20, %get3A_21] : memref<1x128xf32, #tpu.memory_space<vmem>>, vector<1x128xf32>
    %add3A_23 = vector.broadcast %get3A_22 : vector<1x128xf32> to vector<2048x128xf32>
    %add3A_24 = arith.addf %dot_general3A_19, %add3A_23 : vector<2048x128xf32>
    %swap3A = arith.constant 0 : index
    %swap3A_25 = arith.constant 0 : index
    %swap3A_26 = vector.load %arg6[%swap3A, %swap3A_25] : memref<2048x128xf32, #tpu.memory_space<vmem>>, vector<2048x128xf32>
    tpu.vector_store %arg6[%swap3A, %swap3A_25], %add3A_24 {strides = array<i32>} : memref<2048x128xf32, #tpu.memory_space<vmem>>, vector<2048x128xf32>,
    return
  }
  func.func @transform_0(%arg0: i32) -> (i32, i32, i32) {
    %c0_i32 = arith.constant 0 : i32
    %c0_i32_0 = arith.constant 0 : i32
    %c0_i32_1 = arith.constant 0 : i32
    return %c0_i32, %arg0, %c0_i32_0 : i32, i32, i32
  }
  func.func @transform_1(%arg0: i32) -> (i32, i32) {
    %c0_i32 = arith.constant 0 : i32
    %c0_i32_0 = arith.constant 0 : i32
    return %arg0, %c0_i32 : i32, i32
  }
  func.func @transform_2(%arg0: i32) -> (i32, i32) {
    %c0_i32 = arith.constant 0 : i32
    %c0_i32_0 = arith.constant 0 : i32
    return %arg0, %c0_i32 : i32, i32
  }
  func.func @transform_3(%arg0: i32) -> (i32, i32) {
    %c0_i32 = arith.constant 0 : i32
    %c0_i32_0 = arith.constant 0 : i32
    %c0_i32_1 = arith.constant 0 : i32
    return %c0_i32, %c0_i32_0 : i32, i32
  }
  func.func @transform_4(%arg0: i32) -> (i32, i32) {
    %c0_i32 = arith.constant 0 : i32
    %c0_i32_0 = arith.constant 0 : i32
    %c0_i32_1 = arith.constant 0 : i32
    return %c0_i32, %c0_i32_0 : i32, i32
  }
  func.func @transform_5(%arg0: i32) -> (i32, i32) {
    %c0_i32 = arith.constant 0 : i32
    %c0_i32_0 = arith.constant 0 : i32
    return %arg0, %c0_i32 : i32, i32
  }
}

</mosaic_0001>

<sc_bundles>
// kernel: kernel.11.cloned.1.call-start
scs
__scs_entry_jumppad:
0x0: {  	(pc) =	sbr.rel $0x88, $3  }
0x1: {  	(tag) =	ssettag $0x0;
	lr =	simm.s32 $0x1  }
0x2: {  	[smem:$0x3F9D] =	sst lr;
	_ =	strace $0xD0000000  }
0x3: {  	_ = 	snop  }
0x4: {  	_ = 	snop  }
0x5: {  	_ = 	snop  }
0x6: {  	_ = 	snop  }
0x7: {  	_ = 	snop  }
__scs_overlays_trampoline_lowered:
0x8: {  	[smem:$0x3FAC] =	sst s0  }
0x9: {  	[smem:$0x3FAD] =	sst s1  }
0xa: {  	[smem:$0x3FAE] =	sst s2  }
0xb: {  	[smem:$0x3FAF] =	sst s3  }
0xc: {  	[smem:$0x3FB0] =	sst s4  }
0xd: {  	[smem:$0x3FB1] =	sst s5  }
0xe: {  	[smem:$0x3FB2] =	sst s6  }
0xf: {  	[smem:$0x3FB3] =	sst s7  }
0x10: {  	[smem:$0x3FB4] =	sst s8  }
0x11: {  	[smem:$0x3FB5] =	sst s9;
	s0 =	simm.s32 @!p0 $0x0  }
0x12: {  	s1 =	sld [smem:$0x3F9B];
	s0 =	simm.s32 @p0 $0x1  }
0x13: {  	[smem:$0x3FB6] =	sst s0;
	s0 =	simm.s32 @!p1 $0x0  }
0x14: {  	s2 =	sld [smem:$0x3F9A];
	s0 =	simm.s32 @p1 $0x1  }
0x15: {  	[smem:$0x3FB7] =	sst s0;
	s0 =	simm.s32 @!p2 $0x0  }
0x16: {  	s3 =	sld [smem:$0x3FDB];
	s0 =	simm.s32 @p2 $0x1  }
0x17: {  	s4 =	simm.s32 $0x1BF5;
	[smem:$0x3FB9] =	sst s0  }
0x18: {  	s0 =	sld [smem:$0x3F9C];
	_ =	swait.ge [sflag:s4], $0x0  }
0x19: {  	s7 =	sld [smem:$0x3F9D]  }
0x1a: {  	s8 =	sadd.s32 $0xFFFFE003, lr  }
0x1b: {  	s9 =	sadd.s32 $0xFFFFFEF7, lr;
	s5 =	simm.s32 $0xFFFFFFFF;
	p2 =	slt.u32 s8, $0xFFFFF086  }
0x1c: {  	p1 =	slt.u32 s9, $0xF7A;
	s5 =	simm.s32 @!p2 $0x0  }
0x1d: {  	s5 =	simm.s32 @p1 $0x1;
	p0 =	seq.s32 s7, s2  }
0x1e: {  	s7 =	smul.u32 @!p0 $0xF7A, s2;
	p2 =	seq.s32 @!p0 s5, $0x0  }
0x1f: {  	s9 =	smul.u32 $0xF7A, s1;
	s8 =	simm.s32 @!p0 $0x1BF5;
	p2 =	por !p2, p0  }
0x20: {  	[sflag:s8] =	ssyncset.s32 @!p0 $0xFFFFF086;
	s6 =	sadd.s32 @!p0 s3, s7;
	s7 =	simm.s32 @!p0 $0x108  }
0x21: {  	s3 =	sadd.s32 s3, s9;
	s6 =	sadd.s32 @!p0 $0x88, s6;
	s7 =	simm.s32 @p2 $0x1082  }
0x22: {  	[simem:s7], [sflag:s8] =	dma.local @!p0 [hbm:s6], $0xF7A  }
0x23: {  	s9 =	sor.u32 $0xD0000000, s2;
	s6 =	simm.s32 $0x108;
	_ =	swait.ge @!p0 [sflag:s8], $0x0  }
0x24: {  	s3 =	sadd.s32 $0x88, s3;
	s6 =	simm.s32 @!p1 $0x1082;
	[sflag:s4] =	ssyncset.s32 $0xFFFFF086  }
0x25: {  	[simem:s6], [sflag:s4] =	dma.local [hbm:s3], $0xF7A  }
0x26: {  	[smem:$0x3F9D] =	sst s1;
	(tag) =	ssettag s2;
	_ =	strace s9  }
0x27: {  	s1 =	sld [smem:$0x3FAD]  }
0x28: {  	s2 =	sld [smem:$0x3FAE]  }
0x29: {  	s4 =	sld [smem:$0x3FB0]  }
0x2a: {  	p0 =	seq.s32 s5, $0x0;
	s5 =	sld [smem:$0x3FB1]  }
0x2b: {  	s6 =	sld [smem:$0x3FB2]  }
0x2c: {  	s7 =	sld [smem:$0x3FB3]  }
0x2d: {  	s3 =	simm.s32 $0x108;
	s8 =	sld [smem:$0x3FB4]  }
0x2e: {  	s3 =	simm.s32 @!p0 $0x1082;
	s9 =	sld [smem:$0x3FB5]  }
0x2f: {  	lr =	sadd.s32 s0, s3;
	s0 =	sld [smem:$0x3FAC]  }
0x30: {  	s3 =	sld [smem:$0x3FAF]  }
0x31: {  	[smem:$0x3FB8] =	sst s10  }
0x32: {  	s10 =	sld [smem:$0x3FB6];
	_ =	sdelay $0x3  }
0x33: {  	p0 =	seq.s32 s10, $0x1;
	s10 =	sld [smem:$0x3FB8];
	_ =	sdelay $0x3  }
0x34: {  	[smem:$0x3FB8] =	sst s10  }
0x35: {  	s10 =	sld [smem:$0x3FB7];
	_ =	sdelay $0x3  }
0x36: {  	p1 =	seq.s32 s10, $0x1;
	s10 =	sld [smem:$0x3FB8];
	_ =	sdelay $0x3  }
0x37: {  	[smem:$0x3FB8] =	sst s10  }
0x38: {  	s10 =	sld [smem:$0x3FB9]  }
0x39: {  	_ = 	snop;
	(pc) =	sbr.ind lr, $3  }
0x3a: {  	_ = 	snop  }
0x3b: {  	_ = 	snop  }
0x3c: {  	p2 =	seq.s32 s10, $0x1;
	s10 =	sld [smem:$0x3FB8]  }
0x3d: {  	_ =	shalt  }
0x3e: {  	_ =	shalt  }
0x3f: {  	_ =	shalt  }
0x40: {  	_ =	shalt  }
0x41: {  	_ =	shalt  }
0x42: {  	_ =	shalt  }
0x43: {  	_ =	shalt  }
0x44: {  	_ =	shalt  }
0x45: {  	_ =	shalt  }
0x46: {  	_ =	shalt  }
0x47: {  	_ =	shalt  }
0x48: {  	_ =	shalt  }
0x49: {  	_ =	shalt  }
0x4a: {  	_ =	shalt  }
0x4b: {  	_ =	shalt  }
0x4c: {  	_ =	shalt  }
0x4d: {  	_ =	shalt  }
0x4e: {  	_ =	shalt  }
0x4f: {  	_ =	shalt  }
0x50: {  	_ =	shalt  }
0x51: {  	_ =	shalt  }
0x52: {  	_ =	shalt  }
0x53: {  	_ =	shalt  }
0x54: {  	_ =	shalt  }
0x55: {  	_ =	shalt  }
0x56: {  	_ =	shalt  }
0x57: {  	_ =	shalt  }
0x58: {  	_ =	shalt  }
0x59: {  	_ =	shalt  }
0x5a: {  	_ =	shalt  }
0x5b: {  	_ =	shalt  }
0x5c: {  	_ =	shalt  }
0x5d: {  	_ =	shalt  }
0x5e: {  	_ =	shalt  }
0x5f: {  	_ =	shalt  }
0x60: {  	_ =	shalt  }
0x61: {  	_ =	shalt  }
0x62: {  	_ =	shalt  }
0x63: {  	_ =	shalt  }
0x64: {  	_ =	shalt  }
0x65: {  	_ =	shalt  }
0x66: {  	_ =	shalt  }
0x67: {  	_ =	shalt  }
0x68: {  	_ =	shalt  }
0x69: {  	_ =	shalt  }
0x6a: {  	_ =	shalt  }
0x6b: {  	_ =	shalt  }
0x6c: {  	_ =	shalt  }
0x6d: {  	_ =	shalt  }
0x6e: {  	_ =	shalt  }
0x6f: {  	_ =	shalt  }
0x70: {  	_ =	shalt  }
0x71: {  	_ =	shalt  }
0x72: {  	_ =	shalt  }
0x73: {  	_ =	shalt  }
0x74: {  	_ =	shalt  }
0x75: {  	_ =	shalt  }
0x76: {  	_ =	shalt  }
0x77: {  	_ =	shalt  }
0x78: {  	_ =	shalt  }
0x79: {  	_ =	shalt  }
0x7a: {  	_ =	shalt  }
0x7b: {  	_ =	shalt  }
0x7c: {  	_ =	shalt  }
0x7d: {  	_ =	shalt  }
0x7e: {  	_ =	shalt  }
0x7f: {  	_ =	shalt  }
0x80: {  	_ =	shalt  }
0x81: {  	_ =	shalt  }
0x82: {  	_ =	shalt  }
0x83: {  	_ =	shalt  }
0x84: {  	_ =	shalt  }
0x85: {  	_ =	shalt  }
0x86: {  	_ =	shalt  }
0x87: {  	_ =	shalt  }
.Lfunc_end0:
.L_simem_size_0:
called_computation.1_lowered:
.L_overlay_start_0:
0x88: {  	s2 =	sld [smem:$0x3FD9]  }
0x89: {  	s3 =	sld [smem:$0x3FFE];
	_ =	sdelay $0x1  }
0x8a: {  	s1 =	srdreg.scid  }
0x8b: {  	s0 =	sand.u32 $0x1, s1  }
0x8c: {  	s17 =	sshll.u32 s0, $0xA;
	s2 =	sadd.s32 s3, s2  }
0x8d: {  	s2 =	sadd.s32 s2, s17  }
0x8e: {  	[smem:$0x3FC4] =	sst s2  }
0x8f: {  	_ = 	snop  }
0x90: {  	s2 =	sld [smem:$0x3FD0];
	(tm) =	ssettm $0x1  }
0x91: {  	s18 =	sld [smem:$0x3FFB];
	_ =	sdelay $0x3  }
0x92: {  	_ =	strace s18  }
0x93: {  	s3 =	sld [smem:$0x3FFC];
	_ =	sdelay $0x3  }
0x94: {  	_ =	strace s3  }
0x95: {  	s3 =	sld [smem:$0x3FFD];
	_ =	sdelay $0x3  }
0x96: {  	_ =	strace s3  }
0x97: {  	_ =	strace $0x8FFFFFFF  }
0x98: {  	s19 =	sld [smem:$0x3FDB];
	_ =	sdelay $0x1  }
0x99: {  	s4 =	simm.s32 $_scs_section_size  }
0x9a: {  	s5 =	simm.s32 $_size__tile_overlayer_lowered;
	s6 =	simm.s32 $_tile_overlayer_lowered  }
0x9b: {  	s22 =	simm.s32 $0x1BFF;
	s21 =	sshll.u32 s6, $0x1;
	s3 =	sadd.s32 s4, s19  }
0x9c: {  	s7 =	simm.s32 $0x0;
	s20 =	sshll.u32 s5, $0x1;
	s5 =	sadd.s32 s21, s3  }
0x9d: {  	[timem:s7], [sflag:s22] =	dma.local [hbm:s5], s20  }
0x9e: {  	_ =	swait.ge [sflag:s22], s20  }
0x9f: {  	s4 =	ssub.s32 $0x0, s20;
	[sflag:s22] =	ssyncset.done $0x0  }
0xa0: {  	[sflag:s22] =	ssyncadd.s32 s4;
	_ =	sdelay $0x1  }
0xa1: {  	s23 =	simm.s32 $0x1B8B  }
0xa2: {  	_ =	swait.ge [sflag:s23], $0x1  }
0xa3: {  	[sflag:s23] =	ssyncset.done $0x0  }
0xa4: {  	s25 =	simm.s32 $0x1B8E;
	s24 =	sld [smem:$0x3FFE];
	[sflag:s23] =	ssyncadd.s32 $0xFFFFFFFF  }
0xa5: {  	s26 =	simm.s32 $execute0_lowered;
	[smem:$0x3FD2] =	sst s25  }
0xa6: {  	s5 =	sshll.u32 s26, $0x1;
	_ =	strace $0x80000049;
	[dreg:$0x1] =	wrdreg $0xFFFFFFFF  }
0xa7: {  	s28 =	simm.s32 $_size_execute0_lowered;
	s3 =	sadd.s32 s3, s5;
	[dreg:$0x0] =	wrdreg $0x0  }
0xa8: {  	s5 =	sshll.u32 s28, $0x1;
	[dreg:$0x2] =	wrdreg s3  }
0xa9: {  	[dreg:$0x3] =	wrdreg s5  }
0xaa: {  	[dreg:$0x4] =	wrdreg $0xC0  }
0xab: {  	_ =	task [dreg:s7], $0x5FFFF  }
0xac: {  	[dreg:$0x1] =	wrdreg $0xFFFFFFFF  }
0xad: {  	[dreg:$0x0] =	wrdreg $0x60  }
0xae: {  	[dreg:$0x2] =	wrdreg s24  }
0xaf: {  	[dreg:$0x3] =	wrdreg s2  }
0xb0: {  	[dreg:$0x4] =	wrdreg $0xAA000  }
0xb1: {  	[dreg:$0x5] =	wrdreg $0x9  }
0xb2: {  	_ =	task.clear_ibuf [dreg:s7], $0x6FFFF;
	_ =	strace $0x90000049  }
0xb3: {  	s29 =	simm.s32 $0x9;
	_ =	strace $0x8000004B  }
0xb4: {  	_ =	swait.ge [sflag:s29], $0x1  }
0xb5: {  	[sflag:s29] =	ssyncadd.s32 $0xFFFFFFFF  }
0xb6: {  	_ =	strace $0x9000004B  }
0xb7: {  	_ =	sfence  }
0xb8: {  	s30 =	sld [smem:$0x0];
	_ =	sdelay $0x2  }
0xb9: {  	s31 =	sshll.u32 s1, $0xD;
	s1 =	sshrl.u32 s1, $0x2  }
0xba: {  	s3 =	sand.u32 $0x4000, s31;
	s1 =	sadd.s32 s1, s30  }
0xbb: {  	s0 =	sor.u32 s3, s0;
	s1 =	sshll.u32 s1, $0x11  }
0xbc: {  	s0 =	sor.u32 s1, s0  }
0xbd: {  	s0 =	sadd.s32 $0x8F2B, s0  }
0xbe: {  	[sflag:s0] =	ssyncadd.remote.s32 $0x1  }
0xbf: {  	_ =	sfence.sel $0xFFFF  }
0xc0: {  	[dreg:$0x0] =	wrdreg $0xFFFFFFFF;
	(pc) =	sbr.abs _section_cstart, $3  }
0xc1: {  	[dreg:$0x1] =	wrdreg $0xFFFFFFFF  }
0xc2: {  	_ =	task.clear_ibuf [dreg:s7], $0x2FFFF;
	_ =	strace $0x9FFFFFFF  }
0xc3: {  	(tm) =	ssettm $0x7FFFFFFF  }
tec
execute0_lowered:
.L_overlay_start_1:
0x0: {  	(tag) =	ssettag $0x1  }
0x1: {  	s0 =	rddreg [dreg:$0x0]  }
0x2: {  	s2 =	rddreg [dreg:$0x1];
	s1 =	srdreg.scid  }
0x3: {  	s3 =	rddreg [dreg:$0x2];
	s15 =	stileid.u32;
	s4 =	simm.s32 $0x0  }
0x4: {  	s16 =	simm.s32 $0x7;
	s17 =	simm.s32 $0x80;
	s18 =	simm.s32 $0x100  }
0x5: {  	s19 =	simm.s32 $0x180;
	s22 =	simm.s32 $0x1;
	s28 =	simm.s32 $0x3  }
0x6: {  	s29 =	simm.s32 $0x6;
	s30 =	simm.s32 $0x4;
	s31 =	simm.s32 $0x0  }
0x7: {  	s1 =	sand.u32 $0x1, s1;
	s12 =	smul.u32 $0x14000, s15;
	[smem:$0x7FF] =	sst s4  }
0x8: {  	s6 =	sadd.s32 $0xC200, s0;
	s13 =	smul.u32 $0x50000, s15;
	s26 =	sshll.u32 s15, $0x6  }
0x9: {  	s5 =	sshll.u32 s1, $0x4;
	s7 =	smul.u32 $0x140000, s1;
	_ =	strace $0x8000004A  }
0xa: {  	s1 =	ssub.s32 $0x2, s1;
	s20 =	sor.u32 $0x1C07, s26;
	s26 =	simm.s32 $0x5  }
0xb: {  	s5 =	sor.u32 s15, s5;
	s23 =	sshrl.u32 s1, $0x1;
	s13 =	sshrl.u32 s13, $0x2  }
0xc: {  	s5 =	smul.u32 $0x2800, s5;
	s7 =	sadd.s32 s12, s7;
	s1 =	ssub.s32 s1, s23  }
0xd: {  	s12 =	sshrl.u32 s12, $0x3;
	s21 =	sadd.s32 s13, s3;
	s23 =	simm.s32 $0x2A00  }
0xe: {  	s7 =	sshrl.u32 s7, $0x3;
	s12 =	sadd.s32 s6, s12;
	s14 =	smax.u32 s1, $0x1  }
.Ltmp0:
0xf: {  	s21 =	sshrl.u32 s21, $0x3;
	s8 =	sshrl.u32 s5, $0x3;
	(pc) =	sbr.rel .LBB2_1-.Ltmp0, $4  }
0x10: {  	s9 =	sadd.s32 s8, s0;
	s0 =	sadd.s32 s7, s0;
	s7 =	sadd.s32 s2, s8  }
0x11: {  	s24 =	sadd.s32 $0x2200, s9;
	s25 =	sadd.s32 $0x10, s7;
	s10 =	sadd.s32 $0x20, s7  }
0x12: {  	s11 =	sadd.s32 $0x30, s7;
	s13 =	sadd.s32 $0x34200, s0;
	[dreg:$0x4] =	wrdreg s24  }
0x13: {  	[dreg:$0x5] =	wrdreg s25;
	s24 =	simm.s32 $0x2;
	s25 =	simm.s32 $0x6A00  }
.LBB2_4:
0x14: {  	_ =	swait.ge [sflag:s29], $0x4000  }
0x15: {  	[sflag:s29] =	ssyncset.done $0x0  }
0x16: {  	[sflag:s29] =	ssyncadd.s32 $0xFFFFC000  }
0x17: {  	[spmem:s3] =	stream.indirect.scatter.add.f32 [tilespmem:s25], [sflag:$0x7], $0x80, s0, s17, $0xb8;
	[tilespmem:$0x1EA00] =	vst v63  }
0x18: {  	_ =	swait.ge [sflag:s16], $0x4000  }
0x19: {  	s31 =	sadd.s32 $0x1, s31;
	[sflag:s16] =	ssyncset.done $0x0  }
0x1a: {  	p0 =	sne.s32 s31, s14;
	[sflag:s16] =	ssyncadd.s32 $0xFFFFC000  }
.Ltmp1:
0x1b: {  	[bflag:$0x0] =	sbarrier.arrive $0xFFFF;
	(pc) =	sbr.rel @!p0 .LBB2_5-.Ltmp1, $4  }
0x1c: {  	[hbm:s13], [sflag:s20] =	dma.local [spmem:s21], $0x2800  }
0x1d: {  	_ =	swait.ge [sflag:s16], $0x2800  }
0x1e: {  	[sflag:s16] =	ssyncset.done $0x0  }
0x1f: {  	[sflag:s16] =	ssyncadd.s32 $0xFFFFD800  }
.LBB2_1:
0x20: {  	s0 =	rddreg [dreg:$0x4];
	s1 =	simm.s32 $0x200  }
0x21: {  	[tilespmem:s1], [sflag:$0x7] =	stream.linear.gather [hbm4b:s0+s4], $0x2800, $0x38;
	[tilespmem:$0x1EA00] =	vst v63  }
0x22: {  	_ =	swait.ge [sflag:s16], $0x2800  }
0x23: {  	[sflag:s16] =	ssyncset.done $0x0  }
0x24: {  	[sflag:s16] =	ssyncadd.s32 $0xFFFFD800  }
0x25: {  	[tilespmem:s4], [sflag:$0x1] =	stream.linear.gather [hbm4b:s7+s4], $0x80, $0x38;
	[tilespmem:$0x1EA00] =	vst v63  }
0x26: {  	s15 =	rddreg [dreg:$0x5]  }
0x27: {  	[tilespmem:s17], [sflag:$0x2] =	stream.linear.gather [hbm4b:s15+s4], $0x80, $0x38;
	[tilespmem:$0x1EA00] =	vst v63  }
0x28: {  	_ = 	snop  }
0x29: {  	[tilespmem:s18], [sflag:$0x3] =	stream.linear.gather [hbm4b:s10+s4], $0x80, $0x38;
	[tilespmem:$0x1EA00] =	vst v63  }
0x2a: {  	_ = 	snop  }
0x2b: {  	[tilespmem:s19], [sflag:$0x4] =	stream.linear.gather [hbm4b:s11+s4], $0x80, $0x38;
	[tilespmem:$0x1EA00] =	vst v63  }
0x2c: {  	[spmem:s21], [sflag:s20] =	dma.local [hbm:s12], $0x2800  }
0x2d: {  	_ =	swait.ge [sflag:s16], $0x2800  }
0x2e: {  	[sflag:s16] =	ssyncset.done $0x0  }
0x2f: {  	[sflag:s16] =	ssyncadd.s32 $0xFFFFD800  }
0x30: {  	_ =	swait.ge [sflag:s22], $0x80  }
0x31: {  	[sflag:s22] =	ssyncset.done $0x0  }
0x32: {  	[sflag:s22] =	ssyncadd.s32 $0xFFFFFF80  }
0x33: {  	[tilespmem:s23], [sflag:$0x5] =	stream.indirect.gather [hbm4b:s6+s17], $0x80, s4, s17, $0xb8;
	[tilespmem:$0x1EA00] =	vst v63  }
0x34: {  	_ =	swait.ge [sflag:s24], $0x80  }
0x35: {  	[sflag:s24] =	ssyncset.done $0x0  }
0x36: {  	[sflag:s24] =	ssyncadd.s32 $0xFFFFFF80  }
0x37: {  	[tilespmem:s25], [sflag:$0x6] =	stream.indirect.gather [hbm4b:s6+s17], $0x80, s17, s17, $0xb8;
	[tilespmem:$0x1EA00] =	vst v63  }
0x38: {  	s1 =	simm.s32 $0x380;
	s0 =	simm.s32 $0x380;
	[bflag:$0x0] =	sbarrier.arrive $0xFFFF  }
.LBB2_2:
0x39: {  	_ =	swait.ge [sflag:s26], $0x4000  }
0x3a: {  	[sflag:s26] =	ssyncset.done $0x0  }
0x3b: {  	s15 =	sadd.s32 $0xFFFFFE80, s0;
	p0 =	seq.s32 s1, $0x2980;
	[sflag:s26] =	ssyncadd.s32 $0xFFFFC000  }
0x3c: {  	[spmem:s3] =	stream.indirect.scatter.add.f32 [tilespmem:s23], [sflag:$0x7], $0x80, s15, s17, $0xb8;
	[tilespmem:$0x1EA00] =	vst v63  }
0x3d: {  	s15 =	sadd.s32 @!p0 $0xFFFFFE80, s1  }
0x3e: {  	s8 =	sand.u32 @!p0 $0x7C00, s15  }
0x3f: {  	s15 =	sand.u32 @!p0 $0x200, s15;
	s8 =	sadd.s32 @!p0 s5, s8  }
0x40: {  	_ =	swait.ge [sflag:s16], $0x4000;
	s8 =	sor.u32 @!p0 s15, s8  }
0x41: {  	[sflag:s16] =	ssyncset.done $0x0;
	s8 =	sshrl.u32 @!p0 s8, $0x3  }
0x42: {  	[sflag:s16] =	ssyncadd.s32 $0xFFFFC000;
	s15 =	simm.s32 @!p0 $0x0;
	s8 =	sadd.s32 @!p0 s2, s8  }
0x43: {  	[tilespmem:s15], [sflag:$0x1] =	stream.linear.gather @!p0 [hbm4b:s8+s15], $0x80, $0x38;
	[tilespmem:$0x1EA00] =	vst v63  }
0x44: {  	_ =	swait.ge [sflag:s28], $0x80  }
0x45: {  	[sflag:s28] =	ssyncset.done $0x0  }
0x46: {  	[sflag:s28] =	ssyncadd.s32 $0xFFFFFF80  }
0x47: {  	[tilespmem:s23], [sflag:$0x5] =	stream.indirect.gather [hbm4b:s6+s17], $0x80, s18, s17, $0xb8;
	[tilespmem:$0x1EA00] =	vst v63  }
0x48: {  	_ =	swait.ge [sflag:s29], $0x4000  }
0x49: {  	[sflag:s29] =	ssyncset.done $0x0  }
0x4a: {  	s9 =	sadd.s32 $0xFFFFFF00, s0;
	s8 =	sadd.s32 @!p0 $0xFFFFFF00, s1;
	[sflag:s29] =	ssyncadd.s32 $0xFFFFC000  }
0x4b: {  	[spmem:s3] =	stream.indirect.scatter.add.f32 [tilespmem:s25], [sflag:$0x7], $0x80, s9, s17, $0xb8;
	[tilespmem:$0x1EA00] =	vst v63  }
0x4c: {  	s9 =	sand.u32 @!p0 $0x7C00, s8  }
0x4d: {  	s8 =	sand.u32 @!p0 $0x280, s8;
	s9 =	sadd.s32 @!p0 s5, s9  }
0x4e: {  	_ =	swait.ge [sflag:s16], $0x4000;
	s8 =	sor.u32 @!p0 s8, s9  }
0x4f: {  	[sflag:s16] =	ssyncset.done $0x0;
	s8 =	sshrl.u32 @!p0 s8, $0x3  }
0x50: {  	s9 =	simm.s32 @!p0 $0x80;
	[sflag:s16] =	ssyncadd.s32 $0xFFFFC000;
	s8 =	sadd.s32 @!p0 s2, s8  }
0x51: {  	[tilespmem:s9], [sflag:$0x2] =	stream.linear.gather @!p0 [hbm4b:s8+s15], $0x80, $0x38;
	[tilespmem:$0x1EA00] =	vst v63  }
0x52: {  	_ =	swait.ge [sflag:s30], $0x80  }
0x53: {  	[sflag:s30] =	ssyncset.done $0x0  }
0x54: {  	[sflag:s30] =	ssyncadd.s32 $0xFFFFFF80  }
0x55: {  	[tilespmem:s25], [sflag:$0x6] =	stream.indirect.gather [hbm4b:s6+s17], $0x80, s19, s17, $0xb8;
	[tilespmem:$0x1EA00] =	vst v63  }
0x56: {  	_ =	swait.ge [sflag:s26], $0x4000  }
0x57: {  	[sflag:s26] =	ssyncset.done $0x0  }
.Ltmp2:
0x58: {  	s15 =	sadd.s32 $0xFFFFFF80, s0;
	[sflag:s26] =	ssyncadd.s32 $0xFFFFC000;
	(pc) =	sbr.rel @p0 .LBB2_4-.Ltmp2, $4  }
0x59: {  	[spmem:s3] =	stream.indirect.scatter.add.f32 [tilespmem:s23], [sflag:$0x7], $0x80, s15, s17, $0xb8;
	[tilespmem:$0x1EA00] =	vst v63  }
0x5a: {  	_ =	swait.ge [sflag:s16], $0x4000  }
0x5b: {  	[sflag:s16] =	ssyncset.done $0x0  }
0x5c: {  	[sflag:s16] =	ssyncadd.s32 $0xFFFFC000  }
0x5d: {  	s8 =	sadd.s32 $0xFFFFFF80, s1  }
0x5e: {  	s9 =	sand.u32 $0x7C00, s8  }
0x5f: {  	s8 =	sand.u32 $0x300, s8;
	s9 =	sadd.s32 s5, s9  }
0x60: {  	s8 =	sor.u32 s8, s9  }
0x61: {  	s8 =	sshrl.u32 s8, $0x3  }
0x62: {  	s8 =	sadd.s32 s2, s8  }
0x63: {  	[tilespmem:s18], [sflag:$0x3] =	stream.linear.gather [hbm4b:s8+s4], $0x80, $0x38;
	[tilespmem:$0x1EA00] =	vst v63  }
0x64: {  	_ =	swait.ge [sflag:s22], $0x80  }
0x65: {  	[sflag:s22] =	ssyncset.done $0x0  }
0x66: {  	[sflag:s22] =	ssyncadd.s32 $0xFFFFFF80  }
0x67: {  	[tilespmem:s23], [sflag:$0x5] =	stream.indirect.gather [hbm4b:s6+s17], $0x80, s4, s17, $0xb8;
	[tilespmem:$0x1EA00] =	vst v63  }
0x68: {  	_ =	swait.ge [sflag:s29], $0x4000  }
0x69: {  	s9 =	sand.u32 $0x7C00, s1;
	[sflag:s29] =	ssyncset.done $0x0  }
0x6a: {  	s15 =	sand.u32 $0x380, s1;
	s8 =	sadd.s32 s5, s9;
	[sflag:s29] =	ssyncadd.s32 $0xFFFFC000  }
0x6b: {  	[spmem:s3] =	stream.indirect.scatter.add.f32 [tilespmem:s25], [sflag:$0x7], $0x80, s0, s17, $0xb8;
	[tilespmem:$0x1EA00] =	vst v63  }
0x6c: {  	s8 =	sor.u32 s15, s8;
	_ =	swait.ge [sflag:s16], $0x4000  }
0x6d: {  	s8 =	sshrl.u32 s8, $0x3;
	[sflag:s16] =	ssyncset.done $0x0  }
0x6e: {  	s8 =	sadd.s32 s2, s8;
	[sflag:s16] =	ssyncadd.s32 $0xFFFFC000  }
0x6f: {  	[tilespmem:s19], [sflag:$0x4] =	stream.linear.gather [hbm4b:s8+s4], $0x80, $0x38;
	[tilespmem:$0x1EA00] =	vst v63  }
.Ltmp3:
0x70: {  	_ = 	snop;
	(pc) =	sbr.rel .LBB2_2-.Ltmp3, $4  }
0x71: {  	_ =	swait.ge [sflag:s24], $0x80  }
0x72: {  	[sflag:s24] =	ssyncset.done $0x0  }
0x73: {  	s1 =	sadd.s32 $0x200, s1;
	s0 =	sadd.s32 $0x200, s0;
	[sflag:s24] =	ssyncadd.s32 $0xFFFFFF80  }
0x74: {  	[tilespmem:s25], [sflag:$0x6] =	stream.indirect.gather [hbm4b:s6+s17], $0x80, s17, s17, $0xb8;
	[tilespmem:$0x1EA00] =	vst v63  }
.LBB2_5:
0x75: {  	_ =	sfence.sel $0x180000  }
0x76: {  	[bflag:$0x0] =	sbarrier.arrive $0xFFFF  }
0x77: {  	_ =	strace $0x9000004A  }
0x78: {  	s0 =	stileid.u32;
	[bflag:$0x2] =	sbarrier.arrive $0xFFFF  }
0x79: {  	p0 =	sne.s32 s0, $0x0;
	s0 =	rddreg [dreg:$0x3]  }
0x7a: {  	s0 =	sadd.s32 @!p0 $0x100000, s0  }
0x7b: {  	[sflag:s0] =	ssyncadd.tile.s32 @!p0 $0x1;
	_ =	shalt  }
.Lfunc_end2:
_tile_overlayer_lowered:
.L_overlay_start_2:
0x7c: {  	(tag) =	ssettag $0x2  }
0x7d: {  	s0 =	rddreg [dreg:$0x0];
	s2 =	stileid.u32  }
0x7e: {  	s1 =	rddreg [dreg:$0x1];
	p0 =	sne.s32 s2, $0x0  }
0x7f: {  	s3 =	rddreg [dreg:$0x2];
	[bflag:$0x3] =	sbarrier.arrive $0xFFFF;
	s2 =	simm.s32 @!p0 $0x1C07  }
0x80: {  	[timem:s3], [sflag:s2] =	dma.local @!p0 [hbm:s0], s1  }
0x81: {  	s0 =	simm.s32 @!p0 $0x7  }
0x82: {  	_ =	swait.ge @!p0 [sflag:s0], s1  }
0x83: {  	s1 =	ssub.s32 @!p0 $0x0, s1;
	[sflag:s0] =	ssyncset.done @!p0 $0x0  }
0x84: {  	[sflag:s0] =	ssyncadd.s32 @!p0 s1  }
0x85: {  	[bflag:$0x3] =	sbarrier.arrive $0xFFFF  }
0x86: {  	_ =	shalt  }

// kernel: kernel.14.cloned.1.call-start
scs
__scs_entry_jumppad:
0x0: {  	(pc) =	sbr.rel $0x88, $3  }
0x1: {  	(tag) =	ssettag $0x0;
	lr =	simm.s32 $0x1  }
0x2: {  	[smem:$0x3F9D] =	sst lr;
	_ =	strace $0xD0000000  }
0x3: {  	_ = 	snop  }
0x4: {  	_ = 	snop  }
0x5: {  	_ = 	snop  }
0x6: {  	_ = 	snop  }
0x7: {  	_ = 	snop  }
__scs_overlays_trampoline_lowered:
0x8: {  	[smem:$0x3FAC] =	sst s0  }
0x9: {  	[smem:$0x3FAD] =	sst s1  }
0xa: {  	[smem:$0x3FAE] =	sst s2  }
0xb: {  	[smem:$0x3FAF] =	sst s3  }
0xc: {  	[smem:$0x3FB0] =	sst s4  }
0xd: {  	[smem:$0x3FB1] =	sst s5  }
0xe: {  	[smem:$0x3FB2] =	sst s6  }
0xf: {  	[smem:$0x3FB3] =	sst s7  }
0x10: {  	[smem:$0x3FB4] =	sst s8  }
0x11: {  	[smem:$0x3FB5] =	sst s9;
	s0 =	simm.s32 @!p0 $0x0  }
0x12: {  	s1 =	sld [smem:$0x3F9B];
	s0 =	simm.s32 @p0 $0x1  }
0x13: {  	[smem:$0x3FB6] =	sst s0;
	s0 =	simm.s32 @!p1 $0x0  }
0x14: {  	s2 =	sld [smem:$0x3F9A];
	s0 =	simm.s32 @p1 $0x1  }
0x15: {  	[smem:$0x3FB7] =	sst s0;
	s0 =	simm.s32 @!p2 $0x0  }
0x16: {  	s3 =	sld [smem:$0x3FDB];
	s0 =	simm.s32 @p2 $0x1  }
0x17: {  	s4 =	simm.s32 $0x1BF5;
	[smem:$0x3FB9] =	sst s0  }
0x18: {  	s0 =	sld [smem:$0x3F9C];
	_ =	swait.ge [sflag:s4], $0x0  }
0x19: {  	s7 =	sld [smem:$0x3F9D]  }
0x1a: {  	s8 =	sadd.s32 $0xFFFFE003, lr  }
0x1b: {  	s9 =	sadd.s32 $0xFFFFFEF7, lr;
	s5 =	simm.s32 $0xFFFFFFFF;
	p2 =	slt.u32 s8, $0xFFFFF086  }
0x1c: {  	p1 =	slt.u32 s9, $0xF7A;
	s5 =	simm.s32 @!p2 $0x0  }
0x1d: {  	s5 =	simm.s32 @p1 $0x1;
	p0 =	seq.s32 s7, s2  }
0x1e: {  	s7 =	smul.u32 @!p0 $0xF7A, s2;
	p2 =	seq.s32 @!p0 s5, $0x0  }
0x1f: {  	s9 =	smul.u32 $0xF7A, s1;
	s8 =	simm.s32 @!p0 $0x1BF5;
	p2 =	por !p2, p0  }
0x20: {  	[sflag:s8] =	ssyncset.s32 @!p0 $0xFFFFF086;
	s6 =	sadd.s32 @!p0 s3, s7;
	s7 =	simm.s32 @!p0 $0x108  }
0x21: {  	s3 =	sadd.s32 s3, s9;
	s6 =	sadd.s32 @!p0 $0x88, s6;
	s7 =	simm.s32 @p2 $0x1082  }
0x22: {  	[simem:s7], [sflag:s8] =	dma.local @!p0 [hbm:s6], $0xF7A  }
0x23: {  	s9 =	sor.u32 $0xD0000000, s2;
	s6 =	simm.s32 $0x108;
	_ =	swait.ge @!p0 [sflag:s8], $0x0  }
0x24: {  	s3 =	sadd.s32 $0x88, s3;
	s6 =	simm.s32 @!p1 $0x1082;
	[sflag:s4] =	ssyncset.s32 $0xFFFFF086  }
0x25: {  	[simem:s6], [sflag:s4] =	dma.local [hbm:s3], $0xF7A  }
0x26: {  	[smem:$0x3F9D] =	sst s1;
	(tag) =	ssettag s2;
	_ =	strace s9  }
0x27: {  	s1 =	sld [smem:$0x3FAD]  }
0x28: {  	s2 =	sld [smem:$0x3FAE]  }
0x29: {  	s4 =	sld [smem:$0x3FB0]  }
0x2a: {  	p0 =	seq.s32 s5, $0x0;
	s5 =	sld [smem:$0x3FB1]  }
0x2b: {  	s6 =	sld [smem:$0x3FB2]  }
0x2c: {  	s7 =	sld [smem:$0x3FB3]  }
0x2d: {  	s3 =	simm.s32 $0x108;
	s8 =	sld [smem:$0x3FB4]  }
0x2e: {  	s3 =	simm.s32 @!p0 $0x1082;
	s9 =	sld [smem:$0x3FB5]  }
0x2f: {  	lr =	sadd.s32 s0, s3;
	s0 =	sld [smem:$0x3FAC]  }
0x30: {  	s3 =	sld [smem:$0x3FAF]  }
0x31: {  	[smem:$0x3FB8] =	sst s10  }
0x32: {  	s10 =	sld [smem:$0x3FB6];
	_ =	sdelay $0x3  }
0x33: {  	p0 =	seq.s32 s10, $0x1;
	s10 =	sld [smem:$0x3FB8];
	_ =	sdelay $0x3  }
0x34: {  	[smem:$0x3FB8] =	sst s10  }
0x35: {  	s10 =	sld [smem:$0x3FB7];
	_ =	sdelay $0x3  }
0x36: {  	p1 =	seq.s32 s10, $0x1;
	s10 =	sld [smem:$0x3FB8];
	_ =	sdelay $0x3  }
0x37: {  	[smem:$0x3FB8] =	sst s10  }
0x38: {  	s10 =	sld [smem:$0x3FB9]  }
0x39: {  	_ = 	snop;
	(pc) =	sbr.ind lr, $3  }
0x3a: {  	_ = 	snop  }
0x3b: {  	_ = 	snop  }
0x3c: {  	p2 =	seq.s32 s10, $0x1;
	s10 =	sld [smem:$0x3FB8]  }
0x3d: {  	_ =	shalt  }
0x3e: {  	_ =	shalt  }
0x3f: {  	_ =	shalt  }
0x40: {  	_ =	shalt  }
0x41: {  	_ =	shalt  }
0x42: {  	_ =	shalt  }
0x43: {  	_ =	shalt  }
0x44: {  	_ =	shalt  }
0x45: {  	_ =	shalt  }
0x46: {  	_ =	shalt  }
0x47: {  	_ =	shalt  }
0x48: {  	_ =	shalt  }
0x49: {  	_ =	shalt  }
0x4a: {  	_ =	shalt  }
0x4b: {  	_ =	shalt  }
0x4c: {  	_ =	shalt  }
0x4d: {  	_ =	shalt  }
0x4e: {  	_ =	shalt  }
0x4f: {  	_ =	shalt  }
0x50: {  	_ =	shalt  }
0x51: {  	_ =	shalt  }
0x52: {  	_ =	shalt  }
0x53: {  	_ =	shalt  }
0x54: {  	_ =	shalt  }
0x55: {  	_ =	shalt  }
0x56: {  	_ =	shalt  }
0x57: {  	_ =	shalt  }
0x58: {  	_ =	shalt  }
0x59: {  	_ =	shalt  }
0x5a: {  	_ =	shalt  }
0x5b: {  	_ =	shalt  }
0x5c: {  	_ =	shalt  }
0x5d: {  	_ =	shalt  }
0x5e: {  	_ =	shalt  }
0x5f: {  	_ =	shalt  }
0x60: {  	_ =	shalt  }
0x61: {  	_ =	shalt  }
0x62: {  	_ =	shalt  }
0x63: {  	_ =	shalt  }
0x64: {  	_ =	shalt  }
0x65: {  	_ =	shalt  }
0x66: {  	_ =	shalt  }
0x67: {  	_ =	shalt  }
0x68: {  	_ =	shalt  }
0x69: {  	_ =	shalt  }
0x6a: {  	_ =	shalt  }
0x6b: {  	_ =	shalt  }
0x6c: {  	_ =	shalt  }
0x6d: {  	_ =	shalt  }
0x6e: {  	_ =	shalt  }
0x6f: {  	_ =	shalt  }
0x70: {  	_ =	shalt  }
0x71: {  	_ =	shalt  }
0x72: {  	_ =	shalt  }
0x73: {  	_ =	shalt  }
0x74: {  	_ =	shalt  }
0x75: {  	_ =	shalt  }
0x76: {  	_ =	shalt  }
0x77: {  	_ =	shalt  }
0x78: {  	_ =	shalt  }
0x79: {  	_ =	shalt  }
0x7a: {  	_ =	shalt  }
0x7b: {  	_ =	shalt  }
0x7c: {  	_ =	shalt  }
0x7d: {  	_ =	shalt  }
0x7e: {  	_ =	shalt  }
0x7f: {  	_ =	shalt  }
0x80: {  	_ =	shalt  }
0x81: {  	_ =	shalt  }
0x82: {  	_ =	shalt  }
0x83: {  	_ =	shalt  }
0x84: {  	_ =	shalt  }
0x85: {  	_ =	shalt  }
0x86: {  	_ =	shalt  }
0x87: {  	_ =	shalt  }
.Lfunc_end0:
.L_simem_size_0:
called_computation.2_lowered:
.L_overlay_start_0:
0x88: {  	s2 =	sld [smem:$0x3FD9]  }
0x89: {  	s3 =	sld [smem:$0x3FFE];
	_ =	sdelay $0x1  }
0x8a: {  	s1 =	srdreg.scid  }
0x8b: {  	s0 =	sand.u32 $0x1, s1  }
0x8c: {  	s17 =	sshll.u32 s0, $0xA;
	s2 =	sadd.s32 s3, s2  }
0x8d: {  	s2 =	sadd.s32 s2, s17  }
0x8e: {  	[smem:$0x3FC4] =	sst s2  }
0x8f: {  	_ = 	snop  }
0x90: {  	s2 =	sld [smem:$0x3FD0];
	(tm) =	ssettm $0x1  }
0x91: {  	s18 =	sld [smem:$0x3FFB];
	_ =	sdelay $0x3  }
0x92: {  	_ =	strace s18  }
0x93: {  	s3 =	sld [smem:$0x3FFC];
	_ =	sdelay $0x3  }
0x94: {  	_ =	strace s3  }
0x95: {  	s3 =	sld [smem:$0x3FFD];
	_ =	sdelay $0x3  }
0x96: {  	_ =	strace s3  }
0x97: {  	_ =	strace $0x8FFFFFFF  }
0x98: {  	s19 =	sld [smem:$0x3FDB];
	_ =	sdelay $0x1  }
0x99: {  	s4 =	simm.s32 $_scs_section_size  }
0x9a: {  	s5 =	simm.s32 $_size__tile_overlayer_lowered;
	s6 =	simm.s32 $_tile_overlayer_lowered  }
0x9b: {  	s22 =	simm.s32 $0x1BFF;
	s21 =	sshll.u32 s6, $0x1;
	s3 =	sadd.s32 s4, s19  }
0x9c: {  	s7 =	simm.s32 $0x0;
	s20 =	sshll.u32 s5, $0x1;
	s5 =	sadd.s32 s21, s3  }
0x9d: {  	[timem:s7], [sflag:s22] =	dma.local [hbm:s5], s20  }
0x9e: {  	_ =	swait.ge [sflag:s22], s20  }
0x9f: {  	s4 =	ssub.s32 $0x0, s20;
	[sflag:s22] =	ssyncset.done $0x0  }
0xa0: {  	[sflag:s22] =	ssyncadd.s32 s4;
	_ =	sdelay $0x1  }
0xa1: {  	s23 =	simm.s32 $0x1B8B  }
0xa2: {  	_ =	swait.ge [sflag:s23], $0x1  }
0xa3: {  	[sflag:s23] =	ssyncset.done $0x0  }
0xa4: {  	s25 =	simm.s32 $0x1B8E;
	s24 =	sld [smem:$0x3FFE];
	[sflag:s23] =	ssyncadd.s32 $0xFFFFFFFF  }
0xa5: {  	s26 =	simm.s32 $execute0_lowered;
	[smem:$0x3FD2] =	sst s25  }
0xa6: {  	s5 =	sshll.u32 s26, $0x1;
	_ =	strace $0x8000004C;
	[dreg:$0x1] =	wrdreg $0xFFFFFFFF  }
0xa7: {  	s28 =	simm.s32 $_size_execute0_lowered;
	s3 =	sadd.s32 s3, s5;
	[dreg:$0x0] =	wrdreg $0x0  }
0xa8: {  	s5 =	sshll.u32 s28, $0x1;
	[dreg:$0x2] =	wrdreg s3  }
0xa9: {  	[dreg:$0x3] =	wrdreg s5  }
0xaa: {  	[dreg:$0x4] =	wrdreg $0xC0  }
0xab: {  	_ =	task [dreg:s7], $0x5FFFF  }
0xac: {  	[dreg:$0x1] =	wrdreg $0xFFFFFFFF  }
0xad: {  	[dreg:$0x0] =	wrdreg $0x60  }
0xae: {  	[dreg:$0x2] =	wrdreg s24  }
0xaf: {  	[dreg:$0x3] =	wrdreg s2  }
0xb0: {  	[dreg:$0x4] =	wrdreg $0xAA000  }
0xb1: {  	[dreg:$0x5] =	wrdreg $0x9  }
0xb2: {  	_ =	task.clear_ibuf [dreg:s7], $0x6FFFF;
	_ =	strace $0x9000004C  }
0xb3: {  	s29 =	simm.s32 $0x9;
	_ =	strace $0x8000004E  }
0xb4: {  	_ =	swait.ge [sflag:s29], $0x1  }
0xb5: {  	[sflag:s29] =	ssyncadd.s32 $0xFFFFFFFF  }
0xb6: {  	_ =	strace $0x9000004E  }
0xb7: {  	_ =	sfence  }
0xb8: {  	s30 =	sld [smem:$0x0];
	_ =	sdelay $0x2  }
0xb9: {  	s31 =	sshll.u32 s1, $0xD;
	s1 =	sshrl.u32 s1, $0x2  }
0xba: {  	s3 =	sand.u32 $0x4000, s31;
	s1 =	sadd.s32 s1, s30  }
0xbb: {  	s0 =	sor.u32 s3, s0;
	s1 =	sshll.u32 s1, $0x11  }
0xbc: {  	s0 =	sor.u32 s1, s0  }
0xbd: {  	s0 =	sadd.s32 $0x8F2B, s0  }
0xbe: {  	[sflag:s0] =	ssyncadd.remote.s32 $0x1  }
0xbf: {  	_ =	sfence.sel $0xFFFF  }
0xc0: {  	[dreg:$0x0] =	wrdreg $0xFFFFFFFF;
	(pc) =	sbr.abs _section_cstart, $3  }
0xc1: {  	[dreg:$0x1] =	wrdreg $0xFFFFFFFF  }
0xc2: {  	_ =	task.clear_ibuf [dreg:s7], $0x2FFFF;
	_ =	strace $0x9FFFFFFF  }
0xc3: {  	(tm) =	ssettm $0x7FFFFFFF  }
tec
execute0_lowered:
.L_overlay_start_1:
0x0: {  	(tag) =	ssettag $0x1  }
0x1: {  	s0 =	rddreg [dreg:$0x0]  }
0x2: {  	s2 =	rddreg [dreg:$0x1];
	s1 =	srdreg.scid  }
0x3: {  	s3 =	rddreg [dreg:$0x2];
	s15 =	stileid.u32;
	s4 =	simm.s32 $0x0  }
0x4: {  	s16 =	simm.s32 $0x7;
	s17 =	simm.s32 $0x80;
	s18 =	simm.s32 $0x100  }
0x5: {  	s19 =	simm.s32 $0x180;
	s22 =	simm.s32 $0x1;
	s28 =	simm.s32 $0x3  }
0x6: {  	s29 =	simm.s32 $0x6;
	s30 =	simm.s32 $0x4;
	s31 =	simm.s32 $0x0  }
0x7: {  	s1 =	sand.u32 $0x1, s1;
	s12 =	smul.u32 $0x14000, s15;
	[smem:$0x7FF] =	sst s4  }
0x8: {  	s6 =	sadd.s32 $0xC200, s0;
	s13 =	smul.u32 $0x50000, s15;
	s26 =	sshll.u32 s15, $0x6  }
0x9: {  	s5 =	sshll.u32 s1, $0x4;
	s7 =	smul.u32 $0x140000, s1;
	_ =	strace $0x8000004D  }
0xa: {  	s1 =	ssub.s32 $0x2, s1;
	s20 =	sor.u32 $0x1C07, s26;
	s26 =	simm.s32 $0x5  }
0xb: {  	s5 =	sor.u32 s15, s5;
	s23 =	sshrl.u32 s1, $0x1;
	s13 =	sshrl.u32 s13, $0x2  }
0xc: {  	s5 =	smul.u32 $0x2800, s5;
	s7 =	sadd.s32 s12, s7;
	s1 =	ssub.s32 s1, s23  }
0xd: {  	s12 =	sshrl.u32 s12, $0x3;
	s21 =	sadd.s32 s13, s3;
	s23 =	simm.s32 $0x2A00  }
0xe: {  	s7 =	sshrl.u32 s7, $0x3;
	s12 =	sadd.s32 s6, s12;
	s14 =	smax.u32 s1, $0x1  }
.Ltmp0:
0xf: {  	s21 =	sshrl.u32 s21, $0x3;
	s8 =	sshrl.u32 s5, $0x3;
	(pc) =	sbr.rel .LBB2_1-.Ltmp0, $4  }
0x10: {  	s9 =	sadd.s32 s8, s0;
	s0 =	sadd.s32 s7, s0;
	s7 =	sadd.s32 s2, s8  }
0x11: {  	s24 =	sadd.s32 $0x2200, s9;
	s25 =	sadd.s32 $0x10, s7;
	s10 =	sadd.s32 $0x20, s7  }
0x12: {  	s11 =	sadd.s32 $0x30, s7;
	s13 =	sadd.s32 $0x34200, s0;
	[dreg:$0x4] =	wrdreg s24  }
0x13: {  	[dreg:$0x5] =	wrdreg s25;
	s24 =	simm.s32 $0x2;
	s25 =	simm.s32 $0x6A00  }
.LBB2_4:
0x14: {  	_ =	swait.ge [sflag:s29], $0x4000  }
0x15: {  	[sflag:s29] =	ssyncset.done $0x0  }
0x16: {  	[sflag:s29] =	ssyncadd.s32 $0xFFFFC000  }
0x17: {  	[spmem:s3] =	stream.indirect.scatter.add.f32 [tilespmem:s25], [sflag:$0x7], $0x80, s0, s17, $0xb8;
	[tilespmem:$0x1EA00] =	vst v63  }
0x18: {  	_ =	swait.ge [sflag:s16], $0x4000  }
0x19: {  	s31 =	sadd.s32 $0x1, s31;
	[sflag:s16] =	ssyncset.done $0x0  }
0x1a: {  	p0 =	sne.s32 s31, s14;
	[sflag:s16] =	ssyncadd.s32 $0xFFFFC000  }
.Ltmp1:
0x1b: {  	[bflag:$0x0] =	sbarrier.arrive $0xFFFF;
	(pc) =	sbr.rel @!p0 .LBB2_5-.Ltmp1, $4  }
0x1c: {  	[hbm:s13], [sflag:s20] =	dma.local [spmem:s21], $0x2800  }
0x1d: {  	_ =	swait.ge [sflag:s16], $0x2800  }
0x1e: {  	[sflag:s16] =	ssyncset.done $0x0  }
0x1f: {  	[sflag:s16] =	ssyncadd.s32 $0xFFFFD800  }
.LBB2_1:
0x20: {  	s0 =	rddreg [dreg:$0x4];
	s1 =	simm.s32 $0x200  }
0x21: {  	[tilespmem:s1], [sflag:$0x7] =	stream.linear.gather [hbm4b:s0+s4], $0x2800, $0x38;
	[tilespmem:$0x1EA00] =	vst v63  }
0x22: {  	_ =	swait.ge [sflag:s16], $0x2800  }
0x23: {  	[sflag:s16] =	ssyncset.done $0x0  }
0x24: {  	[sflag:s16] =	ssyncadd.s32 $0xFFFFD800  }
0x25: {  	[tilespmem:s4], [sflag:$0x1] =	stream.linear.gather [hbm4b:s7+s4], $0x80, $0x38;
	[tilespmem:$0x1EA00] =	vst v63  }
0x26: {  	s15 =	rddreg [dreg:$0x5]  }
0x27: {  	[tilespmem:s17], [sflag:$0x2] =	stream.linear.gather [hbm4b:s15+s4], $0x80, $0x38;
	[tilespmem:$0x1EA00] =	vst v63  }
0x28: {  	_ = 	snop  }
0x29: {  	[tilespmem:s18], [sflag:$0x3] =	stream.linear.gather [hbm4b:s10+s4], $0x80, $0x38;
	[tilespmem:$0x1EA00] =	vst v63  }
0x2a: {  	_ = 	snop  }
0x2b: {  	[tilespmem:s19], [sflag:$0x4] =	stream.linear.gather [hbm4b:s11+s4], $0x80, $0x38;
	[tilespmem:$0x1EA00] =	vst v63  }
0x2c: {  	[spmem:s21], [sflag:s20] =	dma.local [hbm:s12], $0x2800  }
0x2d: {  	_ =	swait.ge [sflag:s16], $0x2800  }
0x2e: {  	[sflag:s16] =	ssyncset.done $0x0  }
0x2f: {  	[sflag:s16] =	ssyncadd.s32 $0xFFFFD800  }
0x30: {  	_ =	swait.ge [sflag:s22], $0x80  }
0x31: {  	[sflag:s22] =	ssyncset.done $0x0  }
0x32: {  	[sflag:s22] =	ssyncadd.s32 $0xFFFFFF80  }
0x33: {  	[tilespmem:s23], [sflag:$0x5] =	stream.indirect.gather [hbm4b:s6+s17], $0x80, s4, s17, $0xb8;
	[tilespmem:$0x1EA00] =	vst v63  }
0x34: {  	_ =	swait.ge [sflag:s24], $0x80  }
0x35: {  	[sflag:s24] =	ssyncset.done $0x0  }
0x36: {  	[sflag:s24] =	ssyncadd.s32 $0xFFFFFF80  }
0x37: {  	[tilespmem:s25], [sflag:$0x6] =	stream.indirect.gather [hbm4b:s6+s17], $0x80, s17, s17, $0xb8;
	[tilespmem:$0x1EA00] =	vst v63  }
0x38: {  	s1 =	simm.s32 $0x380;
	s0 =	simm.s32 $0x380;
	[bflag:$0x0] =	sbarrier.arrive $0xFFFF  }
.LBB2_2:
0x39: {  	_ =	swait.ge [sflag:s26], $0x4000  }
0x3a: {  	[sflag:s26] =	ssyncset.done $0x0  }
0x3b: {  	s15 =	sadd.s32 $0xFFFFFE80, s0;
	p0 =	seq.s32 s1, $0x2980;
	[sflag:s26] =	ssyncadd.s32 $0xFFFFC000  }
0x3c: {  	[spmem:s3] =	stream.indirect.scatter.add.f32 [tilespmem:s23], [sflag:$0x7], $0x80, s15, s17, $0xb8;
	[tilespmem:$0x1EA00] =	vst v63  }
0x3d: {  	s15 =	sadd.s32 @!p0 $0xFFFFFE80, s1  }
0x3e: {  	s8 =	sand.u32 @!p0 $0x7C00, s15  }
0x3f: {  	s15 =	sand.u32 @!p0 $0x200, s15;
	s8 =	sadd.s32 @!p0 s5, s8  }
0x40: {  	_ =	swait.ge [sflag:s16], $0x4000;
	s8 =	sor.u32 @!p0 s15, s8  }
0x41: {  	[sflag:s16] =	ssyncset.done $0x0;
	s8 =	sshrl.u32 @!p0 s8, $0x3  }
0x42: {  	[sflag:s16] =	ssyncadd.s32 $0xFFFFC000;
	s15 =	simm.s32 @!p0 $0x0;
	s8 =	sadd.s32 @!p0 s2, s8  }
0x43: {  	[tilespmem:s15], [sflag:$0x1] =	stream.linear.gather @!p0 [hbm4b:s8+s15], $0x80, $0x38;
	[tilespmem:$0x1EA00] =	vst v63  }
0x44: {  	_ =	swait.ge [sflag:s28], $0x80  }
0x45: {  	[sflag:s28] =	ssyncset.done $0x0  }
0x46: {  	[sflag:s28] =	ssyncadd.s32 $0xFFFFFF80  }
0x47: {  	[tilespmem:s23], [sflag:$0x5] =	stream.indirect.gather [hbm4b:s6+s17], $0x80, s18, s17, $0xb8;
	[tilespmem:$0x1EA00] =	vst v63  }
0x48: {  	_ =	swait.ge [sflag:s29], $0x4000  }
0x49: {  	[sflag:s29] =	ssyncset.done $0x0  }
0x4a: {  	s9 =	sadd.s32 $0xFFFFFF00, s0;
	s8 =	sadd.s32 @!p0 $0xFFFFFF00, s1;
	[sflag:s29] =	ssyncadd.s32 $0xFFFFC000  }
0x4b: {  	[spmem:s3] =	stream.indirect.scatter.add.f32 [tilespmem:s25], [sflag:$0x7], $0x80, s9, s17, $0xb8;
	[tilespmem:$0x1EA00] =	vst v63  }
0x4c: {  	s9 =	sand.u32 @!p0 $0x7C00, s8  }
0x4d: {  	s8 =	sand.u32 @!p0 $0x280, s8;
	s9 =	sadd.s32 @!p0 s5, s9  }
0x4e: {  	_ =	swait.ge [sflag:s16], $0x4000;
	s8 =	sor.u32 @!p0 s8, s9  }
0x4f: {  	[sflag:s16] =	ssyncset.done $0x0;
	s8 =	sshrl.u32 @!p0 s8, $0x3  }
0x50: {  	s9 =	simm.s32 @!p0 $0x80;
	[sflag:s16] =	ssyncadd.s32 $0xFFFFC000;
	s8 =	sadd.s32 @!p0 s2, s8  }
0x51: {  	[tilespmem:s9], [sflag:$0x2] =	stream.linear.gather @!p0 [hbm4b:s8+s15], $0x80, $0x38;
	[tilespmem:$0x1EA00] =	vst v63  }
0x52: {  	_ =	swait.ge [sflag:s30], $0x80  }
0x53: {  	[sflag:s30] =	ssyncset.done $0x0  }
0x54: {  	[sflag:s30] =	ssyncadd.s32 $0xFFFFFF80  }
0x55: {  	[tilespmem:s25], [sflag:$0x6] =	stream.indirect.gather [hbm4b:s6+s17], $0x80, s19, s17, $0xb8;
	[tilespmem:$0x1EA00] =	vst v63  }
0x56: {  	_ =	swait.ge [sflag:s26], $0x4000  }
0x57: {  	[sflag:s26] =	ssyncset.done $0x0  }
.Ltmp2:
0x58: {  	s15 =	sadd.s32 $0xFFFFFF80, s0;
	[sflag:s26] =	ssyncadd.s32 $0xFFFFC000;
	(pc) =	sbr.rel @p0 .LBB2_4-.Ltmp2, $4  }
0x59: {  	[spmem:s3] =	stream.indirect.scatter.add.f32 [tilespmem:s23], [sflag:$0x7], $0x80, s15, s17, $0xb8;
	[tilespmem:$0x1EA00] =	vst v63  }
0x5a: {  	_ =	swait.ge [sflag:s16], $0x4000  }
0x5b: {  	[sflag:s16] =	ssyncset.done $0x0  }
0x5c: {  	[sflag:s16] =	ssyncadd.s32 $0xFFFFC000  }
0x5d: {  	s8 =	sadd.s32 $0xFFFFFF80, s1  }
0x5e: {  	s9 =	sand.u32 $0x7C00, s8  }
0x5f: {  	s8 =	sand.u32 $0x300, s8;
	s9 =	sadd.s32 s5, s9  }
0x60: {  	s8 =	sor.u32 s8, s9  }
0x61: {  	s8 =	sshrl.u32 s8, $0x3  }
0x62: {  	s8 =	sadd.s32 s2, s8  }
0x63: {  	[tilespmem:s18], [sflag:$0x3] =	stream.linear.gather [hbm4b:s8+s4], $0x80, $0x38;
	[tilespmem:$0x1EA00] =	vst v63  }
0x64: {  	_ =	swait.ge [sflag:s22], $0x80  }
0x65: {  	[sflag:s22] =	ssyncset.done $0x0  }
0x66: {  	[sflag:s22] =	ssyncadd.s32 $0xFFFFFF80  }
0x67: {  	[tilespmem:s23], [sflag:$0x5] =	stream.indirect.gather [hbm4b:s6+s17], $0x80, s4, s17, $0xb8;
	[tilespmem:$0x1EA00] =	vst v63  }
0x68: {  	_ =	swait.ge [sflag:s29], $0x4000  }
0x69: {  	s9 =	sand.u32 $0x7C00, s1;
	[sflag:s29] =	ssyncset.done $0x0  }
0x6a: {  	s15 =	sand.u32 $0x380, s1;
	s8 =	sadd.s32 s5, s9;
	[sflag:s29] =	ssyncadd.s32 $0xFFFFC000  }
0x6b: {  	[spmem:s3] =	stream.indirect.scatter.add.f32 [tilespmem:s25], [sflag:$0x7], $0x80, s0, s17, $0xb8;
	[tilespmem:$0x1EA00] =	vst v63  }
0x6c: {  	s8 =	sor.u32 s15, s8;
	_ =	swait.ge [sflag:s16], $0x4000  }
0x6d: {  	s8 =	sshrl.u32 s8, $0x3;
	[sflag:s16] =	ssyncset.done $0x0  }
0x6e: {  	s8 =	sadd.s32 s2, s8;
	[sflag:s16] =	ssyncadd.s32 $0xFFFFC000  }
0x6f: {  	[tilespmem:s19], [sflag:$0x4] =	stream.linear.gather [hbm4b:s8+s4], $0x80, $0x38;
	[tilespmem:$0x1EA00] =	vst v63  }
.Ltmp3:
0x70: {  	_ = 	snop;
	(pc) =	sbr.rel .LBB2_2-.Ltmp3, $4  }
0x71: {  	_ =	swait.ge [sflag:s24], $0x80  }
0x72: {  	[sflag:s24] =	ssyncset.done $0x0  }
0x73: {  	s1 =	sadd.s32 $0x200, s1;
	s0 =	sadd.s32 $0x200, s0;
	[sflag:s24] =	ssyncadd.s32 $0xFFFFFF80  }
0x74: {  	[tilespmem:s25], [sflag:$0x6] =	stream.indirect.gather [hbm4b:s6+s17], $0x80, s17, s17, $0xb8;
	[tilespmem:$0x1EA00] =	vst v63  }
.LBB2_5:
0x75: {  	_ =	sfence.sel $0x180000  }
0x76: {  	[bflag:$0x0] =	sbarrier.arrive $0xFFFF  }
0x77: {  	_ =	strace $0x9000004D  }
0x78: {  	s0 =	stileid.u32;
	[bflag:$0x2] =	sbarrier.arrive $0xFFFF  }
0x79: {  	p0 =	sne.s32 s0, $0x0;
	s0 =	rddreg [dreg:$0x3]  }
0x7a: {  	s0 =	sadd.s32 @!p0 $0x100000, s0  }
0x7b: {  	[sflag:s0] =	ssyncadd.tile.s32 @!p0 $0x1;
	_ =	shalt  }
.Lfunc_end2:
_tile_overlayer_lowered:
.L_overlay_start_2:
0x7c: {  	(tag) =	ssettag $0x2  }
0x7d: {  	s0 =	rddreg [dreg:$0x0];
	s2 =	stileid.u32  }
0x7e: {  	s1 =	rddreg [dreg:$0x1];
	p0 =	sne.s32 s2, $0x0  }
0x7f: {  	s3 =	rddreg [dreg:$0x2];
	[bflag:$0x3] =	sbarrier.arrive $0xFFFF;
	s2 =	simm.s32 @!p0 $0x1C07  }
0x80: {  	[timem:s3], [sflag:s2] =	dma.local @!p0 [hbm:s0], s1  }
0x81: {  	s0 =	simm.s32 @!p0 $0x7  }
0x82: {  	_ =	swait.ge @!p0 [sflag:s0], s1  }
0x83: {  	s1 =	ssub.s32 @!p0 $0x0, s1;
	[sflag:s0] =	ssyncset.done @!p0 $0x0  }
0x84: {  	[sflag:s0] =	ssyncadd.s32 @!p0 s1  }
0x85: {  	[bflag:$0x3] =	sbarrier.arrive $0xFFFF  }
0x86: {  	_ =	shalt  }

// kernel: kernel.8.cloned.1.call-start
scs
__scs_entry_jumppad:
0x0: {  	(pc) =	sbr.rel $0x88, $3  }
0x1: {  	(tag) =	ssettag $0x0;
	lr =	simm.s32 $0x1  }
0x2: {  	[smem:$0x3F9D] =	sst lr;
	_ =	strace $0xD0000000  }
0x3: {  	_ = 	snop  }
0x4: {  	_ = 	snop  }
0x5: {  	_ = 	snop  }
0x6: {  	_ = 	snop  }
0x7: {  	_ = 	snop  }
__scs_overlays_trampoline_lowered:
0x8: {  	[smem:$0x3FAC] =	sst s0  }
0x9: {  	[smem:$0x3FAD] =	sst s1  }
0xa: {  	[smem:$0x3FAE] =	sst s2  }
0xb: {  	[smem:$0x3FAF] =	sst s3  }
0xc: {  	[smem:$0x3FB0] =	sst s4  }
0xd: {  	[smem:$0x3FB1] =	sst s5  }
0xe: {  	[smem:$0x3FB2] =	sst s6  }
0xf: {  	[smem:$0x3FB3] =	sst s7  }
0x10: {  	[smem:$0x3FB4] =	sst s8  }
0x11: {  	[smem:$0x3FB5] =	sst s9;
	s0 =	simm.s32 @!p0 $0x0  }
0x12: {  	s1 =	sld [smem:$0x3F9B];
	s0 =	simm.s32 @p0 $0x1  }
0x13: {  	[smem:$0x3FB6] =	sst s0;
	s0 =	simm.s32 @!p1 $0x0  }
0x14: {  	s2 =	sld [smem:$0x3F9A];
	s0 =	simm.s32 @p1 $0x1  }
0x15: {  	[smem:$0x3FB7] =	sst s0;
	s0 =	simm.s32 @!p2 $0x0  }
0x16: {  	s3 =	sld [smem:$0x3FDB];
	s0 =	simm.s32 @p2 $0x1  }
0x17: {  	s4 =	simm.s32 $0x1BF5;
	[smem:$0x3FB9] =	sst s0  }
0x18: {  	s0 =	sld [smem:$0x3F9C];
	_ =	swait.ge [sflag:s4], $0x0  }
0x19: {  	s7 =	sld [smem:$0x3F9D]  }
0x1a: {  	s8 =	sadd.s32 $0xFFFFE003, lr  }
0x1b: {  	s9 =	sadd.s32 $0xFFFFFEF7, lr;
	s5 =	simm.s32 $0xFFFFFFFF;
	p2 =	slt.u32 s8, $0xFFFFF086  }
0x1c: {  	p1 =	slt.u32 s9, $0xF7A;
	s5 =	simm.s32 @!p2 $0x0  }
0x1d: {  	s5 =	simm.s32 @p1 $0x1;
	p0 =	seq.s32 s7, s2  }
0x1e: {  	s7 =	smul.u32 @!p0 $0xF7A, s2;
	p2 =	seq.s32 @!p0 s5, $0x0  }
0x1f: {  	s9 =	smul.u32 $0xF7A, s1;
	s8 =	simm.s32 @!p0 $0x1BF5;
	p2 =	por !p2, p0  }
0x20: {  	[sflag:s8] =	ssyncset.s32 @!p0 $0xFFFFF086;
	s6 =	sadd.s32 @!p0 s3, s7;
	s7 =	simm.s32 @!p0 $0x108  }
0x21: {  	s3 =	sadd.s32 s3, s9;
	s6 =	sadd.s32 @!p0 $0x88, s6;
	s7 =	simm.s32 @p2 $0x1082  }
0x22: {  	[simem:s7], [sflag:s8] =	dma.local @!p0 [hbm:s6], $0xF7A  }
0x23: {  	s9 =	sor.u32 $0xD0000000, s2;
	s6 =	simm.s32 $0x108;
	_ =	swait.ge @!p0 [sflag:s8], $0x0  }
0x24: {  	s3 =	sadd.s32 $0x88, s3;
	s6 =	simm.s32 @!p1 $0x1082;
	[sflag:s4] =	ssyncset.s32 $0xFFFFF086  }
0x25: {  	[simem:s6], [sflag:s4] =	dma.local [hbm:s3], $0xF7A  }
0x26: {  	[smem:$0x3F9D] =	sst s1;
	(tag) =	ssettag s2;
	_ =	strace s9  }
0x27: {  	s1 =	sld [smem:$0x3FAD]  }
0x28: {  	s2 =	sld [smem:$0x3FAE]  }
0x29: {  	s4 =	sld [smem:$0x3FB0]  }
0x2a: {  	p0 =	seq.s32 s5, $0x0;
	s5 =	sld [smem:$0x3FB1]  }
0x2b: {  	s6 =	sld [smem:$0x3FB2]  }
0x2c: {  	s7 =	sld [smem:$0x3FB3]  }
0x2d: {  	s3 =	simm.s32 $0x108;
	s8 =	sld [smem:$0x3FB4]  }
0x2e: {  	s3 =	simm.s32 @!p0 $0x1082;
	s9 =	sld [smem:$0x3FB5]  }
0x2f: {  	lr =	sadd.s32 s0, s3;
	s0 =	sld [smem:$0x3FAC]  }
0x30: {  	s3 =	sld [smem:$0x3FAF]  }
0x31: {  	[smem:$0x3FB8] =	sst s10  }
0x32: {  	s10 =	sld [smem:$0x3FB6];
	_ =	sdelay $0x3  }
0x33: {  	p0 =	seq.s32 s10, $0x1;
	s10 =	sld [smem:$0x3FB8];
	_ =	sdelay $0x3  }
0x34: {  	[smem:$0x3FB8] =	sst s10  }
0x35: {  	s10 =	sld [smem:$0x3FB7];
	_ =	sdelay $0x3  }
0x36: {  	p1 =	seq.s32 s10, $0x1;
	s10 =	sld [smem:$0x3FB8];
	_ =	sdelay $0x3  }
0x37: {  	[smem:$0x3FB8] =	sst s10  }
0x38: {  	s10 =	sld [smem:$0x3FB9]  }
0x39: {  	_ = 	snop;
	(pc) =	sbr.ind lr, $3  }
0x3a: {  	_ = 	snop  }
0x3b: {  	_ = 	snop  }
0x3c: {  	p2 =	seq.s32 s10, $0x1;
	s10 =	sld [smem:$0x3FB8]  }
0x3d: {  	_ =	shalt  }
0x3e: {  	_ =	shalt  }
0x3f: {  	_ =	shalt  }
0x40: {  	_ =	shalt  }
0x41: {  	_ =	shalt  }
0x42: {  	_ =	shalt  }
0x43: {  	_ =	shalt  }
0x44: {  	_ =	shalt  }
0x45: {  	_ =	shalt  }
0x46: {  	_ =	shalt  }
0x47: {  	_ =	shalt  }
0x48: {  	_ =	shalt  }
0x49: {  	_ =	shalt  }
0x4a: {  	_ =	shalt  }
0x4b: {  	_ =	shalt  }
0x4c: {  	_ =	shalt  }
0x4d: {  	_ =	shalt  }
0x4e: {  	_ =	shalt  }
0x4f: {  	_ =	shalt  }
0x50: {  	_ =	shalt  }
0x51: {  	_ =	shalt  }
0x52: {  	_ =	shalt  }
0x53: {  	_ =	shalt  }
0x54: {  	_ =	shalt  }
0x55: {  	_ =	shalt  }
0x56: {  	_ =	shalt  }
0x57: {  	_ =	shalt  }
0x58: {  	_ =	shalt  }
0x59: {  	_ =	shalt  }
0x5a: {  	_ =	shalt  }
0x5b: {  	_ =	shalt  }
0x5c: {  	_ =	shalt  }
0x5d: {  	_ =	shalt  }
0x5e: {  	_ =	shalt  }
0x5f: {  	_ =	shalt  }
0x60: {  	_ =	shalt  }
0x61: {  	_ =	shalt  }
0x62: {  	_ =	shalt  }
0x63: {  	_ =	shalt  }
0x64: {  	_ =	shalt  }
0x65: {  	_ =	shalt  }
0x66: {  	_ =	shalt  }
0x67: {  	_ =	shalt  }
0x68: {  	_ =	shalt  }
0x69: {  	_ =	shalt  }
0x6a: {  	_ =	shalt  }
0x6b: {  	_ =	shalt  }
0x6c: {  	_ =	shalt  }
0x6d: {  	_ =	shalt  }
0x6e: {  	_ =	shalt  }
0x6f: {  	_ =	shalt  }
0x70: {  	_ =	shalt  }
0x71: {  	_ =	shalt  }
0x72: {  	_ =	shalt  }
0x73: {  	_ =	shalt  }
0x74: {  	_ =	shalt  }
0x75: {  	_ =	shalt  }
0x76: {  	_ =	shalt  }
0x77: {  	_ =	shalt  }
0x78: {  	_ =	shalt  }
0x79: {  	_ =	shalt  }
0x7a: {  	_ =	shalt  }
0x7b: {  	_ =	shalt  }
0x7c: {  	_ =	shalt  }
0x7d: {  	_ =	shalt  }
0x7e: {  	_ =	shalt  }
0x7f: {  	_ =	shalt  }
0x80: {  	_ =	shalt  }
0x81: {  	_ =	shalt  }
0x82: {  	_ =	shalt  }
0x83: {  	_ =	shalt  }
0x84: {  	_ =	shalt  }
0x85: {  	_ =	shalt  }
0x86: {  	_ =	shalt  }
0x87: {  	_ =	shalt  }
.Lfunc_end0:
.L_simem_size_0:
called_computation_lowered:
.L_overlay_start_0:
0x88: {  	s2 =	sld [smem:$0x3FD9]  }
0x89: {  	s3 =	sld [smem:$0x3FFE];
	_ =	sdelay $0x1  }
0x8a: {  	s1 =	srdreg.scid  }
0x8b: {  	s0 =	sand.u32 $0x1, s1  }
0x8c: {  	s16 =	sshll.u32 s0, $0xA;
	s2 =	sadd.s32 s3, s2  }
0x8d: {  	s2 =	sadd.s32 s2, s16  }
0x8e: {  	[smem:$0x3FC4] =	sst s2  }
0x8f: {  	_ = 	snop  }
0x90: {  	(tm) =	ssettm $0x1  }
0x91: {  	s17 =	sld [smem:$0x3FFB];
	_ =	sdelay $0x3  }
0x92: {  	_ =	strace s17  }
0x93: {  	s2 =	sld [smem:$0x3FFC];
	_ =	sdelay $0x3  }
0x94: {  	_ =	strace s2  }
0x95: {  	s2 =	sld [smem:$0x3FFD];
	_ =	sdelay $0x3  }
0x96: {  	_ =	strace s2  }
0x97: {  	_ =	strace $0x8FFFFFFF  }
0x98: {  	s18 =	sld [smem:$0x3FDB];
	_ =	sdelay $0x1  }
0x99: {  	s19 =	simm.s32 $_scs_section_size  }
0x9a: {  	s4 =	simm.s32 $_size__tile_overlayer_lowered;
	s5 =	simm.s32 $_tile_overlayer_lowered  }
0x9b: {  	s22 =	simm.s32 $0x1BFF;
	s21 =	sshll.u32 s5, $0x1;
	s2 =	sadd.s32 s19, s18  }
0x9c: {  	s6 =	simm.s32 $0x0;
	s20 =	sshll.u32 s4, $0x1;
	s4 =	sadd.s32 s21, s2  }
0x9d: {  	[timem:s6], [sflag:s22] =	dma.local [hbm:s4], s20  }
0x9e: {  	_ =	swait.ge [sflag:s22], s20  }
0x9f: {  	s3 =	ssub.s32 $0x0, s20;
	[sflag:s22] =	ssyncset.done $0x0  }
0xa0: {  	[sflag:s22] =	ssyncadd.s32 s3;
	_ =	sdelay $0x1  }
0xa1: {  	s23 =	simm.s32 $0x1B8B  }
0xa2: {  	_ =	swait.ge [sflag:s23], $0x1  }
0xa3: {  	[sflag:s23] =	ssyncset.done $0x0  }
0xa4: {  	s25 =	simm.s32 $0x1B8E;
	s24 =	sld [smem:$0x3FFE];
	[sflag:s23] =	ssyncadd.s32 $0xFFFFFFFF  }
0xa5: {  	s26 =	simm.s32 $execute0_lowered;
	[smem:$0x3FD2] =	sst s25  }
0xa6: {  	s4 =	sshll.u32 s26, $0x1;
	_ =	strace $0x80000046;
	[dreg:$0x1] =	wrdreg $0xFFFFFFFF  }
0xa7: {  	s28 =	simm.s32 $_size_execute0_lowered;
	s2 =	sadd.s32 s2, s4;
	[dreg:$0x0] =	wrdreg $0x0  }
0xa8: {  	s4 =	sshll.u32 s28, $0x1;
	[dreg:$0x2] =	wrdreg s2  }
0xa9: {  	[dreg:$0x3] =	wrdreg s4  }
0xaa: {  	[dreg:$0x4] =	wrdreg $0xC0  }
0xab: {  	_ =	task [dreg:s6], $0x5FFFF  }
0xac: {  	[dreg:$0x1] =	wrdreg $0xFFFFFFFF  }
0xad: {  	[dreg:$0x0] =	wrdreg $0x60  }
0xae: {  	[dreg:$0x2] =	wrdreg s24  }
0xaf: {  	[dreg:$0x3] =	wrdreg $0x2B000  }
0xb0: {  	[dreg:$0x4] =	wrdreg $0x9  }
0xb1: {  	_ =	task.clear_ibuf [dreg:s6], $0x5FFFF;
	_ =	strace $0x90000046  }
0xb2: {  	s29 =	simm.s32 $0x9;
	_ =	strace $0x80000048  }
0xb3: {  	_ =	swait.ge [sflag:s29], $0x1  }
0xb4: {  	[sflag:s29] =	ssyncadd.s32 $0xFFFFFFFF  }
0xb5: {  	_ =	strace $0x90000048  }
0xb6: {  	_ =	sfence  }
0xb7: {  	s30 =	sld [smem:$0x0];
	_ =	sdelay $0x2  }
0xb8: {  	s31 =	sshll.u32 s1, $0xD;
	s1 =	sshrl.u32 s1, $0x2  }
0xb9: {  	s3 =	sand.u32 $0x4000, s31;
	s1 =	sadd.s32 s1, s30  }
0xba: {  	s0 =	sor.u32 s3, s0;
	s1 =	sshll.u32 s1, $0x11  }
0xbb: {  	s0 =	sor.u32 s1, s0  }
0xbc: {  	s0 =	sadd.s32 $0x8F2B, s0  }
0xbd: {  	[sflag:s0] =	ssyncadd.remote.s32 $0x1  }
0xbe: {  	_ =	sfence.sel $0xFFFF  }
0xbf: {  	[dreg:$0x0] =	wrdreg $0xFFFFFFFF;
	(pc) =	sbr.abs _section_cstart, $3  }
0xc0: {  	[dreg:$0x1] =	wrdreg $0xFFFFFFFF  }
0xc1: {  	_ =	task.clear_ibuf [dreg:s6], $0x2FFFF;
	_ =	strace $0x9FFFFFFF  }
0xc2: {  	(tm) =	ssettm $0x7FFFFFFF  }
0xc3: {  	_ =	shalt  }
tec
execute0_lowered:
.L_overlay_start_1:
0x0: {  	(tag) =	ssettag $0x1  }
0x1: {  	s4 =	rddreg [dreg:$0x0];
	s0 =	srdreg.scid  }
0x2: {  	s2 =	rddreg [dreg:$0x1];
	s1 =	stileid.u32  }
0x3: {  	s3 =	simm.s32 $0x0;
	s10 =	simm.s32 $0x80;
	s11 =	simm.s32 $0x2800  }
0x4: {  	s14 =	simm.s32 $0x20;
	s15 =	simm.s32 $0x10;
	s16 =	simm.s32 $0x0  }
0x5: {  	s5 =	sand.u32 $0x1, s0;
	s0 =	rddreg [dreg:$0x2];
	s7 =	smul.u32 $0x500, s1  }
0x6: {  	[smem:$0x7FF] =	sst s3;
	s30 =	smul.u32 $0xA00, s1;
	s12 =	sshll.u32 s1, $0x6  }
0x7: {  	s6 =	sshll.u32 s5, $0x4;
	s8 =	sshll.u32 s5, $0x7;
	_ =	strace $0x80000047  }
0x8: {  	s5 =	ssub.s32 $0x2, s5;
	s12 =	sor.u32 $0x1C01, s12;
	s6 =	sor.u32 s1, s6  }
0x9: {  	s7 =	sor.u32 s8, s7;
	s31 =	sshrl.u32 s5, $0x1;
	s6 =	smul.u32 $0x500, s6  }
0xa: {  	s8 =	sshrl.u32 s30, $0x2;
	s7 =	sshrl.u32 s7, $0x3;
	s9 =	ssub.s32 s5, s31  }
0xb: {  	s5 =	sadd.s32 s8, s2;
	s8 =	simm.s32 $0x1;
	s6 =	sadd.s32 s6, s4  }
0xc: {  	s7 =	sadd.s32 s7, s4;
	s13 =	sshrl.u32 s5, $0x3;
	s4 =	sadd.s32 $0x2200, s6  }
0xd: {  	v0 =	vimm.f32 $1.000000000e+00;
	v1 =	vimm.f32 $0.0e+00;
	s6 =	sadd.s32 $0xC200, s7;
	s7 =	smax.u32 s9, $0x1;
	s9 =	simm.s32 $0x2880  }
.LBB2_1:
0xe: {  	[tilespmem:s3], [sflag:$0x1] =	stream.linear.gather [hbm4b:s4+s3], $0x2800, $0x38;
	[tilespmem:$0x2D80] =	vst v63  }
0xf: {  	_ =	swait.ge [sflag:s8], $0x2800  }
0x10: {  	[sflag:s8] =	ssyncset.done $0x0  }
0x11: {  	[sflag:s8] =	ssyncadd.s32 $0xFFFFD800  }
0x12: {  	[tilespmem:$0x2800] =	vst v0  }
0x13: {  	[tilespmem:$0x2810] =	vst v0  }
0x14: {  	[tilespmem:$0x2820] =	vst v0  }
0x15: {  	[tilespmem:$0x2830] =	vst v0  }
0x16: {  	[tilespmem:$0x2840] =	vst v0  }
0x17: {  	[tilespmem:$0x2850] =	vst v0  }
0x18: {  	[tilespmem:$0x2860] =	vst v0  }
0x19: {  	[tilespmem:$0x2870] =	vst v0  }
0x1a: {  	[tilespmem:$0x2880] =	vst v1  }
0x1b: {  	[tilespmem:$0x2890] =	vst v1  }
0x1c: {  	[tilespmem:$0x28A0] =	vst v1  }
0x1d: {  	[tilespmem:$0x28B0] =	vst v1  }
0x1e: {  	[tilespmem:$0x28C0] =	vst v1  }
0x1f: {  	[tilespmem:$0x28D0] =	vst v1  }
0x20: {  	[tilespmem:$0x28E0] =	vst v1  }
0x21: {  	[tilespmem:$0x28F0] =	vst v1  }
0x22: {  	[tilespmem:$0x2900] =	vst v1  }
0x23: {  	[tilespmem:$0x2910] =	vst v1  }
0x24: {  	[tilespmem:$0x2920] =	vst v1  }
0x25: {  	[tilespmem:$0x2930] =	vst v1  }
0x26: {  	[tilespmem:$0x2940] =	vst v1  }
0x27: {  	[tilespmem:$0x2950] =	vst v1  }
0x28: {  	[tilespmem:$0x2960] =	vst v1  }
0x29: {  	[tilespmem:$0x2970] =	vst v1  }
0x2a: {  	[tilespmem:$0x2980] =	vst v1  }
0x2b: {  	[tilespmem:$0x2990] =	vst v1  }
0x2c: {  	[tilespmem:$0x29A0] =	vst v1  }
0x2d: {  	[tilespmem:$0x29B0] =	vst v1  }
0x2e: {  	[tilespmem:$0x29C0] =	vst v1  }
0x2f: {  	[tilespmem:$0x29D0] =	vst v1  }
0x30: {  	[tilespmem:$0x29E0] =	vst v1  }
0x31: {  	[tilespmem:$0x29F0] =	vst v1  }
0x32: {  	[tilespmem:$0x2A00] =	vst v1  }
0x33: {  	[tilespmem:$0x2A10] =	vst v1  }
0x34: {  	[tilespmem:$0x2A20] =	vst v1  }
0x35: {  	[tilespmem:$0x2A30] =	vst v1  }
0x36: {  	[tilespmem:$0x2A40] =	vst v1  }
0x37: {  	[tilespmem:$0x2A50] =	vst v1  }
0x38: {  	[tilespmem:$0x2A60] =	vst v1  }
0x39: {  	[tilespmem:$0x2A70] =	vst v1  }
0x3a: {  	[tilespmem:$0x2A80] =	vst v1  }
0x3b: {  	[tilespmem:$0x2A90] =	vst v1  }
0x3c: {  	[tilespmem:$0x2AA0] =	vst v1  }
0x3d: {  	[tilespmem:$0x2AB0] =	vst v1  }
0x3e: {  	[tilespmem:$0x2AC0] =	vst v1  }
0x3f: {  	[tilespmem:$0x2AD0] =	vst v1  }
0x40: {  	[tilespmem:$0x2AE0] =	vst v1  }
0x41: {  	[tilespmem:$0x2AF0] =	vst v1  }
0x42: {  	[spmem:s5] =	stream.linear.scatter [tilespmem:s9], [sflag:$0x1], $0x280, $0x38;
	[tilespmem:$0x2D80] =	vst v63  }
0x43: {  	_ =	swait.ge [sflag:s8], $0x280  }
0x44: {  	[sflag:s8] =	ssyncset.done $0x0  }
0x45: {  	[sflag:s8] =	ssyncadd.s32 $0xFFFFFD80  }
0x46: {  	s17 =	simm.s32 $0x0;
	[bflag:$0x0] =	sbarrier.arrive $0xFFFF  }
0x47: {  	[spmem:s2] =	stream.indirect.scatter.add.f32 [tilespmem:s11], [sflag:$0x1], $0x1, s17, s10, $0xb8;
	[tilespmem:$0x2D80] =	vst v63  }
0x48: {  	_ =	swait.ge [sflag:s8], $0x80  }
0x49: {  	s17 =	simm.s32 $0x200;
	[sflag:s8] =	ssyncset.done $0x0  }
.LBB2_2:
0x4a: {  	s18 =	sshra.s32 s17, $0x2;
	[sflag:s8] =	ssyncadd.s32 $0xFFFFFF80;
	p0 =	sne.s32 s17, $0x9E00  }
0x4b: {  	[spmem:s2] =	stream.indirect.scatter.add.f32 [tilespmem:s11], [sflag:$0x1], $0x1, s18, s10, $0xb8;
	[tilespmem:$0x2D80] =	vst v63  }
.Ltmp0:
0x4c: {  	_ = 	snop;
	(pc) =	sbr.rel @p0 .LBB2_2-.Ltmp0, $4  }
0x4d: {  	_ = 	snop  }
0x4e: {  	s17 =	sadd.s32 $0x200, s17  }
0x4f: {  	_ =	swait.ge [sflag:s8], $0x80  }
0x50: {  	[sflag:s8] =	ssyncset.done $0x0  }
0x51: {  	s16 =	sadd.s32 $0x1, s16  }
0x52: {  	[sflag:s8] =	ssyncadd.s32 $0xFFFFFF80;
	p0 =	sne.s32 s16, s7  }
.Ltmp1:
0x53: {  	[bflag:$0x0] =	sbarrier.arrive $0xFFFF;
	(pc) =	sbr.rel @p0 .LBB2_1-.Ltmp1, $4  }
0x54: {  	[hbm:s6@s14], [sflag:s12] =	dma.strided [spmem:s13@s15], $0x50, s8, $0x10   }
0x55: {  	_ =	swait.ge [sflag:s8], $0x50  }
0x56: {  	[sflag:s8] =	ssyncset.done $0x0  }
0x57: {  	[sflag:s8] =	ssyncadd.s32 $0xFFFFFFB0  }
0x58: {  	_ =	sfence.sel $0x180000  }
0x59: {  	[bflag:$0x0] =	sbarrier.arrive $0xFFFF  }
0x5a: {  	p0 =	sne.s32 s1, $0x0;
	_ =	strace $0x90000047  }
0x5b: {  	s0 =	sadd.s32 @!p0 $0x100000, s0;
	[bflag:$0x2] =	sbarrier.arrive $0xFFFF  }
0x5c: {  	[sflag:s0] =	ssyncadd.tile.s32 @!p0 $0x1;
	_ =	shalt  }
.Lfunc_end2:
_tile_overlayer_lowered:
.L_overlay_start_2:
0x5d: {  	(tag) =	ssettag $0x2  }
0x5e: {  	s0 =	rddreg [dreg:$0x0];
	s2 =	stileid.u32  }
0x5f: {  	s1 =	rddreg [dreg:$0x1];
	p0 =	sne.s32 s2, $0x0  }
0x60: {  	s3 =	rddreg [dreg:$0x2];
	[bflag:$0x3] =	sbarrier.arrive $0xFFFF;
	s2 =	simm.s32 @!p0 $0x1C01  }
0x61: {  	[timem:s3], [sflag:s2] =	dma.local @!p0 [hbm:s0], s1  }
0x62: {  	s0 =	simm.s32 @!p0 $0x1  }
0x63: {  	_ =	swait.ge @!p0 [sflag:s0], s1  }
0x64: {  	s1 =	ssub.s32 @!p0 $0x0, s1;
	[sflag:s0] =	ssyncset.done @!p0 $0x0  }
0x65: {  	[sflag:s0] =	ssyncadd.s32 @!p0 s1  }
0x66: {  	[bflag:$0x3] =	sbarrier.arrive $0xFFFF  }
0x67: {  	_ =	shalt  }

</sc_bundles>
